<compile_context>
chip_gen: v7x
topology: tpu7x:2x2x1
jax: 0.10.2.dev20260603
libtpu: 0.0.44.dev20260713+nightly
codegen_flags: <defaults>
</compile_context>

<pallas_src>
import jax
import jax.numpy as jnp
from jax import lax
from jax.experimental import pallas as pl
from jax.experimental.pallas import tpu as pltpu
from jax.experimental.pallas import tpu_sc as plsc

BATCH = 16384
EMB = 32
NUM_CORES = 2
NUM_SUBCORES = 16
NW = NUM_CORES * NUM_SUBCORES
BPW = BATCH // NW
NSLOT = 12
TILE = 128


def _sc_kernel(user_hbm, item_hbm, uT_hbm, vT_hbm, out_hbm,
               uidx_v, vidx_v, cu_s, cv_s, ublk, vblk, outv, sems):
    wid = lax.axis_index("s") * NUM_CORES + lax.axis_index("c")
    base = wid * BPW

    pltpu.sync_copy(user_hbm.at[pl.ds(base, BPW)], uidx_v)
    pltpu.sync_copy(item_hbm.at[pl.ds(base, BPW)], vidx_v)

    lanes = lax.iota(jnp.int32, 16)
    zeros16 = jnp.zeros((16,), jnp.int32)

    def sel(ref, e):
        g = pl.multiple_of((e // 16) * 16, 16)
        vec = ref[pl.ds(g, 16)]
        k = lax.rem(e, 16)
        return lax.reduce_sum(jnp.where(lanes == k, vec, zeros16), axes=(0,))

    def fire(e, slot):
        ru = sel(uidx_v, e)
        rv = sel(vidx_v, e)
        tu = pl.multiple_of((ru // TILE) * TILE, TILE)
        tv = pl.multiple_of((rv // TILE) * TILE, TILE)
        cu_s[e] = ru - tu
        cv_s[e] = rv - tv
        pltpu.async_copy(uT_hbm.at[:, pl.ds(tu, TILE)], ublk.at[slot],
                         sems.at[slot, 0])
        pltpu.async_copy(vT_hbm.at[:, pl.ds(tv, TILE)], vblk.at[slot],
                         sems.at[slot, 1])

    for e in range(NSLOT):
        fire(e, e)

    d_lo = lax.iota(jnp.int32, 16)
    d_hi = d_lo + 16
    lane0 = d_lo == 0

    def one(e):
        slot = lax.rem(e, NSLOT)
        pltpu.make_async_copy(uT_hbm.at[:, pl.ds(0, TILE)], ublk.at[slot],
                              sems.at[slot, 0]).wait()
        pltpu.make_async_copy(vT_hbm.at[:, pl.ds(0, TILE)], vblk.at[slot],
                              sems.at[slot, 1]).wait()
        cu = jnp.full((16,), cu_s[e], jnp.int32)
        cv = jnp.full((16,), cv_s[e], jnp.int32)
        sv = jnp.full((16,), slot, jnp.int32)
        u_lo = plsc.load_gather(ublk, [sv, d_lo, cu])
        u_hi = plsc.load_gather(ublk, [sv, d_hi, cu])
        v_lo = plsc.load_gather(vblk, [sv, d_lo, cv])
        v_hi = plsc.load_gather(vblk, [sv, d_hi, cv])
        prod = u_lo * v_lo + u_hi * v_hi
        s = lax.reduce_sum(prod, axes=(0,))
        plsc.store_scatter(outv, [jnp.full((16,), e, jnp.int32)],
                           jnp.full((16,), s, jnp.float32), mask=lane0)
        nxt = e + NSLOT

        @pl.when(nxt < BPW)
        def _():
            fire(nxt, slot)

    def body(g, carry):
        one(g * 2)
        one(g * 2 + 1)
        return carry

    lax.fori_loop(0, BPW // 2, body, 0)

    pltpu.sync_copy(outv, out_hbm.at[pl.ds(base, BPW)])


@jax.jit
def kernel(user, item, user_emb, item_emb):
    user = user.astype(jnp.int32)
    item = item.astype(jnp.int32)
    mesh = plsc.VectorSubcoreMesh(core_axis_name="c", subcore_axis_name="s")
    run = pl.kernel(
        _sc_kernel,
        out_type=jax.ShapeDtypeStruct((BATCH,), jnp.float32),
        mesh=mesh,
        compiler_params=pltpu.CompilerParams(needs_layout_passes=False),
        scratch_types=[
            pltpu.VMEM((BPW,), jnp.int32),
            pltpu.VMEM((BPW,), jnp.int32),
            pltpu.SMEM((BPW,), jnp.int32),
            pltpu.SMEM((BPW,), jnp.int32),
            pltpu.VMEM((NSLOT, EMB, TILE), jnp.float32),
            pltpu.VMEM((NSLOT, EMB, TILE), jnp.float32),
            pltpu.VMEM((BPW,), jnp.float32),
            pltpu.SemaphoreType.DMA((NSLOT, 2)),
        ],
    )
    return run(user, item, user_emb.T, item_emb.T)

# --- scband reference (transcript-rebuilt; emitter-appended) ---
"""Pipeline reference for scband-collab-filt-model-28784870818525 (READ-ONLY COPY).

The authoritative reference and input builder live on the scoring server;
editing this copy changes nothing except your own understanding.
"""

import jax, jax.numpy as jnp
import numpy as np

NUM_USERS = 1000000
NUM_ITEMS = 1000000
EMB_SIZE = 32
BATCH = 16384

def setup_inputs(seed: int = 0) -> dict:
    key = jax.random.key(seed)
    k1, k2, k3, k4 = jax.random.split(key, 4)
    user = jax.random.randint(k1, (BATCH,), 0, NUM_USERS, dtype=jnp.int64) if jax.config.jax_enable_x64 else jax.random.randint(k1, (BATCH,), 0, NUM_USERS, dtype=jnp.int32)
    item = jax.random.randint(k2, (BATCH,), 0, NUM_ITEMS, dtype=user.dtype)
    user_emb = jax.random.normal(k3, (NUM_USERS, EMB_SIZE), dtype=jnp.float32)
    item_emb = jax.random.normal(k4, (NUM_ITEMS, EMB_SIZE), dtype=jnp.float32)
    return {"user": user, "item": item, "user_emb": user_emb, "item_emb": item_emb}

def reference(user, item, user_emb, item_emb):
    u = jnp.take(user_emb, user, axis=0)
    v = jnp.take(item_emb, item, axis=0)
    return (u * v).sum(axis=1)

if __name__ == "__main__":
    import jax
    _d = setup_inputs()
    print(jax.jit(kernel)(*tuple(_d.values())))

</pallas_src>

<mosaic_0001>
#map = affine_map<(d0, d1) -> (0)>
#map1 = affine_map<(d0, d1) -> (0, 0)>
module attributes {stable_mosaic.version = 14 : i64} {
  func.func @_sc_kernel(%arg0: i32, %arg1: i32, %arg2: memref<16384xi32, #tpu.memory_space<hbm>>, %arg3: memref<16384xi32, #tpu.memory_space<hbm>>, %arg4: memref<32x1000000xf32, #tpu.memory_space<hbm>>, %arg5: memref<32x1000000xf32, #tpu.memory_space<hbm>>, %arg6: memref<16384xf32, #tpu.memory_space<hbm>>, %arg7: memref<512xi32, #tpu.memory_space<vmem>>, %arg8: memref<512xi32, #tpu.memory_space<vmem>>, %arg9: memref<512xi32, #tpu.memory_space<smem>>, %arg10: memref<512xi32, #tpu.memory_space<smem>>, %arg11: memref<12x32x128xf32, #tpu.memory_space<vmem>>, %arg12: memref<12x32x128xf32, #tpu.memory_space<vmem>>, %arg13: memref<512xf32, #tpu.memory_space<vmem>>, %arg14: memref<12x2x!tpu.dma_semaphore, #tpu.memory_space<semaphore_mem>>) attributes {dimension_semantics = [#tpu.dimension_semantics<core_parallel>, #tpu.dimension_semantics<subcore_parallel>], iteration_bounds = array<i64: 2, 16>, scalar_prefetch = 0 : i64, scratch_operands = 8 : i64, tpu.core_type = #tpu.core_type<sc_vector_subcore>, window_params = [{transform_indices = #map}, {transform_indices = #map}, {transform_indices = #map1}, {transform_indices = #map1}, {transform_indices = #map}]} {
    %mul3A = arith.constant 2 : i32
    %mul3A_0 = arith.muli %arg1, %mul3A : i32
    %add3A = arith.addi %mul3A_0, %arg0 : i32
    %mul3A_1 = arith.constant 512 : i32
    %mul3A_2 = arith.muli %add3A, %mul3A_1 : i32
    "tpu.region"() ({
      %run_scoped3A = tpu.sem_alloc : memref<!tpu.dma_semaphore, #tpu.memory_space<semaphore_mem>>
      %dma_start3A_1490 = tpu.memref_slice %arg2[%mul3A_2] : memref<16384xi32, #tpu.memory_space<hbm>> -> memref<512xi32, #tpu.memory_space<hbm>>
      %dma_start3A_1491 = tpu.memref_slice %arg2[%mul3A_2] : memref<16384xi32, #tpu.memory_space<hbm>> -> memref<512xi32, #tpu.memory_space<hbm>>
      tpu.enqueue_dma source(%dma_start3A_1491 : memref<512xi32, #tpu.memory_space<hbm>>) target(%arg7 : memref<512xi32, #tpu.memory_space<vmem>>) target_semaphore(%run_scoped3A : memref<!tpu.dma_semaphore, #tpu.memory_space<semaphore_mem>>)
      %dma_wait3A = tpu.memref_slice %arg2[%mul3A_2] : memref<16384xi32, #tpu.memory_space<hbm>> -> memref<512xi32, #tpu.memory_space<hbm>>
      %dma_wait3A_1492 = tpu.memref_slice %arg2[%mul3A_2] : memref<16384xi32, #tpu.memory_space<hbm>> -> memref<512xi32, #tpu.memory_space<hbm>>
      tpu.wait_dma2 semaphore(%run_scoped3A : memref<!tpu.dma_semaphore, #tpu.memory_space<semaphore_mem>>) src(%dma_wait3A_1492 : memref<512xi32, #tpu.memory_space<hbm>>) dst(%arg7 : memref<512xi32, #tpu.memory_space<vmem>>)
      tpu.yield
    }) : () -> ()
    "tpu.region"() ({
      %run_scoped3A = tpu.sem_alloc : memref<!tpu.dma_semaphore, #tpu.memory_space<semaphore_mem>>
      %dma_start3A_1490 = tpu.memref_slice %arg3[%mul3A_2] : memref<16384xi32, #tpu.memory_space<hbm>> -> memref<512xi32, #tpu.memory_space<hbm>>
      %dma_start3A_1491 = tpu.memref_slice %arg3[%mul3A_2] : memref<16384xi32, #tpu.memory_space<hbm>> -> memref<512xi32, #tpu.memory_space<hbm>>
      tpu.enqueue_dma source(%dma_start3A_1491 : memref<512xi32, #tpu.memory_space<hbm>>) target(%arg8 : memref<512xi32, #tpu.memory_space<vmem>>) target_semaphore(%run_scoped3A : memref<!tpu.dma_semaphore, #tpu.memory_space<semaphore_mem>>)
      %dma_wait3A = tpu.memref_slice %arg3[%mul3A_2] : memref<16384xi32, #tpu.memory_space<hbm>> -> memref<512xi32, #tpu.memory_space<hbm>>
      %dma_wait3A_1492 = tpu.memref_slice %arg3[%mul3A_2] : memref<16384xi32, #tpu.memory_space<hbm>> -> memref<512xi32, #tpu.memory_space<hbm>>
      tpu.wait_dma2 semaphore(%run_scoped3A : memref<!tpu.dma_semaphore, #tpu.memory_space<semaphore_mem>>) src(%dma_wait3A_1492 : memref<512xi32, #tpu.memory_space<hbm>>) dst(%arg8 : memref<512xi32, #tpu.memory_space<vmem>>)
      tpu.yield
    }) : () -> ()
    %iota3A = tpu.iota {dimensions = array<i32: 0>} : vector<16xi32>
    %broadcast_in_dim3A = arith.constant 0 : i32
    %broadcast_in_dim3A_3 = vector.broadcast %broadcast_in_dim3A : i32 to vector<16xi32>
    %multiple_of3A = arith.constant 0 : i32
    %multiple_of3A_4 = tpu.assume_multiple %multiple_of3A, 16 : i32
    %get3A = arith.index_cast %multiple_of3A_4 : i32 to index
    %get3A_5 = tpu.vector_load %arg7[%get3A] {strides = array<i32>} : memref<512xi32, #tpu.memory_space<vmem>>, vector<16xi32>,
    %rem3A = arith.constant 0 : i32
    %rem3A_6 = arith.constant 16 : i32
    %rem3A_7 = arith.remsi %rem3A, %rem3A_6 : i32
    %eq3A = vector.broadcast %rem3A_7 : i32 to vector<16xi32>
    %eq3A_8 = arith.cmpi eq, %iota3A, %eq3A : vector<16xi32>
    %select_n3A = arith.select %eq3A_8, %get3A_5, %broadcast_in_dim3A_3 : vector<16xi1>, vector<16xi32>
    %reduce_sum3A = arith.constant true
    %reduce_sum3A_9 = vector.broadcast %reduce_sum3A : i1 to vector<16xi1>
    %reduce_sum3A_10 = tpu.scan <sum>, %select_n3A masked %reduce_sum3A_9 : vector<16xi32>, vector<16xi1> -> vector<16xi32>
    %reduce_sum3A_11 = vector.extract %reduce_sum3A_10[15] : i32 from vector<16xi32>
    %multiple_of3A_12 = arith.constant 0 : i32
    %multiple_of3A_13 = tpu.assume_multiple %multiple_of3A_12, 16 : i32
    %get3A_14 = arith.index_cast %multiple_of3A_13 : i32 to index
    %get3A_15 = tpu.vector_load %arg8[%get3A_14] {strides = array<i32>} : memref<512xi32, #tpu.memory_space<vmem>>, vector<16xi32>,
    %rem3A_16 = arith.constant 0 : i32
    %rem3A_17 = arith.constant 16 : i32
    %rem3A_18 = arith.remsi %rem3A_16, %rem3A_17 : i32
    %eq3A_19 = vector.broadcast %rem3A_18 : i32 to vector<16xi32>
    %eq3A_20 = arith.cmpi eq, %iota3A, %eq3A_19 : vector<16xi32>
    %select_n3A_21 = arith.select %eq3A_20, %get3A_15, %broadcast_in_dim3A_3 : vector<16xi1>, vector<16xi32>
    %reduce_sum3A_22 = arith.constant true
    %reduce_sum3A_23 = vector.broadcast %reduce_sum3A_22 : i1 to vector<16xi1>
    %reduce_sum3A_24 = tpu.scan <sum>, %select_n3A_21 masked %reduce_sum3A_23 : vector<16xi32>, vector<16xi1> -> vector<16xi32>
    %reduce_sum3A_25 = vector.extract %reduce_sum3A_24[15] : i32 from vector<16xi32>
    %jit3A = arith.constant 128 : i32
    %div3A = arith.divsi %reduce_sum3A_11, %jit3A : i32
    %sign3A = arith.constant 0 : i32
    %sign3A_26 = arith.cmpi sgt, %reduce_sum3A_11, %sign3A : i32
    %sign3A_27 = arith.extui %sign3A_26 : i1 to i32
    %sign3A_28 = arith.constant 0 : i32
    %sign3A_29 = arith.cmpi slt, %reduce_sum3A_11, %sign3A_28 : i32
    %sign3A_30 = arith.extui %sign3A_29 : i1 to i32
    %sign3A_31 = arith.subi %sign3A_27, %sign3A_30 : i32
    %sign3A_32 = arith.constant 0 : i32
    %sign3A_33 = arith.cmpi sgt, %jit3A, %sign3A_32 : i32
    %sign3A_34 = arith.extui %sign3A_33 : i1 to i32
    %sign3A_35 = arith.constant 0 : i32
    %sign3A_36 = arith.cmpi slt, %jit3A, %sign3A_35 : i32
    %sign3A_37 = arith.extui %sign3A_36 : i1 to i32
    %sign3A_38 = arith.subi %sign3A_34, %sign3A_37 : i32
    %ne3A = arith.cmpi ne, %sign3A_31, %sign3A_38 : i32
    %rem3A_39 = arith.remsi %reduce_sum3A_11, %jit3A : i32
    %ne3A_40 = arith.constant 0 : i32
    %ne3A_41 = arith.cmpi ne, %rem3A_39, %ne3A_40 : i32
    %and3A = arith.andi %ne3A, %ne3A_41 : i1
    %sub3A = arith.constant 1 : i32
    %sub3A_42 = arith.subi %div3A, %sub3A : i32
    %select_n3A_43 = arith.select %and3A, %sub3A_42, %div3A : i32
    %mul3A_44 = arith.constant 128 : i32
    %mul3A_45 = arith.muli %select_n3A_43, %mul3A_44 : i32
    %multiple_of3A_46 = tpu.assume_multiple %mul3A_45, 128 : i32
    %jit3A_47 = arith.constant 128 : i32
    %div3A_48 = arith.divsi %reduce_sum3A_25, %jit3A_47 : i32
    %sign3A_49 = arith.constant 0 : i32
    %sign3A_50 = arith.cmpi sgt, %reduce_sum3A_25, %sign3A_49 : i32
    %sign3A_51 = arith.extui %sign3A_50 : i1 to i32
    %sign3A_52 = arith.constant 0 : i32
    %sign3A_53 = arith.cmpi slt, %reduce_sum3A_25, %sign3A_52 : i32
    %sign3A_54 = arith.extui %sign3A_53 : i1 to i32
    %sign3A_55 = arith.subi %sign3A_51, %sign3A_54 : i32
    %sign3A_56 = arith.constant 0 : i32
    %sign3A_57 = arith.cmpi sgt, %jit3A_47, %sign3A_56 : i32
    %sign3A_58 = arith.extui %sign3A_57 : i1 to i32
    %sign3A_59 = arith.constant 0 : i32
    %sign3A_60 = arith.cmpi slt, %jit3A_47, %sign3A_59 : i32
    %sign3A_61 = arith.extui %sign3A_60 : i1 to i32
    %sign3A_62 = arith.subi %sign3A_58, %sign3A_61 : i32
    %ne3A_63 = arith.cmpi ne, %sign3A_55, %sign3A_62 : i32
    %rem3A_64 = arith.remsi %reduce_sum3A_25, %jit3A_47 : i32
    %ne3A_65 = arith.constant 0 : i32
    %ne3A_66 = arith.cmpi ne, %rem3A_64, %ne3A_65 : i32
    %and3A_67 = arith.andi %ne3A_63, %ne3A_66 : i1
    %sub3A_68 = arith.constant 1 : i32
    %sub3A_69 = arith.subi %div3A_48, %sub3A_68 : i32
    %select_n3A_70 = arith.select %and3A_67, %sub3A_69, %div3A_48 : i32
    %mul3A_71 = arith.constant 128 : i32
    %mul3A_72 = arith.muli %select_n3A_70, %mul3A_71 : i32
    %multiple_of3A_73 = tpu.assume_multiple %mul3A_72, 128 : i32
    %sub3A_74 = arith.subi %reduce_sum3A_11, %multiple_of3A_46 : i32
    %swap3A = arith.constant 0 : i32
    %swap3A_75 = arith.index_cast %swap3A : i32 to index
    %swap3A_76 = memref.load %arg9[%swap3A_75] : memref<512xi32, #tpu.memory_space<smem>>
    memref.store %sub3A_74, %arg9[%swap3A_75] : memref<512xi32, #tpu.memory_space<smem>>
    %sub3A_77 = arith.subi %reduce_sum3A_25, %multiple_of3A_73 : i32
    %swap3A_78 = arith.constant 0 : i32
    %swap3A_79 = arith.index_cast %swap3A_78 : i32 to index
    %swap3A_80 = memref.load %arg10[%swap3A_79] : memref<512xi32, #tpu.memory_space<smem>>
    memref.store %sub3A_77, %arg10[%swap3A_79] : memref<512xi32, #tpu.memory_space<smem>>
    %dma_start3A = arith.constant 0 : i32
    %dma_start3A_81 = arith.constant 0 : i32
    %dma_start3A_82 = arith.constant 0 : i32
    %dma_start3A_83 = arith.constant 0 : i32
    %dma_start3A_84 = arith.constant 0 : i32
    %dma_start3A_85 = tpu.memref_slice %arg11[%dma_start3A, %dma_start3A_83, %dma_start3A_84] : memref<12x32x128xf32, #tpu.memory_space<vmem>> -> memref<1x32x128xf32, #tpu.memory_space<vmem>>
    %dma_start3A_86 = tpu.memref_squeeze %dma_start3A_85 : memref<1x32x128xf32, #tpu.memory_space<vmem>> -> memref<32x128xf32, #tpu.memory_space<vmem>>
    %dma_start3A_87 = arith.constant 0 : i32
    %dma_start3A_88 = tpu.memref_slice %arg4[%dma_start3A_87, %multiple_of3A_46] : memref<32x1000000xf32, #tpu.memory_space<hbm>> -> memref<32x128xf32, #tpu.memory_space<hbm>>
    %dma_start3A_89 = tpu.memref_slice %arg14[%dma_start3A_81, %dma_start3A_82] : memref<12x2x!tpu.dma_semaphore, #tpu.memory_space<semaphore_mem>> -> memref<1x1x!tpu.dma_semaphore, #tpu.memory_space<semaphore_mem>>
    %dma_start3A_90 = tpu.memref_squeeze %dma_start3A_89 : memref<1x1x!tpu.dma_semaphore, #tpu.memory_space<semaphore_mem>> -> memref<!tpu.dma_semaphore, #tpu.memory_space<semaphore_mem>>
    %dma_start3A_91 = arith.constant 0 : i32
    %dma_start3A_92 = arith.constant 0 : i32
    %dma_start3A_93 = tpu.memref_slice %arg11[%dma_start3A, %dma_start3A_91, %dma_start3A_92] : memref<12x32x128xf32, #tpu.memory_space<vmem>> -> memref<1x32x128xf32, #tpu.memory_space<vmem>>
    %dma_start3A_94 = tpu.memref_squeeze %dma_start3A_93 : memref<1x32x128xf32, #tpu.memory_space<vmem>> -> memref<32x128xf32, #tpu.memory_space<vmem>>
    %dma_start3A_95 = arith.constant 0 : i32
    %dma_start3A_96 = tpu.memref_slice %arg4[%dma_start3A_95, %multiple_of3A_46] : memref<32x1000000xf32, #tpu.memory_space<hbm>> -> memref<32x128xf32, #tpu.memory_space<hbm>>
    tpu.enqueue_dma source(%dma_start3A_96 : memref<32x128xf32, #tpu.memory_space<hbm>>) target(%dma_start3A_94 : memref<32x128xf32, #tpu.memory_space<vmem>>) target_semaphore(%dma_start3A_90 : memref<!tpu.dma_semaphore, #tpu.memory_space<semaphore_mem>>)
    %dma_start3A_97 = arith.constant 0 : i32
    %dma_start3A_98 = arith.constant 0 : i32
    %dma_start3A_99 = arith.constant 1 : i32
    %dma_start3A_100 = arith.constant 0 : i32
    %dma_start3A_101 = arith.constant 0 : i32
    %dma_start3A_102 = tpu.memref_slice %arg12[%dma_start3A_97, %dma_start3A_100, %dma_start3A_101] : memref<12x32x128xf32, #tpu.memory_space<vmem>> -> memref<1x32x128xf32, #tpu.memory_space<vmem>>
    %dma_start3A_103 = tpu.memref_squeeze %dma_start3A_102 : memref<1x32x128xf32, #tpu.memory_space<vmem>> -> memref<32x128xf32, #tpu.memory_space<vmem>>
    %dma_start3A_104 = arith.constant 0 : i32
    %dma_start3A_105 = tpu.memref_slice %arg5[%dma_start3A_104, %multiple_of3A_73] : memref<32x1000000xf32, #tpu.memory_space<hbm>> -> memref<32x128xf32, #tpu.memory_space<hbm>>
    %dma_start3A_106 = tpu.memref_slice %arg14[%dma_start3A_98, %dma_start3A_99] : memref<12x2x!tpu.dma_semaphore, #tpu.memory_space<semaphore_mem>> -> memref<1x1x!tpu.dma_semaphore, #tpu.memory_space<semaphore_mem>>
    %dma_start3A_107 = tpu.memref_squeeze %dma_start3A_106 : memref<1x1x!tpu.dma_semaphore, #tpu.memory_space<semaphore_mem>> -> memref<!tpu.dma_semaphore, #tpu.memory_space<semaphore_mem>>
    %dma_start3A_108 = arith.constant 0 : i32
    %dma_start3A_109 = arith.constant 0 : i32
    %dma_start3A_110 = tpu.memref_slice %arg12[%dma_start3A_97, %dma_start3A_108, %dma_start3A_109] : memref<12x32x128xf32, #tpu.memory_space<vmem>> -> memref<1x32x128xf32, #tpu.memory_space<vmem>>
    %dma_start3A_111 = tpu.memref_squeeze %dma_start3A_110 : memref<1x32x128xf32, #tpu.memory_space<vmem>> -> memref<32x128xf32, #tpu.memory_space<vmem>>
    %dma_start3A_112 = arith.constant 0 : i32
    %dma_start3A_113 = tpu.memref_slice %arg5[%dma_start3A_112, %multiple_of3A_73] : memref<32x1000000xf32, #tpu.memory_space<hbm>> -> memref<32x128xf32, #tpu.memory_space<hbm>>
    tpu.enqueue_dma source(%dma_start3A_113 : memref<32x128xf32, #tpu.memory_space<hbm>>) target(%dma_start3A_111 : memref<32x128xf32, #tpu.memory_space<vmem>>) target_semaphore(%dma_start3A_107 : memref<!tpu.dma_semaphore, #tpu.memory_space<semaphore_mem>>)
    %multiple_of3A_114 = arith.constant 0 : i32
    %multiple_of3A_115 = tpu.assume_multiple %multiple_of3A_114, 16 : i32
    %get3A_116 = arith.index_cast %multiple_of3A_115 : i32 to index
    %get3A_117 = tpu.vector_load %arg7[%get3A_116] {strides = array<i32>} : memref<512xi32, #tpu.memory_space<vmem>>, vector<16xi32>,
    %rem3A_118 = arith.constant 1 : i32
    %rem3A_119 = arith.constant 16 : i32
    %rem3A_120 = arith.remsi %rem3A_118, %rem3A_119 : i32
    %eq3A_121 = vector.broadcast %rem3A_120 : i32 to vector<16xi32>
    %eq3A_122 = arith.cmpi eq, %iota3A, %eq3A_121 : vector<16xi32>
    %select_n3A_123 = arith.select %eq3A_122, %get3A_117, %broadcast_in_dim3A_3 : vector<16xi1>, vector<16xi32>
    %reduce_sum3A_124 = arith.constant true
    %reduce_sum3A_125 = vector.broadcast %reduce_sum3A_124 : i1 to vector<16xi1>
    %reduce_sum3A_126 = tpu.scan <sum>, %select_n3A_123 masked %reduce_sum3A_125 : vector<16xi32>, vector<16xi1> -> vector<16xi32>
    %reduce_sum3A_127 = vector.extract %reduce_sum3A_126[15] : i32 from vector<16xi32>
    %multiple_of3A_128 = arith.constant 0 : i32
    %multiple_of3A_129 = tpu.assume_multiple %multiple_of3A_128, 16 : i32
    %get3A_130 = arith.index_cast %multiple_of3A_129 : i32 to index
    %get3A_131 = tpu.vector_load %arg8[%get3A_130] {strides = array<i32>} : memref<512xi32, #tpu.memory_space<vmem>>, vector<16xi32>,
    %rem3A_132 = arith.constant 1 : i32
    %rem3A_133 = arith.constant 16 : i32
    %rem3A_134 = arith.remsi %rem3A_132, %rem3A_133 : i32
    %eq3A_135 = vector.broadcast %rem3A_134 : i32 to vector<16xi32>
    %eq3A_136 = arith.cmpi eq, %iota3A, %eq3A_135 : vector<16xi32>
    %select_n3A_137 = arith.select %eq3A_136, %get3A_131, %broadcast_in_dim3A_3 : vector<16xi1>, vector<16xi32>
    %reduce_sum3A_138 = arith.constant true
    %reduce_sum3A_139 = vector.broadcast %reduce_sum3A_138 : i1 to vector<16xi1>
    %reduce_sum3A_140 = tpu.scan <sum>, %select_n3A_137 masked %reduce_sum3A_139 : vector<16xi32>, vector<16xi1> -> vector<16xi32>
    %reduce_sum3A_141 = vector.extract %reduce_sum3A_140[15] : i32 from vector<16xi32>
    %jit3A_142 = arith.constant 128 : i32
    %div3A_143 = arith.divsi %reduce_sum3A_127, %jit3A_142 : i32
    %sign3A_144 = arith.constant 0 : i32
    %sign3A_145 = arith.cmpi sgt, %reduce_sum3A_127, %sign3A_144 : i32
    %sign3A_146 = arith.extui %sign3A_145 : i1 to i32
    %sign3A_147 = arith.constant 0 : i32
    %sign3A_148 = arith.cmpi slt, %reduce_sum3A_127, %sign3A_147 : i32
    %sign3A_149 = arith.extui %sign3A_148 : i1 to i32
    %sign3A_150 = arith.subi %sign3A_146, %sign3A_149 : i32
    %sign3A_151 = arith.constant 0 : i32
    %sign3A_152 = arith.cmpi sgt, %jit3A_142, %sign3A_151 : i32
    %sign3A_153 = arith.extui %sign3A_152 : i1 to i32
    %sign3A_154 = arith.constant 0 : i32
    %sign3A_155 = arith.cmpi slt, %jit3A_142, %sign3A_154 : i32
    %sign3A_156 = arith.extui %sign3A_155 : i1 to i32
    %sign3A_157 = arith.subi %sign3A_153, %sign3A_156 : i32
    %ne3A_158 = arith.cmpi ne, %sign3A_150, %sign3A_157 : i32
    %rem3A_159 = arith.remsi %reduce_sum3A_127, %jit3A_142 : i32
    %ne3A_160 = arith.constant 0 : i32
    %ne3A_161 = arith.cmpi ne, %rem3A_159, %ne3A_160 : i32
    %and3A_162 = arith.andi %ne3A_158, %ne3A_161 : i1
    %sub3A_163 = arith.constant 1 : i32
    %sub3A_164 = arith.subi %div3A_143, %sub3A_163 : i32
    %select_n3A_165 = arith.select %and3A_162, %sub3A_164, %div3A_143 : i32
    %mul3A_166 = arith.constant 128 : i32
    %mul3A_167 = arith.muli %select_n3A_165, %mul3A_166 : i32
    %multiple_of3A_168 = tpu.assume_multiple %mul3A_167, 128 : i32
    %jit3A_169 = arith.constant 128 : i32
    %div3A_170 = arith.divsi %reduce_sum3A_141, %jit3A_169 : i32
    %sign3A_171 = arith.constant 0 : i32
    %sign3A_172 = arith.cmpi sgt, %reduce_sum3A_141, %sign3A_171 : i32
    %sign3A_173 = arith.extui %sign3A_172 : i1 to i32
    %sign3A_174 = arith.constant 0 : i32
    %sign3A_175 = arith.cmpi slt, %reduce_sum3A_141, %sign3A_174 : i32
    %sign3A_176 = arith.extui %sign3A_175 : i1 to i32
    %sign3A_177 = arith.subi %sign3A_173, %sign3A_176 : i32
    %sign3A_178 = arith.constant 0 : i32
    %sign3A_179 = arith.cmpi sgt, %jit3A_169, %sign3A_178 : i32
    %sign3A_180 = arith.extui %sign3A_179 : i1 to i32
    %sign3A_181 = arith.constant 0 : i32
    %sign3A_182 = arith.cmpi slt, %jit3A_169, %sign3A_181 : i32
    %sign3A_183 = arith.extui %sign3A_182 : i1 to i32
    %sign3A_184 = arith.subi %sign3A_180, %sign3A_183 : i32
    %ne3A_185 = arith.cmpi ne, %sign3A_177, %sign3A_184 : i32
    %rem3A_186 = arith.remsi %reduce_sum3A_141, %jit3A_169 : i32
    %ne3A_187 = arith.constant 0 : i32
    %ne3A_188 = arith.cmpi ne, %rem3A_186, %ne3A_187 : i32
    %and3A_189 = arith.andi %ne3A_185, %ne3A_188 : i1
    %sub3A_190 = arith.constant 1 : i32
    %sub3A_191 = arith.subi %div3A_170, %sub3A_190 : i32
    %select_n3A_192 = arith.select %and3A_189, %sub3A_191, %div3A_170 : i32
    %mul3A_193 = arith.constant 128 : i32
    %mul3A_194 = arith.muli %select_n3A_192, %mul3A_193 : i32
    %multiple_of3A_195 = tpu.assume_multiple %mul3A_194, 128 : i32
    %sub3A_196 = arith.subi %reduce_sum3A_127, %multiple_of3A_168 : i32
    %swap3A_197 = arith.constant 1 : i32
    %swap3A_198 = arith.index_cast %swap3A_197 : i32 to index
    %swap3A_199 = memref.load %arg9[%swap3A_198] : memref<512xi32, #tpu.memory_space<smem>>
    memref.store %sub3A_196, %arg9[%swap3A_198] : memref<512xi32, #tpu.memory_space<smem>>
    %sub3A_200 = arith.subi %reduce_sum3A_141, %multiple_of3A_195 : i32
    %swap3A_201 = arith.constant 1 : i32
    %swap3A_202 = arith.index_cast %swap3A_201 : i32 to index
    %swap3A_203 = memref.load %arg10[%swap3A_202] : memref<512xi32, #tpu.memory_space<smem>>
    memref.store %sub3A_200, %arg10[%swap3A_202] : memref<512xi32, #tpu.memory_space<smem>>
    %dma_start3A_204 = arith.constant 1 : i32
    %dma_start3A_205 = arith.constant 1 : i32
    %dma_start3A_206 = arith.constant 0 : i32
    %dma_start3A_207 = arith.constant 0 : i32
    %dma_start3A_208 = arith.constant 0 : i32
    %dma_start3A_209 = tpu.memref_slice %arg11[%dma_start3A_204, %dma_start3A_207, %dma_start3A_208] : memref<12x32x128xf32, #tpu.memory_space<vmem>> -> memref<1x32x128xf32, #tpu.memory_space<vmem>>
    %dma_start3A_210 = tpu.memref_squeeze %dma_start3A_209 : memref<1x32x128xf32, #tpu.memory_space<vmem>> -> memref<32x128xf32, #tpu.memory_space<vmem>>
    %dma_start3A_211 = arith.constant 0 : i32
    %dma_start3A_212 = tpu.memref_slice %arg4[%dma_start3A_211, %multiple_of3A_168] : memref<32x1000000xf32, #tpu.memory_space<hbm>> -> memref<32x128xf32, #tpu.memory_space<hbm>>
    %dma_start3A_213 = tpu.memref_slice %arg14[%dma_start3A_205, %dma_start3A_206] : memref<12x2x!tpu.dma_semaphore, #tpu.memory_space<semaphore_mem>> -> memref<1x1x!tpu.dma_semaphore, #tpu.memory_space<semaphore_mem>>
    %dma_start3A_214 = tpu.memref_squeeze %dma_start3A_213 : memref<1x1x!tpu.dma_semaphore, #tpu.memory_space<semaphore_mem>> -> memref<!tpu.dma_semaphore, #tpu.memory_space<semaphore_mem>>
    %dma_start3A_215 = arith.constant 0 : i32
    %dma_start3A_216 = arith.constant 0 : i32
    %dma_start3A_217 = tpu.memref_slice %arg11[%dma_start3A_204, %dma_start3A_215, %dma_start3A_216] : memref<12x32x128xf32, #tpu.memory_space<vmem>> -> memref<1x32x128xf32, #tpu.memory_space<vmem>>
    %dma_start3A_218 = tpu.memref_squeeze %dma_start3A_217 : memref<1x32x128xf32, #tpu.memory_space<vmem>> -> memref<32x128xf32, #tpu.memory_space<vmem>>
    %dma_start3A_219 = arith.constant 0 : i32
    %dma_start3A_220 = tpu.memref_slice %arg4[%dma_start3A_219, %multiple_of3A_168] : memref<32x1000000xf32, #tpu.memory_space<hbm>> -> memref<32x128xf32, #tpu.memory_space<hbm>>
    tpu.enqueue_dma source(%dma_start3A_220 : memref<32x128xf32, #tpu.memory_space<hbm>>) target(%dma_start3A_218 : memref<32x128xf32, #tpu.memory_space<vmem>>) target_semaphore(%dma_start3A_214 : memref<!tpu.dma_semaphore, #tpu.memory_space<semaphore_mem>>)
    %dma_start3A_221 = arith.constant 1 : i32
    %dma_start3A_222 = arith.constant 1 : i32
    %dma_start3A_223 = arith.constant 1 : i32
    %dma_start3A_224 = arith.constant 0 : i32
    %dma_start3A_225 = arith.constant 0 : i32
    %dma_start3A_226 = tpu.memref_slice %arg12[%dma_start3A_221, %dma_start3A_224, %dma_start3A_225] : memref<12x32x128xf32, #tpu.memory_space<vmem>> -> memref<1x32x128xf32, #tpu.memory_space<vmem>>
    %dma_start3A_227 = tpu.memref_squeeze %dma_start3A_226 : memref<1x32x128xf32, #tpu.memory_space<vmem>> -> memref<32x128xf32, #tpu.memory_space<vmem>>
    %dma_start3A_228 = arith.constant 0 : i32
    %dma_start3A_229 = tpu.memref_slice %arg5[%dma_start3A_228, %multiple_of3A_195] : memref<32x1000000xf32, #tpu.memory_space<hbm>> -> memref<32x128xf32, #tpu.memory_space<hbm>>
    %dma_start3A_230 = tpu.memref_slice %arg14[%dma_start3A_222, %dma_start3A_223] : memref<12x2x!tpu.dma_semaphore, #tpu.memory_space<semaphore_mem>> -> memref<1x1x!tpu.dma_semaphore, #tpu.memory_space<semaphore_mem>>
    %dma_start3A_231 = tpu.memref_squeeze %dma_start3A_230 : memref<1x1x!tpu.dma_semaphore, #tpu.memory_space<semaphore_mem>> -> memref<!tpu.dma_semaphore, #tpu.memory_space<semaphore_mem>>
    %dma_start3A_232 = arith.constant 0 : i32
    %dma_start3A_233 = arith.constant 0 : i32
    %dma_start3A_234 = tpu.memref_slice %arg12[%dma_start3A_221, %dma_start3A_232, %dma_start3A_233] : memref<12x32x128xf32, #tpu.memory_space<vmem>> -> memref<1x32x128xf32, #tpu.memory_space<vmem>>
    %dma_start3A_235 = tpu.memref_squeeze %dma_start3A_234 : memref<1x32x128xf32, #tpu.memory_space<vmem>> -> memref<32x128xf32, #tpu.memory_space<vmem>>
    %dma_start3A_236 = arith.constant 0 : i32
    %dma_start3A_237 = tpu.memref_slice %arg5[%dma_start3A_236, %multiple_of3A_195] : memref<32x1000000xf32, #tpu.memory_space<hbm>> -> memref<32x128xf32, #tpu.memory_space<hbm>>
    tpu.enqueue_dma source(%dma_start3A_237 : memref<32x128xf32, #tpu.memory_space<hbm>>) target(%dma_start3A_235 : memref<32x128xf32, #tpu.memory_space<vmem>>) target_semaphore(%dma_start3A_231 : memref<!tpu.dma_semaphore, #tpu.memory_space<semaphore_mem>>)
    %multiple_of3A_238 = arith.constant 0 : i32
    %multiple_of3A_239 = tpu.assume_multiple %multiple_of3A_238, 16 : i32
    %get3A_240 = arith.index_cast %multiple_of3A_239 : i32 to index
    %get3A_241 = tpu.vector_load %arg7[%get3A_240] {strides = array<i32>} : memref<512xi32, #tpu.memory_space<vmem>>, vector<16xi32>,
    %rem3A_242 = arith.constant 2 : i32
    %rem3A_243 = arith.constant 16 : i32
    %rem3A_244 = arith.remsi %rem3A_242, %rem3A_243 : i32
    %eq3A_245 = vector.broadcast %rem3A_244 : i32 to vector<16xi32>
    %eq3A_246 = arith.cmpi eq, %iota3A, %eq3A_245 : vector<16xi32>
    %select_n3A_247 = arith.select %eq3A_246, %get3A_241, %broadcast_in_dim3A_3 : vector<16xi1>, vector<16xi32>
    %reduce_sum3A_248 = arith.constant true
    %reduce_sum3A_249 = vector.broadcast %reduce_sum3A_248 : i1 to vector<16xi1>
    %reduce_sum3A_250 = tpu.scan <sum>, %select_n3A_247 masked %reduce_sum3A_249 : vector<16xi32>, vector<16xi1> -> vector<16xi32>
    %reduce_sum3A_251 = vector.extract %reduce_sum3A_250[15] : i32 from vector<16xi32>
    %multiple_of3A_252 = arith.constant 0 : i32
    %multiple_of3A_253 = tpu.assume_multiple %multiple_of3A_252, 16 : i32
    %get3A_254 = arith.index_cast %multiple_of3A_253 : i32 to index
    %get3A_255 = tpu.vector_load %arg8[%get3A_254] {strides = array<i32>} : memref<512xi32, #tpu.memory_space<vmem>>, vector<16xi32>,
    %rem3A_256 = arith.constant 2 : i32
    %rem3A_257 = arith.constant 16 : i32
    %rem3A_258 = arith.remsi %rem3A_256, %rem3A_257 : i32
    %eq3A_259 = vector.broadcast %rem3A_258 : i32 to vector<16xi32>
    %eq3A_260 = arith.cmpi eq, %iota3A, %eq3A_259 : vector<16xi32>
    %select_n3A_261 = arith.select %eq3A_260, %get3A_255, %broadcast_in_dim3A_3 : vector<16xi1>, vector<16xi32>
    %reduce_sum3A_262 = arith.constant true
    %reduce_sum3A_263 = vector.broadcast %reduce_sum3A_262 : i1 to vector<16xi1>
    %reduce_sum3A_264 = tpu.scan <sum>, %select_n3A_261 masked %reduce_sum3A_263 : vector<16xi32>, vector<16xi1> -> vector<16xi32>
    %reduce_sum3A_265 = vector.extract %reduce_sum3A_264[15] : i32 from vector<16xi32>
    %jit3A_266 = arith.constant 128 : i32
    %div3A_267 = arith.divsi %reduce_sum3A_251, %jit3A_266 : i32
    %sign3A_268 = arith.constant 0 : i32
    %sign3A_269 = arith.cmpi sgt, %reduce_sum3A_251, %sign3A_268 : i32
    %sign3A_270 = arith.extui %sign3A_269 : i1 to i32
    %sign3A_271 = arith.constant 0 : i32
    %sign3A_272 = arith.cmpi slt, %reduce_sum3A_251, %sign3A_271 : i32
    %sign3A_273 = arith.extui %sign3A_272 : i1 to i32
    %sign3A_274 = arith.subi %sign3A_270, %sign3A_273 : i32
    %sign3A_275 = arith.constant 0 : i32
    %sign3A_276 = arith.cmpi sgt, %jit3A_266, %sign3A_275 : i32
    %sign3A_277 = arith.extui %sign3A_276 : i1 to i32
    %sign3A_278 = arith.constant 0 : i32
    %sign3A_279 = arith.cmpi slt, %jit3A_266, %sign3A_278 : i32
    %sign3A_280 = arith.extui %sign3A_279 : i1 to i32
    %sign3A_281 = arith.subi %sign3A_277, %sign3A_280 : i32
    %ne3A_282 = arith.cmpi ne, %sign3A_274, %sign3A_281 : i32
    %rem3A_283 = arith.remsi %reduce_sum3A_251, %jit3A_266 : i32
    %ne3A_284 = arith.constant 0 : i32
    %ne3A_285 = arith.cmpi ne, %rem3A_283, %ne3A_284 : i32
    %and3A_286 = arith.andi %ne3A_282, %ne3A_285 : i1
    %sub3A_287 = arith.constant 1 : i32
    %sub3A_288 = arith.subi %div3A_267, %sub3A_287 : i32
    %select_n3A_289 = arith.select %and3A_286, %sub3A_288, %div3A_267 : i32
    %mul3A_290 = arith.constant 128 : i32
    %mul3A_291 = arith.muli %select_n3A_289, %mul3A_290 : i32
    %multiple_of3A_292 = tpu.assume_multiple %mul3A_291, 128 : i32
    %jit3A_293 = arith.constant 128 : i32
    %div3A_294 = arith.divsi %reduce_sum3A_265, %jit3A_293 : i32
    %sign3A_295 = arith.constant 0 : i32
    %sign3A_296 = arith.cmpi sgt, %reduce_sum3A_265, %sign3A_295 : i32
    %sign3A_297 = arith.extui %sign3A_296 : i1 to i32
    %sign3A_298 = arith.constant 0 : i32
    %sign3A_299 = arith.cmpi slt, %reduce_sum3A_265, %sign3A_298 : i32
    %sign3A_300 = arith.extui %sign3A_299 : i1 to i32
    %sign3A_301 = arith.subi %sign3A_297, %sign3A_300 : i32
    %sign3A_302 = arith.constant 0 : i32
    %sign3A_303 = arith.cmpi sgt, %jit3A_293, %sign3A_302 : i32
    %sign3A_304 = arith.extui %sign3A_303 : i1 to i32
    %sign3A_305 = arith.constant 0 : i32
    %sign3A_306 = arith.cmpi slt, %jit3A_293, %sign3A_305 : i32
    %sign3A_307 = arith.extui %sign3A_306 : i1 to i32
    %sign3A_308 = arith.subi %sign3A_304, %sign3A_307 : i32
    %ne3A_309 = arith.cmpi ne, %sign3A_301, %sign3A_308 : i32
    %rem3A_310 = arith.remsi %reduce_sum3A_265, %jit3A_293 : i32
    %ne3A_311 = arith.constant 0 : i32
    %ne3A_312 = arith.cmpi ne, %rem3A_310, %ne3A_311 : i32
    %and3A_313 = arith.andi %ne3A_309, %ne3A_312 : i1
    %sub3A_314 = arith.constant 1 : i32
    %sub3A_315 = arith.subi %div3A_294, %sub3A_314 : i32
    %select_n3A_316 = arith.select %and3A_313, %sub3A_315, %div3A_294 : i32
    %mul3A_317 = arith.constant 128 : i32
    %mul3A_318 = arith.muli %select_n3A_316, %mul3A_317 : i32
    %multiple_of3A_319 = tpu.assume_multiple %mul3A_318, 128 : i32
    %sub3A_320 = arith.subi %reduce_sum3A_251, %multiple_of3A_292 : i32
    %swap3A_321 = arith.constant 2 : i32
    %swap3A_322 = arith.index_cast %swap3A_321 : i32 to index
    %swap3A_323 = memref.load %arg9[%swap3A_322] : memref<512xi32, #tpu.memory_space<smem>>
    memref.store %sub3A_320, %arg9[%swap3A_322] : memref<512xi32, #tpu.memory_space<smem>>
    %sub3A_324 = arith.subi %reduce_sum3A_265, %multiple_of3A_319 : i32
    %swap3A_325 = arith.constant 2 : i32
    %swap3A_326 = arith.index_cast %swap3A_325 : i32 to index
    %swap3A_327 = memref.load %arg10[%swap3A_326] : memref<512xi32, #tpu.memory_space<smem>>
    memref.store %sub3A_324, %arg10[%swap3A_326] : memref<512xi32, #tpu.memory_space<smem>>
    %dma_start3A_328 = arith.constant 2 : i32
    %dma_start3A_329 = arith.constant 2 : i32
    %dma_start3A_330 = arith.constant 0 : i32
    %dma_start3A_331 = arith.constant 0 : i32
    %dma_start3A_332 = arith.constant 0 : i32
    %dma_start3A_333 = tpu.memref_slice %arg11[%dma_start3A_328, %dma_start3A_331, %dma_start3A_332] : memref<12x32x128xf32, #tpu.memory_space<vmem>> -> memref<1x32x128xf32, #tpu.memory_space<vmem>>
    %dma_start3A_334 = tpu.memref_squeeze %dma_start3A_333 : memref<1x32x128xf32, #tpu.memory_space<vmem>> -> memref<32x128xf32, #tpu.memory_space<vmem>>
    %dma_start3A_335 = arith.constant 0 : i32
    %dma_start3A_336 = tpu.memref_slice %arg4[%dma_start3A_335, %multiple_of3A_292] : memref<32x1000000xf32, #tpu.memory_space<hbm>> -> memref<32x128xf32, #tpu.memory_space<hbm>>
    %dma_start3A_337 = tpu.memref_slice %arg14[%dma_start3A_329, %dma_start3A_330] : memref<12x2x!tpu.dma_semaphore, #tpu.memory_space<semaphore_mem>> -> memref<1x1x!tpu.dma_semaphore, #tpu.memory_space<semaphore_mem>>
    %dma_start3A_338 = tpu.memref_squeeze %dma_start3A_337 : memref<1x1x!tpu.dma_semaphore, #tpu.memory_space<semaphore_mem>> -> memref<!tpu.dma_semaphore, #tpu.memory_space<semaphore_mem>>
    %dma_start3A_339 = arith.constant 0 : i32
    %dma_start3A_340 = arith.constant 0 : i32
    %dma_start3A_341 = tpu.memref_slice %arg11[%dma_start3A_328, %dma_start3A_339, %dma_start3A_340] : memref<12x32x128xf32, #tpu.memory_space<vmem>> -> memref<1x32x128xf32, #tpu.memory_space<vmem>>
    %dma_start3A_342 = tpu.memref_squeeze %dma_start3A_341 : memref<1x32x128xf32, #tpu.memory_space<vmem>> -> memref<32x128xf32, #tpu.memory_space<vmem>>
    %dma_start3A_343 = arith.constant 0 : i32
    %dma_start3A_344 = tpu.memref_slice %arg4[%dma_start3A_343, %multiple_of3A_292] : memref<32x1000000xf32, #tpu.memory_space<hbm>> -> memref<32x128xf32, #tpu.memory_space<hbm>>
    tpu.enqueue_dma source(%dma_start3A_344 : memref<32x128xf32, #tpu.memory_space<hbm>>) target(%dma_start3A_342 : memref<32x128xf32, #tpu.memory_space<vmem>>) target_semaphore(%dma_start3A_338 : memref<!tpu.dma_semaphore, #tpu.memory_space<semaphore_mem>>)
    %dma_start3A_345 = arith.constant 2 : i32
    %dma_start3A_346 = arith.constant 2 : i32
    %dma_start3A_347 = arith.constant 1 : i32
    %dma_start3A_348 = arith.constant 0 : i32
    %dma_start3A_349 = arith.constant 0 : i32
    %dma_start3A_350 = tpu.memref_slice %arg12[%dma_start3A_345, %dma_start3A_348, %dma_start3A_349] : memref<12x32x128xf32, #tpu.memory_space<vmem>> -> memref<1x32x128xf32, #tpu.memory_space<vmem>>
    %dma_start3A_351 = tpu.memref_squeeze %dma_start3A_350 : memref<1x32x128xf32, #tpu.memory_space<vmem>> -> memref<32x128xf32, #tpu.memory_space<vmem>>
    %dma_start3A_352 = arith.constant 0 : i32
    %dma_start3A_353 = tpu.memref_slice %arg5[%dma_start3A_352, %multiple_of3A_319] : memref<32x1000000xf32, #tpu.memory_space<hbm>> -> memref<32x128xf32, #tpu.memory_space<hbm>>
    %dma_start3A_354 = tpu.memref_slice %arg14[%dma_start3A_346, %dma_start3A_347] : memref<12x2x!tpu.dma_semaphore, #tpu.memory_space<semaphore_mem>> -> memref<1x1x!tpu.dma_semaphore, #tpu.memory_space<semaphore_mem>>
    %dma_start3A_355 = tpu.memref_squeeze %dma_start3A_354 : memref<1x1x!tpu.dma_semaphore, #tpu.memory_space<semaphore_mem>> -> memref<!tpu.dma_semaphore, #tpu.memory_space<semaphore_mem>>
    %dma_start3A_356 = arith.constant 0 : i32
    %dma_start3A_357 = arith.constant 0 : i32
    %dma_start3A_358 = tpu.memref_slice %arg12[%dma_start3A_345, %dma_start3A_356, %dma_start3A_357] : memref<12x32x128xf32, #tpu.memory_space<vmem>> -> memref<1x32x128xf32, #tpu.memory_space<vmem>>
    %dma_start3A_359 = tpu.memref_squeeze %dma_start3A_358 : memref<1x32x128xf32, #tpu.memory_space<vmem>> -> memref<32x128xf32, #tpu.memory_space<vmem>>
    %dma_start3A_360 = arith.constant 0 : i32
    %dma_start3A_361 = tpu.memref_slice %arg5[%dma_start3A_360, %multiple_of3A_319] : memref<32x1000000xf32, #tpu.memory_space<hbm>> -> memref<32x128xf32, #tpu.memory_space<hbm>>
    tpu.enqueue_dma source(%dma_start3A_361 : memref<32x128xf32, #tpu.memory_space<hbm>>) target(%dma_start3A_359 : memref<32x128xf32, #tpu.memory_space<vmem>>) target_semaphore(%dma_start3A_355 : memref<!tpu.dma_semaphore, #tpu.memory_space<semaphore_mem>>)
    %multiple_of3A_362 = arith.constant 0 : i32
    %multiple_of3A_363 = tpu.assume_multiple %multiple_of3A_362, 16 : i32
    %get3A_364 = arith.index_cast %multiple_of3A_363 : i32 to index
    %get3A_365 = tpu.vector_load %arg7[%get3A_364] {strides = array<i32>} : memref<512xi32, #tpu.memory_space<vmem>>, vector<16xi32>,
    %rem3A_366 = arith.constant 3 : i32
    %rem3A_367 = arith.constant 16 : i32
    %rem3A_368 = arith.remsi %rem3A_366, %rem3A_367 : i32
    %eq3A_369 = vector.broadcast %rem3A_368 : i32 to vector<16xi32>
    %eq3A_370 = arith.cmpi eq, %iota3A, %eq3A_369 : vector<16xi32>
    %select_n3A_371 = arith.select %eq3A_370, %get3A_365, %broadcast_in_dim3A_3 : vector<16xi1>, vector<16xi32>
    %reduce_sum3A_372 = arith.constant true
    %reduce_sum3A_373 = vector.broadcast %reduce_sum3A_372 : i1 to vector<16xi1>
    %reduce_sum3A_374 = tpu.scan <sum>, %select_n3A_371 masked %reduce_sum3A_373 : vector<16xi32>, vector<16xi1> -> vector<16xi32>
    %reduce_sum3A_375 = vector.extract %reduce_sum3A_374[15] : i32 from vector<16xi32>
    %multiple_of3A_376 = arith.constant 0 : i32
    %multiple_of3A_377 = tpu.assume_multiple %multiple_of3A_376, 16 : i32
    %get3A_378 = arith.index_cast %multiple_of3A_377 : i32 to index
    %get3A_379 = tpu.vector_load %arg8[%get3A_378] {strides = array<i32>} : memref<512xi32, #tpu.memory_space<vmem>>, vector<16xi32>,
    %rem3A_380 = arith.constant 3 : i32
    %rem3A_381 = arith.constant 16 : i32
    %rem3A_382 = arith.remsi %rem3A_380, %rem3A_381 : i32
    %eq3A_383 = vector.broadcast %rem3A_382 : i32 to vector<16xi32>
    %eq3A_384 = arith.cmpi eq, %iota3A, %eq3A_383 : vector<16xi32>
    %select_n3A_385 = arith.select %eq3A_384, %get3A_379, %broadcast_in_dim3A_3 : vector<16xi1>, vector<16xi32>
    %reduce_sum3A_386 = arith.constant true
    %reduce_sum3A_387 = vector.broadcast %reduce_sum3A_386 : i1 to vector<16xi1>
    %reduce_sum3A_388 = tpu.scan <sum>, %select_n3A_385 masked %reduce_sum3A_387 : vector<16xi32>, vector<16xi1> -> vector<16xi32>
    %reduce_sum3A_389 = vector.extract %reduce_sum3A_388[15] : i32 from vector<16xi32>
    %jit3A_390 = arith.constant 128 : i32
    %div3A_391 = arith.divsi %reduce_sum3A_375, %jit3A_390 : i32
    %sign3A_392 = arith.constant 0 : i32
    %sign3A_393 = arith.cmpi sgt, %reduce_sum3A_375, %sign3A_392 : i32
    %sign3A_394 = arith.extui %sign3A_393 : i1 to i32
    %sign3A_395 = arith.constant 0 : i32
    %sign3A_396 = arith.cmpi slt, %reduce_sum3A_375, %sign3A_395 : i32
    %sign3A_397 = arith.extui %sign3A_396 : i1 to i32
    %sign3A_398 = arith.subi %sign3A_394, %sign3A_397 : i32
    %sign3A_399 = arith.constant 0 : i32
    %sign3A_400 = arith.cmpi sgt, %jit3A_390, %sign3A_399 : i32
    %sign3A_401 = arith.extui %sign3A_400 : i1 to i32
    %sign3A_402 = arith.constant 0 : i32
    %sign3A_403 = arith.cmpi slt, %jit3A_390, %sign3A_402 : i32
    %sign3A_404 = arith.extui %sign3A_403 : i1 to i32
    %sign3A_405 = arith.subi %sign3A_401, %sign3A_404 : i32
    %ne3A_406 = arith.cmpi ne, %sign3A_398, %sign3A_405 : i32
    %rem3A_407 = arith.remsi %reduce_sum3A_375, %jit3A_390 : i32
    %ne3A_408 = arith.constant 0 : i32
    %ne3A_409 = arith.cmpi ne, %rem3A_407, %ne3A_408 : i32
    %and3A_410 = arith.andi %ne3A_406, %ne3A_409 : i1
    %sub3A_411 = arith.constant 1 : i32
    %sub3A_412 = arith.subi %div3A_391, %sub3A_411 : i32
    %select_n3A_413 = arith.select %and3A_410, %sub3A_412, %div3A_391 : i32
    %mul3A_414 = arith.constant 128 : i32
    %mul3A_415 = arith.muli %select_n3A_413, %mul3A_414 : i32
    %multiple_of3A_416 = tpu.assume_multiple %mul3A_415, 128 : i32
    %jit3A_417 = arith.constant 128 : i32
    %div3A_418 = arith.divsi %reduce_sum3A_389, %jit3A_417 : i32
    %sign3A_419 = arith.constant 0 : i32
    %sign3A_420 = arith.cmpi sgt, %reduce_sum3A_389, %sign3A_419 : i32
    %sign3A_421 = arith.extui %sign3A_420 : i1 to i32
    %sign3A_422 = arith.constant 0 : i32
    %sign3A_423 = arith.cmpi slt, %reduce_sum3A_389, %sign3A_422 : i32
    %sign3A_424 = arith.extui %sign3A_423 : i1 to i32
    %sign3A_425 = arith.subi %sign3A_421, %sign3A_424 : i32
    %sign3A_426 = arith.constant 0 : i32
    %sign3A_427 = arith.cmpi sgt, %jit3A_417, %sign3A_426 : i32
    %sign3A_428 = arith.extui %sign3A_427 : i1 to i32
    %sign3A_429 = arith.constant 0 : i32
    %sign3A_430 = arith.cmpi slt, %jit3A_417, %sign3A_429 : i32
    %sign3A_431 = arith.extui %sign3A_430 : i1 to i32
    %sign3A_432 = arith.subi %sign3A_428, %sign3A_431 : i32
    %ne3A_433 = arith.cmpi ne, %sign3A_425, %sign3A_432 : i32
    %rem3A_434 = arith.remsi %reduce_sum3A_389, %jit3A_417 : i32
    %ne3A_435 = arith.constant 0 : i32
    %ne3A_436 = arith.cmpi ne, %rem3A_434, %ne3A_435 : i32
    %and3A_437 = arith.andi %ne3A_433, %ne3A_436 : i1
    %sub3A_438 = arith.constant 1 : i32
    %sub3A_439 = arith.subi %div3A_418, %sub3A_438 : i32
    %select_n3A_440 = arith.select %and3A_437, %sub3A_439, %div3A_418 : i32
    %mul3A_441 = arith.constant 128 : i32
    %mul3A_442 = arith.muli %select_n3A_440, %mul3A_441 : i32
    %multiple_of3A_443 = tpu.assume_multiple %mul3A_442, 128 : i32
    %sub3A_444 = arith.subi %reduce_sum3A_375, %multiple_of3A_416 : i32
    %swap3A_445 = arith.constant 3 : i32
    %swap3A_446 = arith.index_cast %swap3A_445 : i32 to index
    %swap3A_447 = memref.load %arg9[%swap3A_446] : memref<512xi32, #tpu.memory_space<smem>>
    memref.store %sub3A_444, %arg9[%swap3A_446] : memref<512xi32, #tpu.memory_space<smem>>
    %sub3A_448 = arith.subi %reduce_sum3A_389, %multiple_of3A_443 : i32
    %swap3A_449 = arith.constant 3 : i32
    %swap3A_450 = arith.index_cast %swap3A_449 : i32 to index
    %swap3A_451 = memref.load %arg10[%swap3A_450] : memref<512xi32, #tpu.memory_space<smem>>
    memref.store %sub3A_448, %arg10[%swap3A_450] : memref<512xi32, #tpu.memory_space<smem>>
    %dma_start3A_452 = arith.constant 3 : i32
    %dma_start3A_453 = arith.constant 3 : i32
    %dma_start3A_454 = arith.constant 0 : i32
    %dma_start3A_455 = arith.constant 0 : i32
    %dma_start3A_456 = arith.constant 0 : i32
    %dma_start3A_457 = tpu.memref_slice %arg11[%dma_start3A_452, %dma_start3A_455, %dma_start3A_456] : memref<12x32x128xf32, #tpu.memory_space<vmem>> -> memref<1x32x128xf32, #tpu.memory_space<vmem>>
    %dma_start3A_458 = tpu.memref_squeeze %dma_start3A_457 : memref<1x32x128xf32, #tpu.memory_space<vmem>> -> memref<32x128xf32, #tpu.memory_space<vmem>>
    %dma_start3A_459 = arith.constant 0 : i32
    %dma_start3A_460 = tpu.memref_slice %arg4[%dma_start3A_459, %multiple_of3A_416] : memref<32x1000000xf32, #tpu.memory_space<hbm>> -> memref<32x128xf32, #tpu.memory_space<hbm>>
    %dma_start3A_461 = tpu.memref_slice %arg14[%dma_start3A_453, %dma_start3A_454] : memref<12x2x!tpu.dma_semaphore, #tpu.memory_space<semaphore_mem>> -> memref<1x1x!tpu.dma_semaphore, #tpu.memory_space<semaphore_mem>>
    %dma_start3A_462 = tpu.memref_squeeze %dma_start3A_461 : memref<1x1x!tpu.dma_semaphore, #tpu.memory_space<semaphore_mem>> -> memref<!tpu.dma_semaphore, #tpu.memory_space<semaphore_mem>>
    %dma_start3A_463 = arith.constant 0 : i32
    %dma_start3A_464 = arith.constant 0 : i32
    %dma_start3A_465 = tpu.memref_slice %arg11[%dma_start3A_452, %dma_start3A_463, %dma_start3A_464] : memref<12x32x128xf32, #tpu.memory_space<vmem>> -> memref<1x32x128xf32, #tpu.memory_space<vmem>>
    %dma_start3A_466 = tpu.memref_squeeze %dma_start3A_465 : memref<1x32x128xf32, #tpu.memory_space<vmem>> -> memref<32x128xf32, #tpu.memory_space<vmem>>
    %dma_start3A_467 = arith.constant 0 : i32
    %dma_start3A_468 = tpu.memref_slice %arg4[%dma_start3A_467, %multiple_of3A_416] : memref<32x1000000xf32, #tpu.memory_space<hbm>> -> memref<32x128xf32, #tpu.memory_space<hbm>>
    tpu.enqueue_dma source(%dma_start3A_468 : memref<32x128xf32, #tpu.memory_space<hbm>>) target(%dma_start3A_466 : memref<32x128xf32, #tpu.memory_space<vmem>>) target_semaphore(%dma_start3A_462 : memref<!tpu.dma_semaphore, #tpu.memory_space<semaphore_mem>>)
    %dma_start3A_469 = arith.constant 3 : i32
    %dma_start3A_470 = arith.constant 3 : i32
    %dma_start3A_471 = arith.constant 1 : i32
    %dma_start3A_472 = arith.constant 0 : i32
    %dma_start3A_473 = arith.constant 0 : i32
    %dma_start3A_474 = tpu.memref_slice %arg12[%dma_start3A_469, %dma_start3A_472, %dma_start3A_473] : memref<12x32x128xf32, #tpu.memory_space<vmem>> -> memref<1x32x128xf32, #tpu.memory_space<vmem>>
    %dma_start3A_475 = tpu.memref_squeeze %dma_start3A_474 : memref<1x32x128xf32, #tpu.memory_space<vmem>> -> memref<32x128xf32, #tpu.memory_space<vmem>>
    %dma_start3A_476 = arith.constant 0 : i32
    %dma_start3A_477 = tpu.memref_slice %arg5[%dma_start3A_476, %multiple_of3A_443] : memref<32x1000000xf32, #tpu.memory_space<hbm>> -> memref<32x128xf32, #tpu.memory_space<hbm>>
    %dma_start3A_478 = tpu.memref_slice %arg14[%dma_start3A_470, %dma_start3A_471] : memref<12x2x!tpu.dma_semaphore, #tpu.memory_space<semaphore_mem>> -> memref<1x1x!tpu.dma_semaphore, #tpu.memory_space<semaphore_mem>>
    %dma_start3A_479 = tpu.memref_squeeze %dma_start3A_478 : memref<1x1x!tpu.dma_semaphore, #tpu.memory_space<semaphore_mem>> -> memref<!tpu.dma_semaphore, #tpu.memory_space<semaphore_mem>>
    %dma_start3A_480 = arith.constant 0 : i32
    %dma_start3A_481 = arith.constant 0 : i32
    %dma_start3A_482 = tpu.memref_slice %arg12[%dma_start3A_469, %dma_start3A_480, %dma_start3A_481] : memref<12x32x128xf32, #tpu.memory_space<vmem>> -> memref<1x32x128xf32, #tpu.memory_space<vmem>>
    %dma_start3A_483 = tpu.memref_squeeze %dma_start3A_482 : memref<1x32x128xf32, #tpu.memory_space<vmem>> -> memref<32x128xf32, #tpu.memory_space<vmem>>
    %dma_start3A_484 = arith.constant 0 : i32
    %dma_start3A_485 = tpu.memref_slice %arg5[%dma_start3A_484, %multiple_of3A_443] : memref<32x1000000xf32, #tpu.memory_space<hbm>> -> memref<32x128xf32, #tpu.memory_space<hbm>>
    tpu.enqueue_dma source(%dma_start3A_485 : memref<32x128xf32, #tpu.memory_space<hbm>>) target(%dma_start3A_483 : memref<32x128xf32, #tpu.memory_space<vmem>>) target_semaphore(%dma_start3A_479 : memref<!tpu.dma_semaphore, #tpu.memory_space<semaphore_mem>>)
    %multiple_of3A_486 = arith.constant 0 : i32
    %multiple_of3A_487 = tpu.assume_multiple %multiple_of3A_486, 16 : i32
    %get3A_488 = arith.index_cast %multiple_of3A_487 : i32 to index
    %get3A_489 = tpu.vector_load %arg7[%get3A_488] {strides = array<i32>} : memref<512xi32, #tpu.memory_space<vmem>>, vector<16xi32>,
    %rem3A_490 = arith.constant 4 : i32
    %rem3A_491 = arith.constant 16 : i32
    %rem3A_492 = arith.remsi %rem3A_490, %rem3A_491 : i32
    %eq3A_493 = vector.broadcast %rem3A_492 : i32 to vector<16xi32>
    %eq3A_494 = arith.cmpi eq, %iota3A, %eq3A_493 : vector<16xi32>
    %select_n3A_495 = arith.select %eq3A_494, %get3A_489, %broadcast_in_dim3A_3 : vector<16xi1>, vector<16xi32>
    %reduce_sum3A_496 = arith.constant true
    %reduce_sum3A_497 = vector.broadcast %reduce_sum3A_496 : i1 to vector<16xi1>
    %reduce_sum3A_498 = tpu.scan <sum>, %select_n3A_495 masked %reduce_sum3A_497 : vector<16xi32>, vector<16xi1> -> vector<16xi32>
    %reduce_sum3A_499 = vector.extract %reduce_sum3A_498[15] : i32 from vector<16xi32>
    %multiple_of3A_500 = arith.constant 0 : i32
    %multiple_of3A_501 = tpu.assume_multiple %multiple_of3A_500, 16 : i32
    %get3A_502 = arith.index_cast %multiple_of3A_501 : i32 to index
    %get3A_503 = tpu.vector_load %arg8[%get3A_502] {strides = array<i32>} : memref<512xi32, #tpu.memory_space<vmem>>, vector<16xi32>,
    %rem3A_504 = arith.constant 4 : i32
    %rem3A_505 = arith.constant 16 : i32
    %rem3A_506 = arith.remsi %rem3A_504, %rem3A_505 : i32
    %eq3A_507 = vector.broadcast %rem3A_506 : i32 to vector<16xi32>
    %eq3A_508 = arith.cmpi eq, %iota3A, %eq3A_507 : vector<16xi32>
    %select_n3A_509 = arith.select %eq3A_508, %get3A_503, %broadcast_in_dim3A_3 : vector<16xi1>, vector<16xi32>
    %reduce_sum3A_510 = arith.constant true
    %reduce_sum3A_511 = vector.broadcast %reduce_sum3A_510 : i1 to vector<16xi1>
    %reduce_sum3A_512 = tpu.scan <sum>, %select_n3A_509 masked %reduce_sum3A_511 : vector<16xi32>, vector<16xi1> -> vector<16xi32>
    %reduce_sum3A_513 = vector.extract %reduce_sum3A_512[15] : i32 from vector<16xi32>
    %jit3A_514 = arith.constant 128 : i32
    %div3A_515 = arith.divsi %reduce_sum3A_499, %jit3A_514 : i32
    %sign3A_516 = arith.constant 0 : i32
    %sign3A_517 = arith.cmpi sgt, %reduce_sum3A_499, %sign3A_516 : i32
    %sign3A_518 = arith.extui %sign3A_517 : i1 to i32
    %sign3A_519 = arith.constant 0 : i32
    %sign3A_520 = arith.cmpi slt, %reduce_sum3A_499, %sign3A_519 : i32
    %sign3A_521 = arith.extui %sign3A_520 : i1 to i32
    %sign3A_522 = arith.subi %sign3A_518, %sign3A_521 : i32
    %sign3A_523 = arith.constant 0 : i32
    %sign3A_524 = arith.cmpi sgt, %jit3A_514, %sign3A_523 : i32
    %sign3A_525 = arith.extui %sign3A_524 : i1 to i32
    %sign3A_526 = arith.constant 0 : i32
    %sign3A_527 = arith.cmpi slt, %jit3A_514, %sign3A_526 : i32
    %sign3A_528 = arith.extui %sign3A_527 : i1 to i32
    %sign3A_529 = arith.subi %sign3A_525, %sign3A_528 : i32
    %ne3A_530 = arith.cmpi ne, %sign3A_522, %sign3A_529 : i32
    %rem3A_531 = arith.remsi %reduce_sum3A_499, %jit3A_514 : i32
    %ne3A_532 = arith.constant 0 : i32
    %ne3A_533 = arith.cmpi ne, %rem3A_531, %ne3A_532 : i32
    %and3A_534 = arith.andi %ne3A_530, %ne3A_533 : i1
    %sub3A_535 = arith.constant 1 : i32
    %sub3A_536 = arith.subi %div3A_515, %sub3A_535 : i32
    %select_n3A_537 = arith.select %and3A_534, %sub3A_536, %div3A_515 : i32
    %mul3A_538 = arith.constant 128 : i32
    %mul3A_539 = arith.muli %select_n3A_537, %mul3A_538 : i32
    %multiple_of3A_540 = tpu.assume_multiple %mul3A_539, 128 : i32
    %jit3A_541 = arith.constant 128 : i32
    %div3A_542 = arith.divsi %reduce_sum3A_513, %jit3A_541 : i32
    %sign3A_543 = arith.constant 0 : i32
    %sign3A_544 = arith.cmpi sgt, %reduce_sum3A_513, %sign3A_543 : i32
    %sign3A_545 = arith.extui %sign3A_544 : i1 to i32
    %sign3A_546 = arith.constant 0 : i32
    %sign3A_547 = arith.cmpi slt, %reduce_sum3A_513, %sign3A_546 : i32
    %sign3A_548 = arith.extui %sign3A_547 : i1 to i32
    %sign3A_549 = arith.subi %sign3A_545, %sign3A_548 : i32
    %sign3A_550 = arith.constant 0 : i32
    %sign3A_551 = arith.cmpi sgt, %jit3A_541, %sign3A_550 : i32
    %sign3A_552 = arith.extui %sign3A_551 : i1 to i32
    %sign3A_553 = arith.constant 0 : i32
    %sign3A_554 = arith.cmpi slt, %jit3A_541, %sign3A_553 : i32
    %sign3A_555 = arith.extui %sign3A_554 : i1 to i32
    %sign3A_556 = arith.subi %sign3A_552, %sign3A_555 : i32
    %ne3A_557 = arith.cmpi ne, %sign3A_549, %sign3A_556 : i32
    %rem3A_558 = arith.remsi %reduce_sum3A_513, %jit3A_541 : i32
    %ne3A_559 = arith.constant 0 : i32
    %ne3A_560 = arith.cmpi ne, %rem3A_558, %ne3A_559 : i32
    %and3A_561 = arith.andi %ne3A_557, %ne3A_560 : i1
    %sub3A_562 = arith.constant 1 : i32
    %sub3A_563 = arith.subi %div3A_542, %sub3A_562 : i32
    %select_n3A_564 = arith.select %and3A_561, %sub3A_563, %div3A_542 : i32
    %mul3A_565 = arith.constant 128 : i32
    %mul3A_566 = arith.muli %select_n3A_564, %mul3A_565 : i32
    %multiple_of3A_567 = tpu.assume_multiple %mul3A_566, 128 : i32
    %sub3A_568 = arith.subi %reduce_sum3A_499, %multiple_of3A_540 : i32
    %swap3A_569 = arith.constant 4 : i32
    %swap3A_570 = arith.index_cast %swap3A_569 : i32 to index
    %swap3A_571 = memref.load %arg9[%swap3A_570] : memref<512xi32, #tpu.memory_space<smem>>
    memref.store %sub3A_568, %arg9[%swap3A_570] : memref<512xi32, #tpu.memory_space<smem>>
    %sub3A_572 = arith.subi %reduce_sum3A_513, %multiple_of3A_567 : i32
    %swap3A_573 = arith.constant 4 : i32
    %swap3A_574 = arith.index_cast %swap3A_573 : i32 to index
    %swap3A_575 = memref.load %arg10[%swap3A_574] : memref<512xi32, #tpu.memory_space<smem>>
    memref.store %sub3A_572, %arg10[%swap3A_574] : memref<512xi32, #tpu.memory_space<smem>>
    %dma_start3A_576 = arith.constant 4 : i32
    %dma_start3A_577 = arith.constant 4 : i32
    %dma_start3A_578 = arith.constant 0 : i32
    %dma_start3A_579 = arith.constant 0 : i32
    %dma_start3A_580 = arith.constant 0 : i32
    %dma_start3A_581 = tpu.memref_slice %arg11[%dma_start3A_576, %dma_start3A_579, %dma_start3A_580] : memref<12x32x128xf32, #tpu.memory_space<vmem>> -> memref<1x32x128xf32, #tpu.memory_space<vmem>>
    %dma_start3A_582 = tpu.memref_squeeze %dma_start3A_581 : memref<1x32x128xf32, #tpu.memory_space<vmem>> -> memref<32x128xf32, #tpu.memory_space<vmem>>
    %dma_start3A_583 = arith.constant 0 : i32
    %dma_start3A_584 = tpu.memref_slice %arg4[%dma_start3A_583, %multiple_of3A_540] : memref<32x1000000xf32, #tpu.memory_space<hbm>> -> memref<32x128xf32, #tpu.memory_space<hbm>>
    %dma_start3A_585 = tpu.memref_slice %arg14[%dma_start3A_577, %dma_start3A_578] : memref<12x2x!tpu.dma_semaphore, #tpu.memory_space<semaphore_mem>> -> memref<1x1x!tpu.dma_semaphore, #tpu.memory_space<semaphore_mem>>
    %dma_start3A_586 = tpu.memref_squeeze %dma_start3A_585 : memref<1x1x!tpu.dma_semaphore, #tpu.memory_space<semaphore_mem>> -> memref<!tpu.dma_semaphore, #tpu.memory_space<semaphore_mem>>
    %dma_start3A_587 = arith.constant 0 : i32
    %dma_start3A_588 = arith.constant 0 : i32
    %dma_start3A_589 = tpu.memref_slice %arg11[%dma_start3A_576, %dma_start3A_587, %dma_start3A_588] : memref<12x32x128xf32, #tpu.memory_space<vmem>> -> memref<1x32x128xf32, #tpu.memory_space<vmem>>
    %dma_start3A_590 = tpu.memref_squeeze %dma_start3A_589 : memref<1x32x128xf32, #tpu.memory_space<vmem>> -> memref<32x128xf32, #tpu.memory_space<vmem>>
    %dma_start3A_591 = arith.constant 0 : i32
    %dma_start3A_592 = tpu.memref_slice %arg4[%dma_start3A_591, %multiple_of3A_540] : memref<32x1000000xf32, #tpu.memory_space<hbm>> -> memref<32x128xf32, #tpu.memory_space<hbm>>
    tpu.enqueue_dma source(%dma_start3A_592 : memref<32x128xf32, #tpu.memory_space<hbm>>) target(%dma_start3A_590 : memref<32x128xf32, #tpu.memory_space<vmem>>) target_semaphore(%dma_start3A_586 : memref<!tpu.dma_semaphore, #tpu.memory_space<semaphore_mem>>)
    %dma_start3A_593 = arith.constant 4 : i32
    %dma_start3A_594 = arith.constant 4 : i32
    %dma_start3A_595 = arith.constant 1 : i32
    %dma_start3A_596 = arith.constant 0 : i32
    %dma_start3A_597 = arith.constant 0 : i32
    %dma_start3A_598 = tpu.memref_slice %arg12[%dma_start3A_593, %dma_start3A_596, %dma_start3A_597] : memref<12x32x128xf32, #tpu.memory_space<vmem>> -> memref<1x32x128xf32, #tpu.memory_space<vmem>>
    %dma_start3A_599 = tpu.memref_squeeze %dma_start3A_598 : memref<1x32x128xf32, #tpu.memory_space<vmem>> -> memref<32x128xf32, #tpu.memory_space<vmem>>
    %dma_start3A_600 = arith.constant 0 : i32
    %dma_start3A_601 = tpu.memref_slice %arg5[%dma_start3A_600, %multiple_of3A_567] : memref<32x1000000xf32, #tpu.memory_space<hbm>> -> memref<32x128xf32, #tpu.memory_space<hbm>>
    %dma_start3A_602 = tpu.memref_slice %arg14[%dma_start3A_594, %dma_start3A_595] : memref<12x2x!tpu.dma_semaphore, #tpu.memory_space<semaphore_mem>> -> memref<1x1x!tpu.dma_semaphore, #tpu.memory_space<semaphore_mem>>
    %dma_start3A_603 = tpu.memref_squeeze %dma_start3A_602 : memref<1x1x!tpu.dma_semaphore, #tpu.memory_space<semaphore_mem>> -> memref<!tpu.dma_semaphore, #tpu.memory_space<semaphore_mem>>
    %dma_start3A_604 = arith.constant 0 : i32
    %dma_start3A_605 = arith.constant 0 : i32
    %dma_start3A_606 = tpu.memref_slice %arg12[%dma_start3A_593, %dma_start3A_604, %dma_start3A_605] : memref<12x32x128xf32, #tpu.memory_space<vmem>> -> memref<1x32x128xf32, #tpu.memory_space<vmem>>
    %dma_start3A_607 = tpu.memref_squeeze %dma_start3A_606 : memref<1x32x128xf32, #tpu.memory_space<vmem>> -> memref<32x128xf32, #tpu.memory_space<vmem>>
    %dma_start3A_608 = arith.constant 0 : i32
    %dma_start3A_609 = tpu.memref_slice %arg5[%dma_start3A_608, %multiple_of3A_567] : memref<32x1000000xf32, #tpu.memory_space<hbm>> -> memref<32x128xf32, #tpu.memory_space<hbm>>
    tpu.enqueue_dma source(%dma_start3A_609 : memref<32x128xf32, #tpu.memory_space<hbm>>) target(%dma_start3A_607 : memref<32x128xf32, #tpu.memory_space<vmem>>) target_semaphore(%dma_start3A_603 : memref<!tpu.dma_semaphore, #tpu.memory_space<semaphore_mem>>)
    %multiple_of3A_610 = arith.constant 0 : i32
    %multiple_of3A_611 = tpu.assume_multiple %multiple_of3A_610, 16 : i32
    %get3A_612 = arith.index_cast %multiple_of3A_611 : i32 to index
    %get3A_613 = tpu.vector_load %arg7[%get3A_612] {strides = array<i32>} : memref<512xi32, #tpu.memory_space<vmem>>, vector<16xi32>,
    %rem3A_614 = arith.constant 5 : i32
    %rem3A_615 = arith.constant 16 : i32
    %rem3A_616 = arith.remsi %rem3A_614, %rem3A_615 : i32
    %eq3A_617 = vector.broadcast %rem3A_616 : i32 to vector<16xi32>
    %eq3A_618 = arith.cmpi eq, %iota3A, %eq3A_617 : vector<16xi32>
    %select_n3A_619 = arith.select %eq3A_618, %get3A_613, %broadcast_in_dim3A_3 : vector<16xi1>, vector<16xi32>
    %reduce_sum3A_620 = arith.constant true
    %reduce_sum3A_621 = vector.broadcast %reduce_sum3A_620 : i1 to vector<16xi1>
    %reduce_sum3A_622 = tpu.scan <sum>, %select_n3A_619 masked %reduce_sum3A_621 : vector<16xi32>, vector<16xi1> -> vector<16xi32>
    %reduce_sum3A_623 = vector.extract %reduce_sum3A_622[15] : i32 from vector<16xi32>
    %multiple_of3A_624 = arith.constant 0 : i32
    %multiple_of3A_625 = tpu.assume_multiple %multiple_of3A_624, 16 : i32
    %get3A_626 = arith.index_cast %multiple_of3A_625 : i32 to index
    %get3A_627 = tpu.vector_load %arg8[%get3A_626] {strides = array<i32>} : memref<512xi32, #tpu.memory_space<vmem>>, vector<16xi32>,
    %rem3A_628 = arith.constant 5 : i32
    %rem3A_629 = arith.constant 16 : i32
    %rem3A_630 = arith.remsi %rem3A_628, %rem3A_629 : i32
    %eq3A_631 = vector.broadcast %rem3A_630 : i32 to vector<16xi32>
    %eq3A_632 = arith.cmpi eq, %iota3A, %eq3A_631 : vector<16xi32>
    %select_n3A_633 = arith.select %eq3A_632, %get3A_627, %broadcast_in_dim3A_3 : vector<16xi1>, vector<16xi32>
    %reduce_sum3A_634 = arith.constant true
    %reduce_sum3A_635 = vector.broadcast %reduce_sum3A_634 : i1 to vector<16xi1>
    %reduce_sum3A_636 = tpu.scan <sum>, %select_n3A_633 masked %reduce_sum3A_635 : vector<16xi32>, vector<16xi1> -> vector<16xi32>
    %reduce_sum3A_637 = vector.extract %reduce_sum3A_636[15] : i32 from vector<16xi32>
    %jit3A_638 = arith.constant 128 : i32
    %div3A_639 = arith.divsi %reduce_sum3A_623, %jit3A_638 : i32
    %sign3A_640 = arith.constant 0 : i32
    %sign3A_641 = arith.cmpi sgt, %reduce_sum3A_623, %sign3A_640 : i32
    %sign3A_642 = arith.extui %sign3A_641 : i1 to i32
    %sign3A_643 = arith.constant 0 : i32
    %sign3A_644 = arith.cmpi slt, %reduce_sum3A_623, %sign3A_643 : i32
    %sign3A_645 = arith.extui %sign3A_644 : i1 to i32
    %sign3A_646 = arith.subi %sign3A_642, %sign3A_645 : i32
    %sign3A_647 = arith.constant 0 : i32
    %sign3A_648 = arith.cmpi sgt, %jit3A_638, %sign3A_647 : i32
    %sign3A_649 = arith.extui %sign3A_648 : i1 to i32
    %sign3A_650 = arith.constant 0 : i32
    %sign3A_651 = arith.cmpi slt, %jit3A_638, %sign3A_650 : i32
    %sign3A_652 = arith.extui %sign3A_651 : i1 to i32
    %sign3A_653 = arith.subi %sign3A_649, %sign3A_652 : i32
    %ne3A_654 = arith.cmpi ne, %sign3A_646, %sign3A_653 : i32
    %rem3A_655 = arith.remsi %reduce_sum3A_623, %jit3A_638 : i32
    %ne3A_656 = arith.constant 0 : i32
    %ne3A_657 = arith.cmpi ne, %rem3A_655, %ne3A_656 : i32
    %and3A_658 = arith.andi %ne3A_654, %ne3A_657 : i1
    %sub3A_659 = arith.constant 1 : i32
    %sub3A_660 = arith.subi %div3A_639, %sub3A_659 : i32
    %select_n3A_661 = arith.select %and3A_658, %sub3A_660, %div3A_639 : i32
    %mul3A_662 = arith.constant 128 : i32
    %mul3A_663 = arith.muli %select_n3A_661, %mul3A_662 : i32
    %multiple_of3A_664 = tpu.assume_multiple %mul3A_663, 128 : i32
    %jit3A_665 = arith.constant 128 : i32
    %div3A_666 = arith.divsi %reduce_sum3A_637, %jit3A_665 : i32
    %sign3A_667 = arith.constant 0 : i32
    %sign3A_668 = arith.cmpi sgt, %reduce_sum3A_637, %sign3A_667 : i32
    %sign3A_669 = arith.extui %sign3A_668 : i1 to i32
    %sign3A_670 = arith.constant 0 : i32
    %sign3A_671 = arith.cmpi slt, %reduce_sum3A_637, %sign3A_670 : i32
    %sign3A_672 = arith.extui %sign3A_671 : i1 to i32
    %sign3A_673 = arith.subi %sign3A_669, %sign3A_672 : i32
    %sign3A_674 = arith.constant 0 : i32
    %sign3A_675 = arith.cmpi sgt, %jit3A_665, %sign3A_674 : i32
    %sign3A_676 = arith.extui %sign3A_675 : i1 to i32
    %sign3A_677 = arith.constant 0 : i32
    %sign3A_678 = arith.cmpi slt, %jit3A_665, %sign3A_677 : i32
    %sign3A_679 = arith.extui %sign3A_678 : i1 to i32
    %sign3A_680 = arith.subi %sign3A_676, %sign3A_679 : i32
    %ne3A_681 = arith.cmpi ne, %sign3A_673, %sign3A_680 : i32
    %rem3A_682 = arith.remsi %reduce_sum3A_637, %jit3A_665 : i32
    %ne3A_683 = arith.constant 0 : i32
    %ne3A_684 = arith.cmpi ne, %rem3A_682, %ne3A_683 : i32
    %and3A_685 = arith.andi %ne3A_681, %ne3A_684 : i1
    %sub3A_686 = arith.constant 1 : i32
    %sub3A_687 = arith.subi %div3A_666, %sub3A_686 : i32
    %select_n3A_688 = arith.select %and3A_685, %sub3A_687, %div3A_666 : i32
    %mul3A_689 = arith.constant 128 : i32
    %mul3A_690 = arith.muli %select_n3A_688, %mul3A_689 : i32
    %multiple_of3A_691 = tpu.assume_multiple %mul3A_690, 128 : i32
    %sub3A_692 = arith.subi %reduce_sum3A_623, %multiple_of3A_664 : i32
    %swap3A_693 = arith.constant 5 : i32
    %swap3A_694 = arith.index_cast %swap3A_693 : i32 to index
    %swap3A_695 = memref.load %arg9[%swap3A_694] : memref<512xi32, #tpu.memory_space<smem>>
    memref.store %sub3A_692, %arg9[%swap3A_694] : memref<512xi32, #tpu.memory_space<smem>>
    %sub3A_696 = arith.subi %reduce_sum3A_637, %multiple_of3A_691 : i32
    %swap3A_697 = arith.constant 5 : i32
    %swap3A_698 = arith.index_cast %swap3A_697 : i32 to index
    %swap3A_699 = memref.load %arg10[%swap3A_698] : memref<512xi32, #tpu.memory_space<smem>>
    memref.store %sub3A_696, %arg10[%swap3A_698] : memref<512xi32, #tpu.memory_space<smem>>
    %dma_start3A_700 = arith.constant 5 : i32
    %dma_start3A_701 = arith.constant 5 : i32
    %dma_start3A_702 = arith.constant 0 : i32
    %dma_start3A_703 = arith.constant 0 : i32
    %dma_start3A_704 = arith.constant 0 : i32
    %dma_start3A_705 = tpu.memref_slice %arg11[%dma_start3A_700, %dma_start3A_703, %dma_start3A_704] : memref<12x32x128xf32, #tpu.memory_space<vmem>> -> memref<1x32x128xf32, #tpu.memory_space<vmem>>
    %dma_start3A_706 = tpu.memref_squeeze %dma_start3A_705 : memref<1x32x128xf32, #tpu.memory_space<vmem>> -> memref<32x128xf32, #tpu.memory_space<vmem>>
    %dma_start3A_707 = arith.constant 0 : i32
    %dma_start3A_708 = tpu.memref_slice %arg4[%dma_start3A_707, %multiple_of3A_664] : memref<32x1000000xf32, #tpu.memory_space<hbm>> -> memref<32x128xf32, #tpu.memory_space<hbm>>
    %dma_start3A_709 = tpu.memref_slice %arg14[%dma_start3A_701, %dma_start3A_702] : memref<12x2x!tpu.dma_semaphore, #tpu.memory_space<semaphore_mem>> -> memref<1x1x!tpu.dma_semaphore, #tpu.memory_space<semaphore_mem>>
    %dma_start3A_710 = tpu.memref_squeeze %dma_start3A_709 : memref<1x1x!tpu.dma_semaphore, #tpu.memory_space<semaphore_mem>> -> memref<!tpu.dma_semaphore, #tpu.memory_space<semaphore_mem>>
    %dma_start3A_711 = arith.constant 0 : i32
    %dma_start3A_712 = arith.constant 0 : i32
    %dma_start3A_713 = tpu.memref_slice %arg11[%dma_start3A_700, %dma_start3A_711, %dma_start3A_712] : memref<12x32x128xf32, #tpu.memory_space<vmem>> -> memref<1x32x128xf32, #tpu.memory_space<vmem>>
    %dma_start3A_714 = tpu.memref_squeeze %dma_start3A_713 : memref<1x32x128xf32, #tpu.memory_space<vmem>> -> memref<32x128xf32, #tpu.memory_space<vmem>>
    %dma_start3A_715 = arith.constant 0 : i32
    %dma_start3A_716 = tpu.memref_slice %arg4[%dma_start3A_715, %multiple_of3A_664] : memref<32x1000000xf32, #tpu.memory_space<hbm>> -> memref<32x128xf32, #tpu.memory_space<hbm>>
    tpu.enqueue_dma source(%dma_start3A_716 : memref<32x128xf32, #tpu.memory_space<hbm>>) target(%dma_start3A_714 : memref<32x128xf32, #tpu.memory_space<vmem>>) target_semaphore(%dma_start3A_710 : memref<!tpu.dma_semaphore, #tpu.memory_space<semaphore_mem>>)
    %dma_start3A_717 = arith.constant 5 : i32
    %dma_start3A_718 = arith.constant 5 : i32
    %dma_start3A_719 = arith.constant 1 : i32
    %dma_start3A_720 = arith.constant 0 : i32
    %dma_start3A_721 = arith.constant 0 : i32
    %dma_start3A_722 = tpu.memref_slice %arg12[%dma_start3A_717, %dma_start3A_720, %dma_start3A_721] : memref<12x32x128xf32, #tpu.memory_space<vmem>> -> memref<1x32x128xf32, #tpu.memory_space<vmem>>
    %dma_start3A_723 = tpu.memref_squeeze %dma_start3A_722 : memref<1x32x128xf32, #tpu.memory_space<vmem>> -> memref<32x128xf32, #tpu.memory_space<vmem>>
    %dma_start3A_724 = arith.constant 0 : i32
    %dma_start3A_725 = tpu.memref_slice %arg5[%dma_start3A_724, %multiple_of3A_691] : memref<32x1000000xf32, #tpu.memory_space<hbm>> -> memref<32x128xf32, #tpu.memory_space<hbm>>
    %dma_start3A_726 = tpu.memref_slice %arg14[%dma_start3A_718, %dma_start3A_719] : memref<12x2x!tpu.dma_semaphore, #tpu.memory_space<semaphore_mem>> -> memref<1x1x!tpu.dma_semaphore, #tpu.memory_space<semaphore_mem>>
    %dma_start3A_727 = tpu.memref_squeeze %dma_start3A_726 : memref<1x1x!tpu.dma_semaphore, #tpu.memory_space<semaphore_mem>> -> memref<!tpu.dma_semaphore, #tpu.memory_space<semaphore_mem>>
    %dma_start3A_728 = arith.constant 0 : i32
    %dma_start3A_729 = arith.constant 0 : i32
    %dma_start3A_730 = tpu.memref_slice %arg12[%dma_start3A_717, %dma_start3A_728, %dma_start3A_729] : memref<12x32x128xf32, #tpu.memory_space<vmem>> -> memref<1x32x128xf32, #tpu.memory_space<vmem>>
    %dma_start3A_731 = tpu.memref_squeeze %dma_start3A_730 : memref<1x32x128xf32, #tpu.memory_space<vmem>> -> memref<32x128xf32, #tpu.memory_space<vmem>>
    %dma_start3A_732 = arith.constant 0 : i32
    %dma_start3A_733 = tpu.memref_slice %arg5[%dma_start3A_732, %multiple_of3A_691] : memref<32x1000000xf32, #tpu.memory_space<hbm>> -> memref<32x128xf32, #tpu.memory_space<hbm>>
    tpu.enqueue_dma source(%dma_start3A_733 : memref<32x128xf32, #tpu.memory_space<hbm>>) target(%dma_start3A_731 : memref<32x128xf32, #tpu.memory_space<vmem>>) target_semaphore(%dma_start3A_727 : memref<!tpu.dma_semaphore, #tpu.memory_space<semaphore_mem>>)
    %multiple_of3A_734 = arith.constant 0 : i32
    %multiple_of3A_735 = tpu.assume_multiple %multiple_of3A_734, 16 : i32
    %get3A_736 = arith.index_cast %multiple_of3A_735 : i32 to index
    %get3A_737 = tpu.vector_load %arg7[%get3A_736] {strides = array<i32>} : memref<512xi32, #tpu.memory_space<vmem>>, vector<16xi32>,
    %rem3A_738 = arith.constant 6 : i32
    %rem3A_739 = arith.constant 16 : i32
    %rem3A_740 = arith.remsi %rem3A_738, %rem3A_739 : i32
    %eq3A_741 = vector.broadcast %rem3A_740 : i32 to vector<16xi32>
    %eq3A_742 = arith.cmpi eq, %iota3A, %eq3A_741 : vector<16xi32>
    %select_n3A_743 = arith.select %eq3A_742, %get3A_737, %broadcast_in_dim3A_3 : vector<16xi1>, vector<16xi32>
    %reduce_sum3A_744 = arith.constant true
    %reduce_sum3A_745 = vector.broadcast %reduce_sum3A_744 : i1 to vector<16xi1>
    %reduce_sum3A_746 = tpu.scan <sum>, %select_n3A_743 masked %reduce_sum3A_745 : vector<16xi32>, vector<16xi1> -> vector<16xi32>
    %reduce_sum3A_747 = vector.extract %reduce_sum3A_746[15] : i32 from vector<16xi32>
    %multiple_of3A_748 = arith.constant 0 : i32
    %multiple_of3A_749 = tpu.assume_multiple %multiple_of3A_748, 16 : i32
    %get3A_750 = arith.index_cast %multiple_of3A_749 : i32 to index
    %get3A_751 = tpu.vector_load %arg8[%get3A_750] {strides = array<i32>} : memref<512xi32, #tpu.memory_space<vmem>>, vector<16xi32>,
    %rem3A_752 = arith.constant 6 : i32
    %rem3A_753 = arith.constant 16 : i32
    %rem3A_754 = arith.remsi %rem3A_752, %rem3A_753 : i32
    %eq3A_755 = vector.broadcast %rem3A_754 : i32 to vector<16xi32>
    %eq3A_756 = arith.cmpi eq, %iota3A, %eq3A_755 : vector<16xi32>
    %select_n3A_757 = arith.select %eq3A_756, %get3A_751, %broadcast_in_dim3A_3 : vector<16xi1>, vector<16xi32>
    %reduce_sum3A_758 = arith.constant true
    %reduce_sum3A_759 = vector.broadcast %reduce_sum3A_758 : i1 to vector<16xi1>
    %reduce_sum3A_760 = tpu.scan <sum>, %select_n3A_757 masked %reduce_sum3A_759 : vector<16xi32>, vector<16xi1> -> vector<16xi32>
    %reduce_sum3A_761 = vector.extract %reduce_sum3A_760[15] : i32 from vector<16xi32>
    %jit3A_762 = arith.constant 128 : i32
    %div3A_763 = arith.divsi %reduce_sum3A_747, %jit3A_762 : i32
    %sign3A_764 = arith.constant 0 : i32
    %sign3A_765 = arith.cmpi sgt, %reduce_sum3A_747, %sign3A_764 : i32
    %sign3A_766 = arith.extui %sign3A_765 : i1 to i32
    %sign3A_767 = arith.constant 0 : i32
    %sign3A_768 = arith.cmpi slt, %reduce_sum3A_747, %sign3A_767 : i32
    %sign3A_769 = arith.extui %sign3A_768 : i1 to i32
    %sign3A_770 = arith.subi %sign3A_766, %sign3A_769 : i32
    %sign3A_771 = arith.constant 0 : i32
    %sign3A_772 = arith.cmpi sgt, %jit3A_762, %sign3A_771 : i32
    %sign3A_773 = arith.extui %sign3A_772 : i1 to i32
    %sign3A_774 = arith.constant 0 : i32
    %sign3A_775 = arith.cmpi slt, %jit3A_762, %sign3A_774 : i32
    %sign3A_776 = arith.extui %sign3A_775 : i1 to i32
    %sign3A_777 = arith.subi %sign3A_773, %sign3A_776 : i32
    %ne3A_778 = arith.cmpi ne, %sign3A_770, %sign3A_777 : i32
    %rem3A_779 = arith.remsi %reduce_sum3A_747, %jit3A_762 : i32
    %ne3A_780 = arith.constant 0 : i32
    %ne3A_781 = arith.cmpi ne, %rem3A_779, %ne3A_780 : i32
    %and3A_782 = arith.andi %ne3A_778, %ne3A_781 : i1
    %sub3A_783 = arith.constant 1 : i32
    %sub3A_784 = arith.subi %div3A_763, %sub3A_783 : i32
    %select_n3A_785 = arith.select %and3A_782, %sub3A_784, %div3A_763 : i32
    %mul3A_786 = arith.constant 128 : i32
    %mul3A_787 = arith.muli %select_n3A_785, %mul3A_786 : i32
    %multiple_of3A_788 = tpu.assume_multiple %mul3A_787, 128 : i32
    %jit3A_789 = arith.constant 128 : i32
    %div3A_790 = arith.divsi %reduce_sum3A_761, %jit3A_789 : i32
    %sign3A_791 = arith.constant 0 : i32
    %sign3A_792 = arith.cmpi sgt, %reduce_sum3A_761, %sign3A_791 : i32
    %sign3A_793 = arith.extui %sign3A_792 : i1 to i32
    %sign3A_794 = arith.constant 0 : i32
    %sign3A_795 = arith.cmpi slt, %reduce_sum3A_761, %sign3A_794 : i32
    %sign3A_796 = arith.extui %sign3A_795 : i1 to i32
    %sign3A_797 = arith.subi %sign3A_793, %sign3A_796 : i32
    %sign3A_798 = arith.constant 0 : i32
    %sign3A_799 = arith.cmpi sgt, %jit3A_789, %sign3A_798 : i32
    %sign3A_800 = arith.extui %sign3A_799 : i1 to i32
    %sign3A_801 = arith.constant 0 : i32
    %sign3A_802 = arith.cmpi slt, %jit3A_789, %sign3A_801 : i32
    %sign3A_803 = arith.extui %sign3A_802 : i1 to i32
    %sign3A_804 = arith.subi %sign3A_800, %sign3A_803 : i32
    %ne3A_805 = arith.cmpi ne, %sign3A_797, %sign3A_804 : i32
    %rem3A_806 = arith.remsi %reduce_sum3A_761, %jit3A_789 : i32
    %ne3A_807 = arith.constant 0 : i32
    %ne3A_808 = arith.cmpi ne, %rem3A_806, %ne3A_807 : i32
    %and3A_809 = arith.andi %ne3A_805, %ne3A_808 : i1
    %sub3A_810 = arith.constant 1 : i32
    %sub3A_811 = arith.subi %div3A_790, %sub3A_810 : i32
    %select_n3A_812 = arith.select %and3A_809, %sub3A_811, %div3A_790 : i32
    %mul3A_813 = arith.constant 128 : i32
    %mul3A_814 = arith.muli %select_n3A_812, %mul3A_813 : i32
    %multiple_of3A_815 = tpu.assume_multiple %mul3A_814, 128 : i32
    %sub3A_816 = arith.subi %reduce_sum3A_747, %multiple_of3A_788 : i32
    %swap3A_817 = arith.constant 6 : i32
    %swap3A_818 = arith.index_cast %swap3A_817 : i32 to index
    %swap3A_819 = memref.load %arg9[%swap3A_818] : memref<512xi32, #tpu.memory_space<smem>>
    memref.store %sub3A_816, %arg9[%swap3A_818] : memref<512xi32, #tpu.memory_space<smem>>
    %sub3A_820 = arith.subi %reduce_sum3A_761, %multiple_of3A_815 : i32
    %swap3A_821 = arith.constant 6 : i32
    %swap3A_822 = arith.index_cast %swap3A_821 : i32 to index
    %swap3A_823 = memref.load %arg10[%swap3A_822] : memref<512xi32, #tpu.memory_space<smem>>
    memref.store %sub3A_820, %arg10[%swap3A_822] : memref<512xi32, #tpu.memory_space<smem>>
    %dma_start3A_824 = arith.constant 6 : i32
    %dma_start3A_825 = arith.constant 6 : i32
    %dma_start3A_826 = arith.constant 0 : i32
    %dma_start3A_827 = arith.constant 0 : i32
    %dma_start3A_828 = arith.constant 0 : i32
    %dma_start3A_829 = tpu.memref_slice %arg11[%dma_start3A_824, %dma_start3A_827, %dma_start3A_828] : memref<12x32x128xf32, #tpu.memory_space<vmem>> -> memref<1x32x128xf32, #tpu.memory_space<vmem>>
    %dma_start3A_830 = tpu.memref_squeeze %dma_start3A_829 : memref<1x32x128xf32, #tpu.memory_space<vmem>> -> memref<32x128xf32, #tpu.memory_space<vmem>>
    %dma_start3A_831 = arith.constant 0 : i32
    %dma_start3A_832 = tpu.memref_slice %arg4[%dma_start3A_831, %multiple_of3A_788] : memref<32x1000000xf32, #tpu.memory_space<hbm>> -> memref<32x128xf32, #tpu.memory_space<hbm>>
    %dma_start3A_833 = tpu.memref_slice %arg14[%dma_start3A_825, %dma_start3A_826] : memref<12x2x!tpu.dma_semaphore, #tpu.memory_space<semaphore_mem>> -> memref<1x1x!tpu.dma_semaphore, #tpu.memory_space<semaphore_mem>>
    %dma_start3A_834 = tpu.memref_squeeze %dma_start3A_833 : memref<1x1x!tpu.dma_semaphore, #tpu.memory_space<semaphore_mem>> -> memref<!tpu.dma_semaphore, #tpu.memory_space<semaphore_mem>>
    %dma_start3A_835 = arith.constant 0 : i32
    %dma_start3A_836 = arith.constant 0 : i32
    %dma_start3A_837 = tpu.memref_slice %arg11[%dma_start3A_824, %dma_start3A_835, %dma_start3A_836] : memref<12x32x128xf32, #tpu.memory_space<vmem>> -> memref<1x32x128xf32, #tpu.memory_space<vmem>>
    %dma_start3A_838 = tpu.memref_squeeze %dma_start3A_837 : memref<1x32x128xf32, #tpu.memory_space<vmem>> -> memref<32x128xf32, #tpu.memory_space<vmem>>
    %dma_start3A_839 = arith.constant 0 : i32
    %dma_start3A_840 = tpu.memref_slice %arg4[%dma_start3A_839, %multiple_of3A_788] : memref<32x1000000xf32, #tpu.memory_space<hbm>> -> memref<32x128xf32, #tpu.memory_space<hbm>>
    tpu.enqueue_dma source(%dma_start3A_840 : memref<32x128xf32, #tpu.memory_space<hbm>>) target(%dma_start3A_838 : memref<32x128xf32, #tpu.memory_space<vmem>>) target_semaphore(%dma_start3A_834 : memref<!tpu.dma_semaphore, #tpu.memory_space<semaphore_mem>>)
    %dma_start3A_841 = arith.constant 6 : i32
    %dma_start3A_842 = arith.constant 6 : i32
    %dma_start3A_843 = arith.constant 1 : i32
    %dma_start3A_844 = arith.constant 0 : i32
    %dma_start3A_845 = arith.constant 0 : i32
    %dma_start3A_846 = tpu.memref_slice %arg12[%dma_start3A_841, %dma_start3A_844, %dma_start3A_845] : memref<12x32x128xf32, #tpu.memory_space<vmem>> -> memref<1x32x128xf32, #tpu.memory_space<vmem>>
    %dma_start3A_847 = tpu.memref_squeeze %dma_start3A_846 : memref<1x32x128xf32, #tpu.memory_space<vmem>> -> memref<32x128xf32, #tpu.memory_space<vmem>>
    %dma_start3A_848 = arith.constant 0 : i32
    %dma_start3A_849 = tpu.memref_slice %arg5[%dma_start3A_848, %multiple_of3A_815] : memref<32x1000000xf32, #tpu.memory_space<hbm>> -> memref<32x128xf32, #tpu.memory_space<hbm>>
    %dma_start3A_850 = tpu.memref_slice %arg14[%dma_start3A_842, %dma_start3A_843] : memref<12x2x!tpu.dma_semaphore, #tpu.memory_space<semaphore_mem>> -> memref<1x1x!tpu.dma_semaphore, #tpu.memory_space<semaphore_mem>>
    %dma_start3A_851 = tpu.memref_squeeze %dma_start3A_850 : memref<1x1x!tpu.dma_semaphore, #tpu.memory_space<semaphore_mem>> -> memref<!tpu.dma_semaphore, #tpu.memory_space<semaphore_mem>>
    %dma_start3A_852 = arith.constant 0 : i32
    %dma_start3A_853 = arith.constant 0 : i32
    %dma_start3A_854 = tpu.memref_slice %arg12[%dma_start3A_841, %dma_start3A_852, %dma_start3A_853] : memref<12x32x128xf32, #tpu.memory_space<vmem>> -> memref<1x32x128xf32, #tpu.memory_space<vmem>>
    %dma_start3A_855 = tpu.memref_squeeze %dma_start3A_854 : memref<1x32x128xf32, #tpu.memory_space<vmem>> -> memref<32x128xf32, #tpu.memory_space<vmem>>
    %dma_start3A_856 = arith.constant 0 : i32
    %dma_start3A_857 = tpu.memref_slice %arg5[%dma_start3A_856, %multiple_of3A_815] : memref<32x1000000xf32, #tpu.memory_space<hbm>> -> memref<32x128xf32, #tpu.memory_space<hbm>>
    tpu.enqueue_dma source(%dma_start3A_857 : memref<32x128xf32, #tpu.memory_space<hbm>>) target(%dma_start3A_855 : memref<32x128xf32, #tpu.memory_space<vmem>>) target_semaphore(%dma_start3A_851 : memref<!tpu.dma_semaphore, #tpu.memory_space<semaphore_mem>>)
    %multiple_of3A_858 = arith.constant 0 : i32
    %multiple_of3A_859 = tpu.assume_multiple %multiple_of3A_858, 16 : i32
    %get3A_860 = arith.index_cast %multiple_of3A_859 : i32 to index
    %get3A_861 = tpu.vector_load %arg7[%get3A_860] {strides = array<i32>} : memref<512xi32, #tpu.memory_space<vmem>>, vector<16xi32>,
    %rem3A_862 = arith.constant 7 : i32
    %rem3A_863 = arith.constant 16 : i32
    %rem3A_864 = arith.remsi %rem3A_862, %rem3A_863 : i32
    %eq3A_865 = vector.broadcast %rem3A_864 : i32 to vector<16xi32>
    %eq3A_866 = arith.cmpi eq, %iota3A, %eq3A_865 : vector<16xi32>
    %select_n3A_867 = arith.select %eq3A_866, %get3A_861, %broadcast_in_dim3A_3 : vector<16xi1>, vector<16xi32>
    %reduce_sum3A_868 = arith.constant true
    %reduce_sum3A_869 = vector.broadcast %reduce_sum3A_868 : i1 to vector<16xi1>
    %reduce_sum3A_870 = tpu.scan <sum>, %select_n3A_867 masked %reduce_sum3A_869 : vector<16xi32>, vector<16xi1> -> vector<16xi32>
    %reduce_sum3A_871 = vector.extract %reduce_sum3A_870[15] : i32 from vector<16xi32>
    %multiple_of3A_872 = arith.constant 0 : i32
    %multiple_of3A_873 = tpu.assume_multiple %multiple_of3A_872, 16 : i32
    %get3A_874 = arith.index_cast %multiple_of3A_873 : i32 to index
    %get3A_875 = tpu.vector_load %arg8[%get3A_874] {strides = array<i32>} : memref<512xi32, #tpu.memory_space<vmem>>, vector<16xi32>,
    %rem3A_876 = arith.constant 7 : i32
    %rem3A_877 = arith.constant 16 : i32
    %rem3A_878 = arith.remsi %rem3A_876, %rem3A_877 : i32
    %eq3A_879 = vector.broadcast %rem3A_878 : i32 to vector<16xi32>
    %eq3A_880 = arith.cmpi eq, %iota3A, %eq3A_879 : vector<16xi32>
    %select_n3A_881 = arith.select %eq3A_880, %get3A_875, %broadcast_in_dim3A_3 : vector<16xi1>, vector<16xi32>
    %reduce_sum3A_882 = arith.constant true
    %reduce_sum3A_883 = vector.broadcast %reduce_sum3A_882 : i1 to vector<16xi1>
    %reduce_sum3A_884 = tpu.scan <sum>, %select_n3A_881 masked %reduce_sum3A_883 : vector<16xi32>, vector<16xi1> -> vector<16xi32>
    %reduce_sum3A_885 = vector.extract %reduce_sum3A_884[15] : i32 from vector<16xi32>
    %jit3A_886 = arith.constant 128 : i32
    %div3A_887 = arith.divsi %reduce_sum3A_871, %jit3A_886 : i32
    %sign3A_888 = arith.constant 0 : i32
    %sign3A_889 = arith.cmpi sgt, %reduce_sum3A_871, %sign3A_888 : i32
    %sign3A_890 = arith.extui %sign3A_889 : i1 to i32
    %sign3A_891 = arith.constant 0 : i32
    %sign3A_892 = arith.cmpi slt, %reduce_sum3A_871, %sign3A_891 : i32
    %sign3A_893 = arith.extui %sign3A_892 : i1 to i32
    %sign3A_894 = arith.subi %sign3A_890, %sign3A_893 : i32
    %sign3A_895 = arith.constant 0 : i32
    %sign3A_896 = arith.cmpi sgt, %jit3A_886, %sign3A_895 : i32
    %sign3A_897 = arith.extui %sign3A_896 : i1 to i32
    %sign3A_898 = arith.constant 0 : i32
    %sign3A_899 = arith.cmpi slt, %jit3A_886, %sign3A_898 : i32
    %sign3A_900 = arith.extui %sign3A_899 : i1 to i32
    %sign3A_901 = arith.subi %sign3A_897, %sign3A_900 : i32
    %ne3A_902 = arith.cmpi ne, %sign3A_894, %sign3A_901 : i32
    %rem3A_903 = arith.remsi %reduce_sum3A_871, %jit3A_886 : i32
    %ne3A_904 = arith.constant 0 : i32
    %ne3A_905 = arith.cmpi ne, %rem3A_903, %ne3A_904 : i32
    %and3A_906 = arith.andi %ne3A_902, %ne3A_905 : i1
    %sub3A_907 = arith.constant 1 : i32
    %sub3A_908 = arith.subi %div3A_887, %sub3A_907 : i32
    %select_n3A_909 = arith.select %and3A_906, %sub3A_908, %div3A_887 : i32
    %mul3A_910 = arith.constant 128 : i32
    %mul3A_911 = arith.muli %select_n3A_909, %mul3A_910 : i32
    %multiple_of3A_912 = tpu.assume_multiple %mul3A_911, 128 : i32
    %jit3A_913 = arith.constant 128 : i32
    %div3A_914 = arith.divsi %reduce_sum3A_885, %jit3A_913 : i32
    %sign3A_915 = arith.constant 0 : i32
    %sign3A_916 = arith.cmpi sgt, %reduce_sum3A_885, %sign3A_915 : i32
    %sign3A_917 = arith.extui %sign3A_916 : i1 to i32
    %sign3A_918 = arith.constant 0 : i32
    %sign3A_919 = arith.cmpi slt, %reduce_sum3A_885, %sign3A_918 : i32
    %sign3A_920 = arith.extui %sign3A_919 : i1 to i32
    %sign3A_921 = arith.subi %sign3A_917, %sign3A_920 : i32
    %sign3A_922 = arith.constant 0 : i32
    %sign3A_923 = arith.cmpi sgt, %jit3A_913, %sign3A_922 : i32
    %sign3A_924 = arith.extui %sign3A_923 : i1 to i32
    %sign3A_925 = arith.constant 0 : i32
    %sign3A_926 = arith.cmpi slt, %jit3A_913, %sign3A_925 : i32
    %sign3A_927 = arith.extui %sign3A_926 : i1 to i32
    %sign3A_928 = arith.subi %sign3A_924, %sign3A_927 : i32
    %ne3A_929 = arith.cmpi ne, %sign3A_921, %sign3A_928 : i32
    %rem3A_930 = arith.remsi %reduce_sum3A_885, %jit3A_913 : i32
    %ne3A_931 = arith.constant 0 : i32
    %ne3A_932 = arith.cmpi ne, %rem3A_930, %ne3A_931 : i32
    %and3A_933 = arith.andi %ne3A_929, %ne3A_932 : i1
    %sub3A_934 = arith.constant 1 : i32
    %sub3A_935 = arith.subi %div3A_914, %sub3A_934 : i32
    %select_n3A_936 = arith.select %and3A_933, %sub3A_935, %div3A_914 : i32
    %mul3A_937 = arith.constant 128 : i32
    %mul3A_938 = arith.muli %select_n3A_936, %mul3A_937 : i32
    %multiple_of3A_939 = tpu.assume_multiple %mul3A_938, 128 : i32
    %sub3A_940 = arith.subi %reduce_sum3A_871, %multiple_of3A_912 : i32
    %swap3A_941 = arith.constant 7 : i32
    %swap3A_942 = arith.index_cast %swap3A_941 : i32 to index
    %swap3A_943 = memref.load %arg9[%swap3A_942] : memref<512xi32, #tpu.memory_space<smem>>
    memref.store %sub3A_940, %arg9[%swap3A_942] : memref<512xi32, #tpu.memory_space<smem>>
    %sub3A_944 = arith.subi %reduce_sum3A_885, %multiple_of3A_939 : i32
    %swap3A_945 = arith.constant 7 : i32
    %swap3A_946 = arith.index_cast %swap3A_945 : i32 to index
    %swap3A_947 = memref.load %arg10[%swap3A_946] : memref<512xi32, #tpu.memory_space<smem>>
    memref.store %sub3A_944, %arg10[%swap3A_946] : memref<512xi32, #tpu.memory_space<smem>>
    %dma_start3A_948 = arith.constant 7 : i32
    %dma_start3A_949 = arith.constant 7 : i32
    %dma_start3A_950 = arith.constant 0 : i32
    %dma_start3A_951 = arith.constant 0 : i32
    %dma_start3A_952 = arith.constant 0 : i32
    %dma_start3A_953 = tpu.memref_slice %arg11[%dma_start3A_948, %dma_start3A_951, %dma_start3A_952] : memref<12x32x128xf32, #tpu.memory_space<vmem>> -> memref<1x32x128xf32, #tpu.memory_space<vmem>>
    %dma_start3A_954 = tpu.memref_squeeze %dma_start3A_953 : memref<1x32x128xf32, #tpu.memory_space<vmem>> -> memref<32x128xf32, #tpu.memory_space<vmem>>
    %dma_start3A_955 = arith.constant 0 : i32
    %dma_start3A_956 = tpu.memref_slice %arg4[%dma_start3A_955, %multiple_of3A_912] : memref<32x1000000xf32, #tpu.memory_space<hbm>> -> memref<32x128xf32, #tpu.memory_space<hbm>>
    %dma_start3A_957 = tpu.memref_slice %arg14[%dma_start3A_949, %dma_start3A_950] : memref<12x2x!tpu.dma_semaphore, #tpu.memory_space<semaphore_mem>> -> memref<1x1x!tpu.dma_semaphore, #tpu.memory_space<semaphore_mem>>
    %dma_start3A_958 = tpu.memref_squeeze %dma_start3A_957 : memref<1x1x!tpu.dma_semaphore, #tpu.memory_space<semaphore_mem>> -> memref<!tpu.dma_semaphore, #tpu.memory_space<semaphore_mem>>
    %dma_start3A_959 = arith.constant 0 : i32
    %dma_start3A_960 = arith.constant 0 : i32
    %dma_start3A_961 = tpu.memref_slice %arg11[%dma_start3A_948, %dma_start3A_959, %dma_start3A_960] : memref<12x32x128xf32, #tpu.memory_space<vmem>> -> memref<1x32x128xf32, #tpu.memory_space<vmem>>
    %dma_start3A_962 = tpu.memref_squeeze %dma_start3A_961 : memref<1x32x128xf32, #tpu.memory_space<vmem>> -> memref<32x128xf32, #tpu.memory_space<vmem>>
    %dma_start3A_963 = arith.constant 0 : i32
    %dma_start3A_964 = tpu.memref_slice %arg4[%dma_start3A_963, %multiple_of3A_912] : memref<32x1000000xf32, #tpu.memory_space<hbm>> -> memref<32x128xf32, #tpu.memory_space<hbm>>
    tpu.enqueue_dma source(%dma_start3A_964 : memref<32x128xf32, #tpu.memory_space<hbm>>) target(%dma_start3A_962 : memref<32x128xf32, #tpu.memory_space<vmem>>) target_semaphore(%dma_start3A_958 : memref<!tpu.dma_semaphore, #tpu.memory_space<semaphore_mem>>)
    %dma_start3A_965 = arith.constant 7 : i32
    %dma_start3A_966 = arith.constant 7 : i32
    %dma_start3A_967 = arith.constant 1 : i32
    %dma_start3A_968 = arith.constant 0 : i32
    %dma_start3A_969 = arith.constant 0 : i32
    %dma_start3A_970 = tpu.memref_slice %arg12[%dma_start3A_965, %dma_start3A_968, %dma_start3A_969] : memref<12x32x128xf32, #tpu.memory_space<vmem>> -> memref<1x32x128xf32, #tpu.memory_space<vmem>>
    %dma_start3A_971 = tpu.memref_squeeze %dma_start3A_970 : memref<1x32x128xf32, #tpu.memory_space<vmem>> -> memref<32x128xf32, #tpu.memory_space<vmem>>
    %dma_start3A_972 = arith.constant 0 : i32
    %dma_start3A_973 = tpu.memref_slice %arg5[%dma_start3A_972, %multiple_of3A_939] : memref<32x1000000xf32, #tpu.memory_space<hbm>> -> memref<32x128xf32, #tpu.memory_space<hbm>>
    %dma_start3A_974 = tpu.memref_slice %arg14[%dma_start3A_966, %dma_start3A_967] : memref<12x2x!tpu.dma_semaphore, #tpu.memory_space<semaphore_mem>> -> memref<1x1x!tpu.dma_semaphore, #tpu.memory_space<semaphore_mem>>
    %dma_start3A_975 = tpu.memref_squeeze %dma_start3A_974 : memref<1x1x!tpu.dma_semaphore, #tpu.memory_space<semaphore_mem>> -> memref<!tpu.dma_semaphore, #tpu.memory_space<semaphore_mem>>
    %dma_start3A_976 = arith.constant 0 : i32
    %dma_start3A_977 = arith.constant 0 : i32
    %dma_start3A_978 = tpu.memref_slice %arg12[%dma_start3A_965, %dma_start3A_976, %dma_start3A_977] : memref<12x32x128xf32, #tpu.memory_space<vmem>> -> memref<1x32x128xf32, #tpu.memory_space<vmem>>
    %dma_start3A_979 = tpu.memref_squeeze %dma_start3A_978 : memref<1x32x128xf32, #tpu.memory_space<vmem>> -> memref<32x128xf32, #tpu.memory_space<vmem>>
    %dma_start3A_980 = arith.constant 0 : i32
    %dma_start3A_981 = tpu.memref_slice %arg5[%dma_start3A_980, %multiple_of3A_939] : memref<32x1000000xf32, #tpu.memory_space<hbm>> -> memref<32x128xf32, #tpu.memory_space<hbm>>
    tpu.enqueue_dma source(%dma_start3A_981 : memref<32x128xf32, #tpu.memory_space<hbm>>) target(%dma_start3A_979 : memref<32x128xf32, #tpu.memory_space<vmem>>) target_semaphore(%dma_start3A_975 : memref<!tpu.dma_semaphore, #tpu.memory_space<semaphore_mem>>)
    %multiple_of3A_982 = arith.constant 0 : i32
    %multiple_of3A_983 = tpu.assume_multiple %multiple_of3A_982, 16 : i32
    %get3A_984 = arith.index_cast %multiple_of3A_983 : i32 to index
    %get3A_985 = tpu.vector_load %arg7[%get3A_984] {strides = array<i32>} : memref<512xi32, #tpu.memory_space<vmem>>, vector<16xi32>,
    %rem3A_986 = arith.constant 8 : i32
    %rem3A_987 = arith.constant 16 : i32
    %rem3A_988 = arith.remsi %rem3A_986, %rem3A_987 : i32
    %eq3A_989 = vector.broadcast %rem3A_988 : i32 to vector<16xi32>
    %eq3A_990 = arith.cmpi eq, %iota3A, %eq3A_989 : vector<16xi32>
    %select_n3A_991 = arith.select %eq3A_990, %get3A_985, %broadcast_in_dim3A_3 : vector<16xi1>, vector<16xi32>
    %reduce_sum3A_992 = arith.constant true
    %reduce_sum3A_993 = vector.broadcast %reduce_sum3A_992 : i1 to vector<16xi1>
    %reduce_sum3A_994 = tpu.scan <sum>, %select_n3A_991 masked %reduce_sum3A_993 : vector<16xi32>, vector<16xi1> -> vector<16xi32>
    %reduce_sum3A_995 = vector.extract %reduce_sum3A_994[15] : i32 from vector<16xi32>
    %multiple_of3A_996 = arith.constant 0 : i32
    %multiple_of3A_997 = tpu.assume_multiple %multiple_of3A_996, 16 : i32
    %get3A_998 = arith.index_cast %multiple_of3A_997 : i32 to index
    %get3A_999 = tpu.vector_load %arg8[%get3A_998] {strides = array<i32>} : memref<512xi32, #tpu.memory_space<vmem>>, vector<16xi32>,
    %rem3A_1000 = arith.constant 8 : i32
    %rem3A_1001 = arith.constant 16 : i32
    %rem3A_1002 = arith.remsi %rem3A_1000, %rem3A_1001 : i32
    %eq3A_1003 = vector.broadcast %rem3A_1002 : i32 to vector<16xi32>
    %eq3A_1004 = arith.cmpi eq, %iota3A, %eq3A_1003 : vector<16xi32>
    %select_n3A_1005 = arith.select %eq3A_1004, %get3A_999, %broadcast_in_dim3A_3 : vector<16xi1>, vector<16xi32>
    %reduce_sum3A_1006 = arith.constant true
    %reduce_sum3A_1007 = vector.broadcast %reduce_sum3A_1006 : i1 to vector<16xi1>
    %reduce_sum3A_1008 = tpu.scan <sum>, %select_n3A_1005 masked %reduce_sum3A_1007 : vector<16xi32>, vector<16xi1> -> vector<16xi32>
    %reduce_sum3A_1009 = vector.extract %reduce_sum3A_1008[15] : i32 from vector<16xi32>
    %jit3A_1010 = arith.constant 128 : i32
    %div3A_1011 = arith.divsi %reduce_sum3A_995, %jit3A_1010 : i32
    %sign3A_1012 = arith.constant 0 : i32
    %sign3A_1013 = arith.cmpi sgt, %reduce_sum3A_995, %sign3A_1012 : i32
    %sign3A_1014 = arith.extui %sign3A_1013 : i1 to i32
    %sign3A_1015 = arith.constant 0 : i32
    %sign3A_1016 = arith.cmpi slt, %reduce_sum3A_995, %sign3A_1015 : i32
    %sign3A_1017 = arith.extui %sign3A_1016 : i1 to i32
    %sign3A_1018 = arith.subi %sign3A_1014, %sign3A_1017 : i32
    %sign3A_1019 = arith.constant 0 : i32
    %sign3A_1020 = arith.cmpi sgt, %jit3A_1010, %sign3A_1019 : i32
    %sign3A_1021 = arith.extui %sign3A_1020 : i1 to i32
    %sign3A_1022 = arith.constant 0 : i32
    %sign3A_1023 = arith.cmpi slt, %jit3A_1010, %sign3A_1022 : i32
    %sign3A_1024 = arith.extui %sign3A_1023 : i1 to i32
    %sign3A_1025 = arith.subi %sign3A_1021, %sign3A_1024 : i32
    %ne3A_1026 = arith.cmpi ne, %sign3A_1018, %sign3A_1025 : i32
    %rem3A_1027 = arith.remsi %reduce_sum3A_995, %jit3A_1010 : i32
    %ne3A_1028 = arith.constant 0 : i32
    %ne3A_1029 = arith.cmpi ne, %rem3A_1027, %ne3A_1028 : i32
    %and3A_1030 = arith.andi %ne3A_1026, %ne3A_1029 : i1
    %sub3A_1031 = arith.constant 1 : i32
    %sub3A_1032 = arith.subi %div3A_1011, %sub3A_1031 : i32
    %select_n3A_1033 = arith.select %and3A_1030, %sub3A_1032, %div3A_1011 : i32
    %mul3A_1034 = arith.constant 128 : i32
    %mul3A_1035 = arith.muli %select_n3A_1033, %mul3A_1034 : i32
    %multiple_of3A_1036 = tpu.assume_multiple %mul3A_1035, 128 : i32
    %jit3A_1037 = arith.constant 128 : i32
    %div3A_1038 = arith.divsi %reduce_sum3A_1009, %jit3A_1037 : i32
    %sign3A_1039 = arith.constant 0 : i32
    %sign3A_1040 = arith.cmpi sgt, %reduce_sum3A_1009, %sign3A_1039 : i32
    %sign3A_1041 = arith.extui %sign3A_1040 : i1 to i32
    %sign3A_1042 = arith.constant 0 : i32
    %sign3A_1043 = arith.cmpi slt, %reduce_sum3A_1009, %sign3A_1042 : i32
    %sign3A_1044 = arith.extui %sign3A_1043 : i1 to i32
    %sign3A_1045 = arith.subi %sign3A_1041, %sign3A_1044 : i32
    %sign3A_1046 = arith.constant 0 : i32
    %sign3A_1047 = arith.cmpi sgt, %jit3A_1037, %sign3A_1046 : i32
    %sign3A_1048 = arith.extui %sign3A_1047 : i1 to i32
    %sign3A_1049 = arith.constant 0 : i32
    %sign3A_1050 = arith.cmpi slt, %jit3A_1037, %sign3A_1049 : i32
    %sign3A_1051 = arith.extui %sign3A_1050 : i1 to i32
    %sign3A_1052 = arith.subi %sign3A_1048, %sign3A_1051 : i32
    %ne3A_1053 = arith.cmpi ne, %sign3A_1045, %sign3A_1052 : i32
    %rem3A_1054 = arith.remsi %reduce_sum3A_1009, %jit3A_1037 : i32
    %ne3A_1055 = arith.constant 0 : i32
    %ne3A_1056 = arith.cmpi ne, %rem3A_1054, %ne3A_1055 : i32
    %and3A_1057 = arith.andi %ne3A_1053, %ne3A_1056 : i1
    %sub3A_1058 = arith.constant 1 : i32
    %sub3A_1059 = arith.subi %div3A_1038, %sub3A_1058 : i32
    %select_n3A_1060 = arith.select %and3A_1057, %sub3A_1059, %div3A_1038 : i32
    %mul3A_1061 = arith.constant 128 : i32
    %mul3A_1062 = arith.muli %select_n3A_1060, %mul3A_1061 : i32
    %multiple_of3A_1063 = tpu.assume_multiple %mul3A_1062, 128 : i32
    %sub3A_1064 = arith.subi %reduce_sum3A_995, %multiple_of3A_1036 : i32
    %swap3A_1065 = arith.constant 8 : i32
    %swap3A_1066 = arith.index_cast %swap3A_1065 : i32 to index
    %swap3A_1067 = memref.load %arg9[%swap3A_1066] : memref<512xi32, #tpu.memory_space<smem>>
    memref.store %sub3A_1064, %arg9[%swap3A_1066] : memref<512xi32, #tpu.memory_space<smem>>
    %sub3A_1068 = arith.subi %reduce_sum3A_1009, %multiple_of3A_1063 : i32
    %swap3A_1069 = arith.constant 8 : i32
    %swap3A_1070 = arith.index_cast %swap3A_1069 : i32 to index
    %swap3A_1071 = memref.load %arg10[%swap3A_1070] : memref<512xi32, #tpu.memory_space<smem>>
    memref.store %sub3A_1068, %arg10[%swap3A_1070] : memref<512xi32, #tpu.memory_space<smem>>
    %dma_start3A_1072 = arith.constant 8 : i32
    %dma_start3A_1073 = arith.constant 8 : i32
    %dma_start3A_1074 = arith.constant 0 : i32
    %dma_start3A_1075 = arith.constant 0 : i32
    %dma_start3A_1076 = arith.constant 0 : i32
    %dma_start3A_1077 = tpu.memref_slice %arg11[%dma_start3A_1072, %dma_start3A_1075, %dma_start3A_1076] : memref<12x32x128xf32, #tpu.memory_space<vmem>> -> memref<1x32x128xf32, #tpu.memory_space<vmem>>
    %dma_start3A_1078 = tpu.memref_squeeze %dma_start3A_1077 : memref<1x32x128xf32, #tpu.memory_space<vmem>> -> memref<32x128xf32, #tpu.memory_space<vmem>>
    %dma_start3A_1079 = arith.constant 0 : i32
    %dma_start3A_1080 = tpu.memref_slice %arg4[%dma_start3A_1079, %multiple_of3A_1036] : memref<32x1000000xf32, #tpu.memory_space<hbm>> -> memref<32x128xf32, #tpu.memory_space<hbm>>
    %dma_start3A_1081 = tpu.memref_slice %arg14[%dma_start3A_1073, %dma_start3A_1074] : memref<12x2x!tpu.dma_semaphore, #tpu.memory_space<semaphore_mem>> -> memref<1x1x!tpu.dma_semaphore, #tpu.memory_space<semaphore_mem>>
    %dma_start3A_1082 = tpu.memref_squeeze %dma_start3A_1081 : memref<1x1x!tpu.dma_semaphore, #tpu.memory_space<semaphore_mem>> -> memref<!tpu.dma_semaphore, #tpu.memory_space<semaphore_mem>>
    %dma_start3A_1083 = arith.constant 0 : i32
    %dma_start3A_1084 = arith.constant 0 : i32
    %dma_start3A_1085 = tpu.memref_slice %arg11[%dma_start3A_1072, %dma_start3A_1083, %dma_start3A_1084] : memref<12x32x128xf32, #tpu.memory_space<vmem>> -> memref<1x32x128xf32, #tpu.memory_space<vmem>>
    %dma_start3A_1086 = tpu.memref_squeeze %dma_start3A_1085 : memref<1x32x128xf32, #tpu.memory_space<vmem>> -> memref<32x128xf32, #tpu.memory_space<vmem>>
    %dma_start3A_1087 = arith.constant 0 : i32
    %dma_start3A_1088 = tpu.memref_slice %arg4[%dma_start3A_1087, %multiple_of3A_1036] : memref<32x1000000xf32, #tpu.memory_space<hbm>> -> memref<32x128xf32, #tpu.memory_space<hbm>>
    tpu.enqueue_dma source(%dma_start3A_1088 : memref<32x128xf32, #tpu.memory_space<hbm>>) target(%dma_start3A_1086 : memref<32x128xf32, #tpu.memory_space<vmem>>) target_semaphore(%dma_start3A_1082 : memref<!tpu.dma_semaphore, #tpu.memory_space<semaphore_mem>>)
    %dma_start3A_1089 = arith.constant 8 : i32
    %dma_start3A_1090 = arith.constant 8 : i32
    %dma_start3A_1091 = arith.constant 1 : i32
    %dma_start3A_1092 = arith.constant 0 : i32
    %dma_start3A_1093 = arith.constant 0 : i32
    %dma_start3A_1094 = tpu.memref_slice %arg12[%dma_start3A_1089, %dma_start3A_1092, %dma_start3A_1093] : memref<12x32x128xf32, #tpu.memory_space<vmem>> -> memref<1x32x128xf32, #tpu.memory_space<vmem>>
    %dma_start3A_1095 = tpu.memref_squeeze %dma_start3A_1094 : memref<1x32x128xf32, #tpu.memory_space<vmem>> -> memref<32x128xf32, #tpu.memory_space<vmem>>
    %dma_start3A_1096 = arith.constant 0 : i32
    %dma_start3A_1097 = tpu.memref_slice %arg5[%dma_start3A_1096, %multiple_of3A_1063] : memref<32x1000000xf32, #tpu.memory_space<hbm>> -> memref<32x128xf32, #tpu.memory_space<hbm>>
    %dma_start3A_1098 = tpu.memref_slice %arg14[%dma_start3A_1090, %dma_start3A_1091] : memref<12x2x!tpu.dma_semaphore, #tpu.memory_space<semaphore_mem>> -> memref<1x1x!tpu.dma_semaphore, #tpu.memory_space<semaphore_mem>>
    %dma_start3A_1099 = tpu.memref_squeeze %dma_start3A_1098 : memref<1x1x!tpu.dma_semaphore, #tpu.memory_space<semaphore_mem>> -> memref<!tpu.dma_semaphore, #tpu.memory_space<semaphore_mem>>
    %dma_start3A_1100 = arith.constant 0 : i32
    %dma_start3A_1101 = arith.constant 0 : i32
    %dma_start3A_1102 = tpu.memref_slice %arg12[%dma_start3A_1089, %dma_start3A_1100, %dma_start3A_1101] : memref<12x32x128xf32, #tpu.memory_space<vmem>> -> memref<1x32x128xf32, #tpu.memory_space<vmem>>
    %dma_start3A_1103 = tpu.memref_squeeze %dma_start3A_1102 : memref<1x32x128xf32, #tpu.memory_space<vmem>> -> memref<32x128xf32, #tpu.memory_space<vmem>>
    %dma_start3A_1104 = arith.constant 0 : i32
    %dma_start3A_1105 = tpu.memref_slice %arg5[%dma_start3A_1104, %multiple_of3A_1063] : memref<32x1000000xf32, #tpu.memory_space<hbm>> -> memref<32x128xf32, #tpu.memory_space<hbm>>
    tpu.enqueue_dma source(%dma_start3A_1105 : memref<32x128xf32, #tpu.memory_space<hbm>>) target(%dma_start3A_1103 : memref<32x128xf32, #tpu.memory_space<vmem>>) target_semaphore(%dma_start3A_1099 : memref<!tpu.dma_semaphore, #tpu.memory_space<semaphore_mem>>)
    %multiple_of3A_1106 = arith.constant 0 : i32
    %multiple_of3A_1107 = tpu.assume_multiple %multiple_of3A_1106, 16 : i32
    %get3A_1108 = arith.index_cast %multiple_of3A_1107 : i32 to index
    %get3A_1109 = tpu.vector_load %arg7[%get3A_1108] {strides = array<i32>} : memref<512xi32, #tpu.memory_space<vmem>>, vector<16xi32>,
    %rem3A_1110 = arith.constant 9 : i32
    %rem3A_1111 = arith.constant 16 : i32
    %rem3A_1112 = arith.remsi %rem3A_1110, %rem3A_1111 : i32
    %eq3A_1113 = vector.broadcast %rem3A_1112 : i32 to vector<16xi32>
    %eq3A_1114 = arith.cmpi eq, %iota3A, %eq3A_1113 : vector<16xi32>
    %select_n3A_1115 = arith.select %eq3A_1114, %get3A_1109, %broadcast_in_dim3A_3 : vector<16xi1>, vector<16xi32>
    %reduce_sum3A_1116 = arith.constant true
    %reduce_sum3A_1117 = vector.broadcast %reduce_sum3A_1116 : i1 to vector<16xi1>
    %reduce_sum3A_1118 = tpu.scan <sum>, %select_n3A_1115 masked %reduce_sum3A_1117 : vector<16xi32>, vector<16xi1> -> vector<16xi32>
    %reduce_sum3A_1119 = vector.extract %reduce_sum3A_1118[15] : i32 from vector<16xi32>
    %multiple_of3A_1120 = arith.constant 0 : i32
    %multiple_of3A_1121 = tpu.assume_multiple %multiple_of3A_1120, 16 : i32
    %get3A_1122 = arith.index_cast %multiple_of3A_1121 : i32 to index
    %get3A_1123 = tpu.vector_load %arg8[%get3A_1122] {strides = array<i32>} : memref<512xi32, #tpu.memory_space<vmem>>, vector<16xi32>,
    %rem3A_1124 = arith.constant 9 : i32
    %rem3A_1125 = arith.constant 16 : i32
    %rem3A_1126 = arith.remsi %rem3A_1124, %rem3A_1125 : i32
    %eq3A_1127 = vector.broadcast %rem3A_1126 : i32 to vector<16xi32>
    %eq3A_1128 = arith.cmpi eq, %iota3A, %eq3A_1127 : vector<16xi32>
    %select_n3A_1129 = arith.select %eq3A_1128, %get3A_1123, %broadcast_in_dim3A_3 : vector<16xi1>, vector<16xi32>
    %reduce_sum3A_1130 = arith.constant true
    %reduce_sum3A_1131 = vector.broadcast %reduce_sum3A_1130 : i1 to vector<16xi1>
    %reduce_sum3A_1132 = tpu.scan <sum>, %select_n3A_1129 masked %reduce_sum3A_1131 : vector<16xi32>, vector<16xi1> -> vector<16xi32>
    %reduce_sum3A_1133 = vector.extract %reduce_sum3A_1132[15] : i32 from vector<16xi32>
    %jit3A_1134 = arith.constant 128 : i32
    %div3A_1135 = arith.divsi %reduce_sum3A_1119, %jit3A_1134 : i32
    %sign3A_1136 = arith.constant 0 : i32
    %sign3A_1137 = arith.cmpi sgt, %reduce_sum3A_1119, %sign3A_1136 : i32
    %sign3A_1138 = arith.extui %sign3A_1137 : i1 to i32
    %sign3A_1139 = arith.constant 0 : i32
    %sign3A_1140 = arith.cmpi slt, %reduce_sum3A_1119, %sign3A_1139 : i32
    %sign3A_1141 = arith.extui %sign3A_1140 : i1 to i32
    %sign3A_1142 = arith.subi %sign3A_1138, %sign3A_1141 : i32
    %sign3A_1143 = arith.constant 0 : i32
    %sign3A_1144 = arith.cmpi sgt, %jit3A_1134, %sign3A_1143 : i32
    %sign3A_1145 = arith.extui %sign3A_1144 : i1 to i32
    %sign3A_1146 = arith.constant 0 : i32
    %sign3A_1147 = arith.cmpi slt, %jit3A_1134, %sign3A_1146 : i32
    %sign3A_1148 = arith.extui %sign3A_1147 : i1 to i32
    %sign3A_1149 = arith.subi %sign3A_1145, %sign3A_1148 : i32
    %ne3A_1150 = arith.cmpi ne, %sign3A_1142, %sign3A_1149 : i32
    %rem3A_1151 = arith.remsi %reduce_sum3A_1119, %jit3A_1134 : i32
    %ne3A_1152 = arith.constant 0 : i32
    %ne3A_1153 = arith.cmpi ne, %rem3A_1151, %ne3A_1152 : i32
    %and3A_1154 = arith.andi %ne3A_1150, %ne3A_1153 : i1
    %sub3A_1155 = arith.constant 1 : i32
    %sub3A_1156 = arith.subi %div3A_1135, %sub3A_1155 : i32
    %select_n3A_1157 = arith.select %and3A_1154, %sub3A_1156, %div3A_1135 : i32
    %mul3A_1158 = arith.constant 128 : i32
    %mul3A_1159 = arith.muli %select_n3A_1157, %mul3A_1158 : i32
    %multiple_of3A_1160 = tpu.assume_multiple %mul3A_1159, 128 : i32
    %jit3A_1161 = arith.constant 128 : i32
    %div3A_1162 = arith.divsi %reduce_sum3A_1133, %jit3A_1161 : i32
    %sign3A_1163 = arith.constant 0 : i32
    %sign3A_1164 = arith.cmpi sgt, %reduce_sum3A_1133, %sign3A_1163 : i32
    %sign3A_1165 = arith.extui %sign3A_1164 : i1 to i32
    %sign3A_1166 = arith.constant 0 : i32
    %sign3A_1167 = arith.cmpi slt, %reduce_sum3A_1133, %sign3A_1166 : i32
    %sign3A_1168 = arith.extui %sign3A_1167 : i1 to i32
    %sign3A_1169 = arith.subi %sign3A_1165, %sign3A_1168 : i32
    %sign3A_1170 = arith.constant 0 : i32
    %sign3A_1171 = arith.cmpi sgt, %jit3A_1161, %sign3A_1170 : i32
    %sign3A_1172 = arith.extui %sign3A_1171 : i1 to i32
    %sign3A_1173 = arith.constant 0 : i32
    %sign3A_1174 = arith.cmpi slt, %jit3A_1161, %sign3A_1173 : i32
    %sign3A_1175 = arith.extui %sign3A_1174 : i1 to i32
    %sign3A_1176 = arith.subi %sign3A_1172, %sign3A_1175 : i32
    %ne3A_1177 = arith.cmpi ne, %sign3A_1169, %sign3A_1176 : i32
    %rem3A_1178 = arith.remsi %reduce_sum3A_1133, %jit3A_1161 : i32
    %ne3A_1179 = arith.constant 0 : i32
    %ne3A_1180 = arith.cmpi ne, %rem3A_1178, %ne3A_1179 : i32
    %and3A_1181 = arith.andi %ne3A_1177, %ne3A_1180 : i1
    %sub3A_1182 = arith.constant 1 : i32
    %sub3A_1183 = arith.subi %div3A_1162, %sub3A_1182 : i32
    %select_n3A_1184 = arith.select %and3A_1181, %sub3A_1183, %div3A_1162 : i32
    %mul3A_1185 = arith.constant 128 : i32
    %mul3A_1186 = arith.muli %select_n3A_1184, %mul3A_1185 : i32
    %multiple_of3A_1187 = tpu.assume_multiple %mul3A_1186, 128 : i32
    %sub3A_1188 = arith.subi %reduce_sum3A_1119, %multiple_of3A_1160 : i32
    %swap3A_1189 = arith.constant 9 : i32
    %swap3A_1190 = arith.index_cast %swap3A_1189 : i32 to index
    %swap3A_1191 = memref.load %arg9[%swap3A_1190] : memref<512xi32, #tpu.memory_space<smem>>
    memref.store %sub3A_1188, %arg9[%swap3A_1190] : memref<512xi32, #tpu.memory_space<smem>>
    %sub3A_1192 = arith.subi %reduce_sum3A_1133, %multiple_of3A_1187 : i32
    %swap3A_1193 = arith.constant 9 : i32
    %swap3A_1194 = arith.index_cast %swap3A_1193 : i32 to index
    %swap3A_1195 = memref.load %arg10[%swap3A_1194] : memref<512xi32, #tpu.memory_space<smem>>
    memref.store %sub3A_1192, %arg10[%swap3A_1194] : memref<512xi32, #tpu.memory_space<smem>>
    %dma_start3A_1196 = arith.constant 9 : i32
    %dma_start3A_1197 = arith.constant 9 : i32
    %dma_start3A_1198 = arith.constant 0 : i32
    %dma_start3A_1199 = arith.constant 0 : i32
    %dma_start3A_1200 = arith.constant 0 : i32
    %dma_start3A_1201 = tpu.memref_slice %arg11[%dma_start3A_1196, %dma_start3A_1199, %dma_start3A_1200] : memref<12x32x128xf32, #tpu.memory_space<vmem>> -> memref<1x32x128xf32, #tpu.memory_space<vmem>>
    %dma_start3A_1202 = tpu.memref_squeeze %dma_start3A_1201 : memref<1x32x128xf32, #tpu.memory_space<vmem>> -> memref<32x128xf32, #tpu.memory_space<vmem>>
    %dma_start3A_1203 = arith.constant 0 : i32
    %dma_start3A_1204 = tpu.memref_slice %arg4[%dma_start3A_1203, %multiple_of3A_1160] : memref<32x1000000xf32, #tpu.memory_space<hbm>> -> memref<32x128xf32, #tpu.memory_space<hbm>>
    %dma_start3A_1205 = tpu.memref_slice %arg14[%dma_start3A_1197, %dma_start3A_1198] : memref<12x2x!tpu.dma_semaphore, #tpu.memory_space<semaphore_mem>> -> memref<1x1x!tpu.dma_semaphore, #tpu.memory_space<semaphore_mem>>
    %dma_start3A_1206 = tpu.memref_squeeze %dma_start3A_1205 : memref<1x1x!tpu.dma_semaphore, #tpu.memory_space<semaphore_mem>> -> memref<!tpu.dma_semaphore, #tpu.memory_space<semaphore_mem>>
    %dma_start3A_1207 = arith.constant 0 : i32
    %dma_start3A_1208 = arith.constant 0 : i32
    %dma_start3A_1209 = tpu.memref_slice %arg11[%dma_start3A_1196, %dma_start3A_1207, %dma_start3A_1208] : memref<12x32x128xf32, #tpu.memory_space<vmem>> -> memref<1x32x128xf32, #tpu.memory_space<vmem>>
    %dma_start3A_1210 = tpu.memref_squeeze %dma_start3A_1209 : memref<1x32x128xf32, #tpu.memory_space<vmem>> -> memref<32x128xf32, #tpu.memory_space<vmem>>
    %dma_start3A_1211 = arith.constant 0 : i32
    %dma_start3A_1212 = tpu.memref_slice %arg4[%dma_start3A_1211, %multiple_of3A_1160] : memref<32x1000000xf32, #tpu.memory_space<hbm>> -> memref<32x128xf32, #tpu.memory_space<hbm>>
    tpu.enqueue_dma source(%dma_start3A_1212 : memref<32x128xf32, #tpu.memory_space<hbm>>) target(%dma_start3A_1210 : memref<32x128xf32, #tpu.memory_space<vmem>>) target_semaphore(%dma_start3A_1206 : memref<!tpu.dma_semaphore, #tpu.memory_space<semaphore_mem>>)
    %dma_start3A_1213 = arith.constant 9 : i32
    %dma_start3A_1214 = arith.constant 9 : i32
    %dma_start3A_1215 = arith.constant 1 : i32
    %dma_start3A_1216 = arith.constant 0 : i32
    %dma_start3A_1217 = arith.constant 0 : i32
    %dma_start3A_1218 = tpu.memref_slice %arg12[%dma_start3A_1213, %dma_start3A_1216, %dma_start3A_1217] : memref<12x32x128xf32, #tpu.memory_space<vmem>> -> memref<1x32x128xf32, #tpu.memory_space<vmem>>
    %dma_start3A_1219 = tpu.memref_squeeze %dma_start3A_1218 : memref<1x32x128xf32, #tpu.memory_space<vmem>> -> memref<32x128xf32, #tpu.memory_space<vmem>>
    %dma_start3A_1220 = arith.constant 0 : i32
    %dma_start3A_1221 = tpu.memref_slice %arg5[%dma_start3A_1220, %multiple_of3A_1187] : memref<32x1000000xf32, #tpu.memory_space<hbm>> -> memref<32x128xf32, #tpu.memory_space<hbm>>
    %dma_start3A_1222 = tpu.memref_slice %arg14[%dma_start3A_1214, %dma_start3A_1215] : memref<12x2x!tpu.dma_semaphore, #tpu.memory_space<semaphore_mem>> -> memref<1x1x!tpu.dma_semaphore, #tpu.memory_space<semaphore_mem>>
    %dma_start3A_1223 = tpu.memref_squeeze %dma_start3A_1222 : memref<1x1x!tpu.dma_semaphore, #tpu.memory_space<semaphore_mem>> -> memref<!tpu.dma_semaphore, #tpu.memory_space<semaphore_mem>>
    %dma_start3A_1224 = arith.constant 0 : i32
    %dma_start3A_1225 = arith.constant 0 : i32
    %dma_start3A_1226 = tpu.memref_slice %arg12[%dma_start3A_1213, %dma_start3A_1224, %dma_start3A_1225] : memref<12x32x128xf32, #tpu.memory_space<vmem>> -> memref<1x32x128xf32, #tpu.memory_space<vmem>>
    %dma_start3A_1227 = tpu.memref_squeeze %dma_start3A_1226 : memref<1x32x128xf32, #tpu.memory_space<vmem>> -> memref<32x128xf32, #tpu.memory_space<vmem>>
    %dma_start3A_1228 = arith.constant 0 : i32
    %dma_start3A_1229 = tpu.memref_slice %arg5[%dma_start3A_1228, %multiple_of3A_1187] : memref<32x1000000xf32, #tpu.memory_space<hbm>> -> memref<32x128xf32, #tpu.memory_space<hbm>>
    tpu.enqueue_dma source(%dma_start3A_1229 : memref<32x128xf32, #tpu.memory_space<hbm>>) target(%dma_start3A_1227 : memref<32x128xf32, #tpu.memory_space<vmem>>) target_semaphore(%dma_start3A_1223 : memref<!tpu.dma_semaphore, #tpu.memory_space<semaphore_mem>>)
    %multiple_of3A_1230 = arith.constant 0 : i32
    %multiple_of3A_1231 = tpu.assume_multiple %multiple_of3A_1230, 16 : i32
    %get3A_1232 = arith.index_cast %multiple_of3A_1231 : i32 to index
    %get3A_1233 = tpu.vector_load %arg7[%get3A_1232] {strides = array<i32>} : memref<512xi32, #tpu.memory_space<vmem>>, vector<16xi32>,
    %rem3A_1234 = arith.constant 10 : i32
    %rem3A_1235 = arith.constant 16 : i32
    %rem3A_1236 = arith.remsi %rem3A_1234, %rem3A_1235 : i32
    %eq3A_1237 = vector.broadcast %rem3A_1236 : i32 to vector<16xi32>
    %eq3A_1238 = arith.cmpi eq, %iota3A, %eq3A_1237 : vector<16xi32>
    %select_n3A_1239 = arith.select %eq3A_1238, %get3A_1233, %broadcast_in_dim3A_3 : vector<16xi1>, vector<16xi32>
    %reduce_sum3A_1240 = arith.constant true
    %reduce_sum3A_1241 = vector.broadcast %reduce_sum3A_1240 : i1 to vector<16xi1>
    %reduce_sum3A_1242 = tpu.scan <sum>, %select_n3A_1239 masked %reduce_sum3A_1241 : vector<16xi32>, vector<16xi1> -> vector<16xi32>
    %reduce_sum3A_1243 = vector.extract %reduce_sum3A_1242[15] : i32 from vector<16xi32>
    %multiple_of3A_1244 = arith.constant 0 : i32
    %multiple_of3A_1245 = tpu.assume_multiple %multiple_of3A_1244, 16 : i32
    %get3A_1246 = arith.index_cast %multiple_of3A_1245 : i32 to index
    %get3A_1247 = tpu.vector_load %arg8[%get3A_1246] {strides = array<i32>} : memref<512xi32, #tpu.memory_space<vmem>>, vector<16xi32>,
    %rem3A_1248 = arith.constant 10 : i32
    %rem3A_1249 = arith.constant 16 : i32
    %rem3A_1250 = arith.remsi %rem3A_1248, %rem3A_1249 : i32
    %eq3A_1251 = vector.broadcast %rem3A_1250 : i32 to vector<16xi32>
    %eq3A_1252 = arith.cmpi eq, %iota3A, %eq3A_1251 : vector<16xi32>
    %select_n3A_1253 = arith.select %eq3A_1252, %get3A_1247, %broadcast_in_dim3A_3 : vector<16xi1>, vector<16xi32>
    %reduce_sum3A_1254 = arith.constant true
    %reduce_sum3A_1255 = vector.broadcast %reduce_sum3A_1254 : i1 to vector<16xi1>
    %reduce_sum3A_1256 = tpu.scan <sum>, %select_n3A_1253 masked %reduce_sum3A_1255 : vector<16xi32>, vector<16xi1> -> vector<16xi32>
    %reduce_sum3A_1257 = vector.extract %reduce_sum3A_1256[15] : i32 from vector<16xi32>
    %jit3A_1258 = arith.constant 128 : i32
    %div3A_1259 = arith.divsi %reduce_sum3A_1243, %jit3A_1258 : i32
    %sign3A_1260 = arith.constant 0 : i32
    %sign3A_1261 = arith.cmpi sgt, %reduce_sum3A_1243, %sign3A_1260 : i32
    %sign3A_1262 = arith.extui %sign3A_1261 : i1 to i32
    %sign3A_1263 = arith.constant 0 : i32
    %sign3A_1264 = arith.cmpi slt, %reduce_sum3A_1243, %sign3A_1263 : i32
    %sign3A_1265 = arith.extui %sign3A_1264 : i1 to i32
    %sign3A_1266 = arith.subi %sign3A_1262, %sign3A_1265 : i32
    %sign3A_1267 = arith.constant 0 : i32
    %sign3A_1268 = arith.cmpi sgt, %jit3A_1258, %sign3A_1267 : i32
    %sign3A_1269 = arith.extui %sign3A_1268 : i1 to i32
    %sign3A_1270 = arith.constant 0 : i32
    %sign3A_1271 = arith.cmpi slt, %jit3A_1258, %sign3A_1270 : i32
    %sign3A_1272 = arith.extui %sign3A_1271 : i1 to i32
    %sign3A_1273 = arith.subi %sign3A_1269, %sign3A_1272 : i32
    %ne3A_1274 = arith.cmpi ne, %sign3A_1266, %sign3A_1273 : i32
    %rem3A_1275 = arith.remsi %reduce_sum3A_1243, %jit3A_1258 : i32
    %ne3A_1276 = arith.constant 0 : i32
    %ne3A_1277 = arith.cmpi ne, %rem3A_1275, %ne3A_1276 : i32
    %and3A_1278 = arith.andi %ne3A_1274, %ne3A_1277 : i1
    %sub3A_1279 = arith.constant 1 : i32
    %sub3A_1280 = arith.subi %div3A_1259, %sub3A_1279 : i32
    %select_n3A_1281 = arith.select %and3A_1278, %sub3A_1280, %div3A_1259 : i32
    %mul3A_1282 = arith.constant 128 : i32
    %mul3A_1283 = arith.muli %select_n3A_1281, %mul3A_1282 : i32
    %multiple_of3A_1284 = tpu.assume_multiple %mul3A_1283, 128 : i32
    %jit3A_1285 = arith.constant 128 : i32
    %div3A_1286 = arith.divsi %reduce_sum3A_1257, %jit3A_1285 : i32
    %sign3A_1287 = arith.constant 0 : i32
    %sign3A_1288 = arith.cmpi sgt, %reduce_sum3A_1257, %sign3A_1287 : i32
    %sign3A_1289 = arith.extui %sign3A_1288 : i1 to i32
    %sign3A_1290 = arith.constant 0 : i32
    %sign3A_1291 = arith.cmpi slt, %reduce_sum3A_1257, %sign3A_1290 : i32
    %sign3A_1292 = arith.extui %sign3A_1291 : i1 to i32
    %sign3A_1293 = arith.subi %sign3A_1289, %sign3A_1292 : i32
    %sign3A_1294 = arith.constant 0 : i32
    %sign3A_1295 = arith.cmpi sgt, %jit3A_1285, %sign3A_1294 : i32
    %sign3A_1296 = arith.extui %sign3A_1295 : i1 to i32
    %sign3A_1297 = arith.constant 0 : i32
    %sign3A_1298 = arith.cmpi slt, %jit3A_1285, %sign3A_1297 : i32
    %sign3A_1299 = arith.extui %sign3A_1298 : i1 to i32
    %sign3A_1300 = arith.subi %sign3A_1296, %sign3A_1299 : i32
    %ne3A_1301 = arith.cmpi ne, %sign3A_1293, %sign3A_1300 : i32
    %rem3A_1302 = arith.remsi %reduce_sum3A_1257, %jit3A_1285 : i32
    %ne3A_1303 = arith.constant 0 : i32
    %ne3A_1304 = arith.cmpi ne, %rem3A_1302, %ne3A_1303 : i32
    %and3A_1305 = arith.andi %ne3A_1301, %ne3A_1304 : i1
    %sub3A_1306 = arith.constant 1 : i32
    %sub3A_1307 = arith.subi %div3A_1286, %sub3A_1306 : i32
    %select_n3A_1308 = arith.select %and3A_1305, %sub3A_1307, %div3A_1286 : i32
    %mul3A_1309 = arith.constant 128 : i32
    %mul3A_1310 = arith.muli %select_n3A_1308, %mul3A_1309 : i32
    %multiple_of3A_1311 = tpu.assume_multiple %mul3A_1310, 128 : i32
    %sub3A_1312 = arith.subi %reduce_sum3A_1243, %multiple_of3A_1284 : i32
    %swap3A_1313 = arith.constant 10 : i32
    %swap3A_1314 = arith.index_cast %swap3A_1313 : i32 to index
    %swap3A_1315 = memref.load %arg9[%swap3A_1314] : memref<512xi32, #tpu.memory_space<smem>>
    memref.store %sub3A_1312, %arg9[%swap3A_1314] : memref<512xi32, #tpu.memory_space<smem>>
    %sub3A_1316 = arith.subi %reduce_sum3A_1257, %multiple_of3A_1311 : i32
    %swap3A_1317 = arith.constant 10 : i32
    %swap3A_1318 = arith.index_cast %swap3A_1317 : i32 to index
    %swap3A_1319 = memref.load %arg10[%swap3A_1318] : memref<512xi32, #tpu.memory_space<smem>>
    memref.store %sub3A_1316, %arg10[%swap3A_1318] : memref<512xi32, #tpu.memory_space<smem>>
    %dma_start3A_1320 = arith.constant 10 : i32
    %dma_start3A_1321 = arith.constant 10 : i32
    %dma_start3A_1322 = arith.constant 0 : i32
    %dma_start3A_1323 = arith.constant 0 : i32
    %dma_start3A_1324 = arith.constant 0 : i32
    %dma_start3A_1325 = tpu.memref_slice %arg11[%dma_start3A_1320, %dma_start3A_1323, %dma_start3A_1324] : memref<12x32x128xf32, #tpu.memory_space<vmem>> -> memref<1x32x128xf32, #tpu.memory_space<vmem>>
    %dma_start3A_1326 = tpu.memref_squeeze %dma_start3A_1325 : memref<1x32x128xf32, #tpu.memory_space<vmem>> -> memref<32x128xf32, #tpu.memory_space<vmem>>
    %dma_start3A_1327 = arith.constant 0 : i32
    %dma_start3A_1328 = tpu.memref_slice %arg4[%dma_start3A_1327, %multiple_of3A_1284] : memref<32x1000000xf32, #tpu.memory_space<hbm>> -> memref<32x128xf32, #tpu.memory_space<hbm>>
    %dma_start3A_1329 = tpu.memref_slice %arg14[%dma_start3A_1321, %dma_start3A_1322] : memref<12x2x!tpu.dma_semaphore, #tpu.memory_space<semaphore_mem>> -> memref<1x1x!tpu.dma_semaphore, #tpu.memory_space<semaphore_mem>>
    %dma_start3A_1330 = tpu.memref_squeeze %dma_start3A_1329 : memref<1x1x!tpu.dma_semaphore, #tpu.memory_space<semaphore_mem>> -> memref<!tpu.dma_semaphore, #tpu.memory_space<semaphore_mem>>
    %dma_start3A_1331 = arith.constant 0 : i32
    %dma_start3A_1332 = arith.constant 0 : i32
    %dma_start3A_1333 = tpu.memref_slice %arg11[%dma_start3A_1320, %dma_start3A_1331, %dma_start3A_1332] : memref<12x32x128xf32, #tpu.memory_space<vmem>> -> memref<1x32x128xf32, #tpu.memory_space<vmem>>
    %dma_start3A_1334 = tpu.memref_squeeze %dma_start3A_1333 : memref<1x32x128xf32, #tpu.memory_space<vmem>> -> memref<32x128xf32, #tpu.memory_space<vmem>>
    %dma_start3A_1335 = arith.constant 0 : i32
    %dma_start3A_1336 = tpu.memref_slice %arg4[%dma_start3A_1335, %multiple_of3A_1284] : memref<32x1000000xf32, #tpu.memory_space<hbm>> -> memref<32x128xf32, #tpu.memory_space<hbm>>
    tpu.enqueue_dma source(%dma_start3A_1336 : memref<32x128xf32, #tpu.memory_space<hbm>>) target(%dma_start3A_1334 : memref<32x128xf32, #tpu.memory_space<vmem>>) target_semaphore(%dma_start3A_1330 : memref<!tpu.dma_semaphore, #tpu.memory_space<semaphore_mem>>)
    %dma_start3A_1337 = arith.constant 10 : i32
    %dma_start3A_1338 = arith.constant 10 : i32
    %dma_start3A_1339 = arith.constant 1 : i32
    %dma_start3A_1340 = arith.constant 0 : i32
    %dma_start3A_1341 = arith.constant 0 : i32
    %dma_start3A_1342 = tpu.memref_slice %arg12[%dma_start3A_1337, %dma_start3A_1340, %dma_start3A_1341] : memref<12x32x128xf32, #tpu.memory_space<vmem>> -> memref<1x32x128xf32, #tpu.memory_space<vmem>>
    %dma_start3A_1343 = tpu.memref_squeeze %dma_start3A_1342 : memref<1x32x128xf32, #tpu.memory_space<vmem>> -> memref<32x128xf32, #tpu.memory_space<vmem>>
    %dma_start3A_1344 = arith.constant 0 : i32
    %dma_start3A_1345 = tpu.memref_slice %arg5[%dma_start3A_1344, %multiple_of3A_1311] : memref<32x1000000xf32, #tpu.memory_space<hbm>> -> memref<32x128xf32, #tpu.memory_space<hbm>>
    %dma_start3A_1346 = tpu.memref_slice %arg14[%dma_start3A_1338, %dma_start3A_1339] : memref<12x2x!tpu.dma_semaphore, #tpu.memory_space<semaphore_mem>> -> memref<1x1x!tpu.dma_semaphore, #tpu.memory_space<semaphore_mem>>
    %dma_start3A_1347 = tpu.memref_squeeze %dma_start3A_1346 : memref<1x1x!tpu.dma_semaphore, #tpu.memory_space<semaphore_mem>> -> memref<!tpu.dma_semaphore, #tpu.memory_space<semaphore_mem>>
    %dma_start3A_1348 = arith.constant 0 : i32
    %dma_start3A_1349 = arith.constant 0 : i32
    %dma_start3A_1350 = tpu.memref_slice %arg12[%dma_start3A_1337, %dma_start3A_1348, %dma_start3A_1349] : memref<12x32x128xf32, #tpu.memory_space<vmem>> -> memref<1x32x128xf32, #tpu.memory_space<vmem>>
    %dma_start3A_1351 = tpu.memref_squeeze %dma_start3A_1350 : memref<1x32x128xf32, #tpu.memory_space<vmem>> -> memref<32x128xf32, #tpu.memory_space<vmem>>
    %dma_start3A_1352 = arith.constant 0 : i32
    %dma_start3A_1353 = tpu.memref_slice %arg5[%dma_start3A_1352, %multiple_of3A_1311] : memref<32x1000000xf32, #tpu.memory_space<hbm>> -> memref<32x128xf32, #tpu.memory_space<hbm>>
    tpu.enqueue_dma source(%dma_start3A_1353 : memref<32x128xf32, #tpu.memory_space<hbm>>) target(%dma_start3A_1351 : memref<32x128xf32, #tpu.memory_space<vmem>>) target_semaphore(%dma_start3A_1347 : memref<!tpu.dma_semaphore, #tpu.memory_space<semaphore_mem>>)
    %multiple_of3A_1354 = arith.constant 0 : i32
    %multiple_of3A_1355 = tpu.assume_multiple %multiple_of3A_1354, 16 : i32
    %get3A_1356 = arith.index_cast %multiple_of3A_1355 : i32 to index
    %get3A_1357 = tpu.vector_load %arg7[%get3A_1356] {strides = array<i32>} : memref<512xi32, #tpu.memory_space<vmem>>, vector<16xi32>,
    %rem3A_1358 = arith.constant 11 : i32
    %rem3A_1359 = arith.constant 16 : i32
    %rem3A_1360 = arith.remsi %rem3A_1358, %rem3A_1359 : i32
    %eq3A_1361 = vector.broadcast %rem3A_1360 : i32 to vector<16xi32>
    %eq3A_1362 = arith.cmpi eq, %iota3A, %eq3A_1361 : vector<16xi32>
    %select_n3A_1363 = arith.select %eq3A_1362, %get3A_1357, %broadcast_in_dim3A_3 : vector<16xi1>, vector<16xi32>
    %reduce_sum3A_1364 = arith.constant true
    %reduce_sum3A_1365 = vector.broadcast %reduce_sum3A_1364 : i1 to vector<16xi1>
    %reduce_sum3A_1366 = tpu.scan <sum>, %select_n3A_1363 masked %reduce_sum3A_1365 : vector<16xi32>, vector<16xi1> -> vector<16xi32>
    %reduce_sum3A_1367 = vector.extract %reduce_sum3A_1366[15] : i32 from vector<16xi32>
    %multiple_of3A_1368 = arith.constant 0 : i32
    %multiple_of3A_1369 = tpu.assume_multiple %multiple_of3A_1368, 16 : i32
    %get3A_1370 = arith.index_cast %multiple_of3A_1369 : i32 to index
    %get3A_1371 = tpu.vector_load %arg8[%get3A_1370] {strides = array<i32>} : memref<512xi32, #tpu.memory_space<vmem>>, vector<16xi32>,
    %rem3A_1372 = arith.constant 11 : i32
    %rem3A_1373 = arith.constant 16 : i32
    %rem3A_1374 = arith.remsi %rem3A_1372, %rem3A_1373 : i32
    %eq3A_1375 = vector.broadcast %rem3A_1374 : i32 to vector<16xi32>
    %eq3A_1376 = arith.cmpi eq, %iota3A, %eq3A_1375 : vector<16xi32>
    %select_n3A_1377 = arith.select %eq3A_1376, %get3A_1371, %broadcast_in_dim3A_3 : vector<16xi1>, vector<16xi32>
    %reduce_sum3A_1378 = arith.constant true
    %reduce_sum3A_1379 = vector.broadcast %reduce_sum3A_1378 : i1 to vector<16xi1>
    %reduce_sum3A_1380 = tpu.scan <sum>, %select_n3A_1377 masked %reduce_sum3A_1379 : vector<16xi32>, vector<16xi1> -> vector<16xi32>
    %reduce_sum3A_1381 = vector.extract %reduce_sum3A_1380[15] : i32 from vector<16xi32>
    %jit3A_1382 = arith.constant 128 : i32
    %div3A_1383 = arith.divsi %reduce_sum3A_1367, %jit3A_1382 : i32
    %sign3A_1384 = arith.constant 0 : i32
    %sign3A_1385 = arith.cmpi sgt, %reduce_sum3A_1367, %sign3A_1384 : i32
    %sign3A_1386 = arith.extui %sign3A_1385 : i1 to i32
    %sign3A_1387 = arith.constant 0 : i32
    %sign3A_1388 = arith.cmpi slt, %reduce_sum3A_1367, %sign3A_1387 : i32
    %sign3A_1389 = arith.extui %sign3A_1388 : i1 to i32
    %sign3A_1390 = arith.subi %sign3A_1386, %sign3A_1389 : i32
    %sign3A_1391 = arith.constant 0 : i32
    %sign3A_1392 = arith.cmpi sgt, %jit3A_1382, %sign3A_1391 : i32
    %sign3A_1393 = arith.extui %sign3A_1392 : i1 to i32
    %sign3A_1394 = arith.constant 0 : i32
    %sign3A_1395 = arith.cmpi slt, %jit3A_1382, %sign3A_1394 : i32
    %sign3A_1396 = arith.extui %sign3A_1395 : i1 to i32
    %sign3A_1397 = arith.subi %sign3A_1393, %sign3A_1396 : i32
    %ne3A_1398 = arith.cmpi ne, %sign3A_1390, %sign3A_1397 : i32
    %rem3A_1399 = arith.remsi %reduce_sum3A_1367, %jit3A_1382 : i32
    %ne3A_1400 = arith.constant 0 : i32
    %ne3A_1401 = arith.cmpi ne, %rem3A_1399, %ne3A_1400 : i32
    %and3A_1402 = arith.andi %ne3A_1398, %ne3A_1401 : i1
    %sub3A_1403 = arith.constant 1 : i32
    %sub3A_1404 = arith.subi %div3A_1383, %sub3A_1403 : i32
    %select_n3A_1405 = arith.select %and3A_1402, %sub3A_1404, %div3A_1383 : i32
    %mul3A_1406 = arith.constant 128 : i32
    %mul3A_1407 = arith.muli %select_n3A_1405, %mul3A_1406 : i32
    %multiple_of3A_1408 = tpu.assume_multiple %mul3A_1407, 128 : i32
    %jit3A_1409 = arith.constant 128 : i32
    %div3A_1410 = arith.divsi %reduce_sum3A_1381, %jit3A_1409 : i32
    %sign3A_1411 = arith.constant 0 : i32
    %sign3A_1412 = arith.cmpi sgt, %reduce_sum3A_1381, %sign3A_1411 : i32
    %sign3A_1413 = arith.extui %sign3A_1412 : i1 to i32
    %sign3A_1414 = arith.constant 0 : i32
    %sign3A_1415 = arith.cmpi slt, %reduce_sum3A_1381, %sign3A_1414 : i32
    %sign3A_1416 = arith.extui %sign3A_1415 : i1 to i32
    %sign3A_1417 = arith.subi %sign3A_1413, %sign3A_1416 : i32
    %sign3A_1418 = arith.constant 0 : i32
    %sign3A_1419 = arith.cmpi sgt, %jit3A_1409, %sign3A_1418 : i32
    %sign3A_1420 = arith.extui %sign3A_1419 : i1 to i32
    %sign3A_1421 = arith.constant 0 : i32
    %sign3A_1422 = arith.cmpi slt, %jit3A_1409, %sign3A_1421 : i32
    %sign3A_1423 = arith.extui %sign3A_1422 : i1 to i32
    %sign3A_1424 = arith.subi %sign3A_1420, %sign3A_1423 : i32
    %ne3A_1425 = arith.cmpi ne, %sign3A_1417, %sign3A_1424 : i32
    %rem3A_1426 = arith.remsi %reduce_sum3A_1381, %jit3A_1409 : i32
    %ne3A_1427 = arith.constant 0 : i32
    %ne3A_1428 = arith.cmpi ne, %rem3A_1426, %ne3A_1427 : i32
    %and3A_1429 = arith.andi %ne3A_1425, %ne3A_1428 : i1
    %sub3A_1430 = arith.constant 1 : i32
    %sub3A_1431 = arith.subi %div3A_1410, %sub3A_1430 : i32
    %select_n3A_1432 = arith.select %and3A_1429, %sub3A_1431, %div3A_1410 : i32
    %mul3A_1433 = arith.constant 128 : i32
    %mul3A_1434 = arith.muli %select_n3A_1432, %mul3A_1433 : i32
    %multiple_of3A_1435 = tpu.assume_multiple %mul3A_1434, 128 : i32
    %sub3A_1436 = arith.subi %reduce_sum3A_1367, %multiple_of3A_1408 : i32
    %swap3A_1437 = arith.constant 11 : i32
    %swap3A_1438 = arith.index_cast %swap3A_1437 : i32 to index
    %swap3A_1439 = memref.load %arg9[%swap3A_1438] : memref<512xi32, #tpu.memory_space<smem>>
    memref.store %sub3A_1436, %arg9[%swap3A_1438] : memref<512xi32, #tpu.memory_space<smem>>
    %sub3A_1440 = arith.subi %reduce_sum3A_1381, %multiple_of3A_1435 : i32
    %swap3A_1441 = arith.constant 11 : i32
    %swap3A_1442 = arith.index_cast %swap3A_1441 : i32 to index
    %swap3A_1443 = memref.load %arg10[%swap3A_1442] : memref<512xi32, #tpu.memory_space<smem>>
    memref.store %sub3A_1440, %arg10[%swap3A_1442] : memref<512xi32, #tpu.memory_space<smem>>
    %dma_start3A_1444 = arith.constant 11 : i32
    %dma_start3A_1445 = arith.constant 11 : i32
    %dma_start3A_1446 = arith.constant 0 : i32
    %dma_start3A_1447 = arith.constant 0 : i32
    %dma_start3A_1448 = arith.constant 0 : i32
    %dma_start3A_1449 = tpu.memref_slice %arg11[%dma_start3A_1444, %dma_start3A_1447, %dma_start3A_1448] : memref<12x32x128xf32, #tpu.memory_space<vmem>> -> memref<1x32x128xf32, #tpu.memory_space<vmem>>
    %dma_start3A_1450 = tpu.memref_squeeze %dma_start3A_1449 : memref<1x32x128xf32, #tpu.memory_space<vmem>> -> memref<32x128xf32, #tpu.memory_space<vmem>>
    %dma_start3A_1451 = arith.constant 0 : i32
    %dma_start3A_1452 = tpu.memref_slice %arg4[%dma_start3A_1451, %multiple_of3A_1408] : memref<32x1000000xf32, #tpu.memory_space<hbm>> -> memref<32x128xf32, #tpu.memory_space<hbm>>
    %dma_start3A_1453 = tpu.memref_slice %arg14[%dma_start3A_1445, %dma_start3A_1446] : memref<12x2x!tpu.dma_semaphore, #tpu.memory_space<semaphore_mem>> -> memref<1x1x!tpu.dma_semaphore, #tpu.memory_space<semaphore_mem>>
    %dma_start3A_1454 = tpu.memref_squeeze %dma_start3A_1453 : memref<1x1x!tpu.dma_semaphore, #tpu.memory_space<semaphore_mem>> -> memref<!tpu.dma_semaphore, #tpu.memory_space<semaphore_mem>>
    %dma_start3A_1455 = arith.constant 0 : i32
    %dma_start3A_1456 = arith.constant 0 : i32
    %dma_start3A_1457 = tpu.memref_slice %arg11[%dma_start3A_1444, %dma_start3A_1455, %dma_start3A_1456] : memref<12x32x128xf32, #tpu.memory_space<vmem>> -> memref<1x32x128xf32, #tpu.memory_space<vmem>>
    %dma_start3A_1458 = tpu.memref_squeeze %dma_start3A_1457 : memref<1x32x128xf32, #tpu.memory_space<vmem>> -> memref<32x128xf32, #tpu.memory_space<vmem>>
    %dma_start3A_1459 = arith.constant 0 : i32
    %dma_start3A_1460 = tpu.memref_slice %arg4[%dma_start3A_1459, %multiple_of3A_1408] : memref<32x1000000xf32, #tpu.memory_space<hbm>> -> memref<32x128xf32, #tpu.memory_space<hbm>>
    tpu.enqueue_dma source(%dma_start3A_1460 : memref<32x128xf32, #tpu.memory_space<hbm>>) target(%dma_start3A_1458 : memref<32x128xf32, #tpu.memory_space<vmem>>) target_semaphore(%dma_start3A_1454 : memref<!tpu.dma_semaphore, #tpu.memory_space<semaphore_mem>>)
    %dma_start3A_1461 = arith.constant 11 : i32
    %dma_start3A_1462 = arith.constant 11 : i32
    %dma_start3A_1463 = arith.constant 1 : i32
    %dma_start3A_1464 = arith.constant 0 : i32
    %dma_start3A_1465 = arith.constant 0 : i32
    %dma_start3A_1466 = tpu.memref_slice %arg12[%dma_start3A_1461, %dma_start3A_1464, %dma_start3A_1465] : memref<12x32x128xf32, #tpu.memory_space<vmem>> -> memref<1x32x128xf32, #tpu.memory_space<vmem>>
    %dma_start3A_1467 = tpu.memref_squeeze %dma_start3A_1466 : memref<1x32x128xf32, #tpu.memory_space<vmem>> -> memref<32x128xf32, #tpu.memory_space<vmem>>
    %dma_start3A_1468 = arith.constant 0 : i32
    %dma_start3A_1469 = tpu.memref_slice %arg5[%dma_start3A_1468, %multiple_of3A_1435] : memref<32x1000000xf32, #tpu.memory_space<hbm>> -> memref<32x128xf32, #tpu.memory_space<hbm>>
    %dma_start3A_1470 = tpu.memref_slice %arg14[%dma_start3A_1462, %dma_start3A_1463] : memref<12x2x!tpu.dma_semaphore, #tpu.memory_space<semaphore_mem>> -> memref<1x1x!tpu.dma_semaphore, #tpu.memory_space<semaphore_mem>>
    %dma_start3A_1471 = tpu.memref_squeeze %dma_start3A_1470 : memref<1x1x!tpu.dma_semaphore, #tpu.memory_space<semaphore_mem>> -> memref<!tpu.dma_semaphore, #tpu.memory_space<semaphore_mem>>
    %dma_start3A_1472 = arith.constant 0 : i32
    %dma_start3A_1473 = arith.constant 0 : i32
    %dma_start3A_1474 = tpu.memref_slice %arg12[%dma_start3A_1461, %dma_start3A_1472, %dma_start3A_1473] : memref<12x32x128xf32, #tpu.memory_space<vmem>> -> memref<1x32x128xf32, #tpu.memory_space<vmem>>
    %dma_start3A_1475 = tpu.memref_squeeze %dma_start3A_1474 : memref<1x32x128xf32, #tpu.memory_space<vmem>> -> memref<32x128xf32, #tpu.memory_space<vmem>>
    %dma_start3A_1476 = arith.constant 0 : i32
    %dma_start3A_1477 = tpu.memref_slice %arg5[%dma_start3A_1476, %multiple_of3A_1435] : memref<32x1000000xf32, #tpu.memory_space<hbm>> -> memref<32x128xf32, #tpu.memory_space<hbm>>
    tpu.enqueue_dma source(%dma_start3A_1477 : memref<32x128xf32, #tpu.memory_space<hbm>>) target(%dma_start3A_1475 : memref<32x128xf32, #tpu.memory_space<vmem>>) target_semaphore(%dma_start3A_1471 : memref<!tpu.dma_semaphore, #tpu.memory_space<semaphore_mem>>)
    %iota3A_1478 = tpu.iota {dimensions = array<i32: 0>} : vector<16xi32>
    %add3A_1479 = arith.constant 16 : i32
    %add3A_1480 = vector.broadcast %add3A_1479 : i32 to vector<16xi32>
    %add3A_1481 = arith.addi %iota3A_1478, %add3A_1480 : vector<16xi32>
    %eq3A_1482 = arith.constant 0 : i32
    %eq3A_1483 = vector.broadcast %eq3A_1482 : i32 to vector<16xi32>
    %eq3A_1484 = arith.cmpi eq, %iota3A_1478, %eq3A_1483 : vector<16xi32>
    %scan3A = arith.constant 0 : i32
    %scan3A_1485 = arith.constant 0 : i32
    %scan3A_1486 = arith.constant 256 : i32
    %scan3A_1487 = arith.addi %scan3A_1485, %scan3A_1486 : i32
    %scan3A_1488 = arith.constant 1 : i32
    scf.for %scan3A_1490 = %scan3A_1485 to %scan3A_1487 step %scan3A_1488  : i32 {
      %mul3A_1491 = arith.constant 2 : i32
      %mul3A_1492 = arith.muli %scan3A_1490, %mul3A_1491 : i32
      %rem3A_1493 = arith.constant 12 : i32
      %rem3A_1494 = arith.remsi %mul3A_1492, %rem3A_1493 : i32
      %dma_wait3A = arith.constant 0 : i32
      %dma_wait3A_1495 = arith.constant 0 : i32
      %dma_wait3A_1496 = arith.constant 0 : i32
      %dma_wait3A_1497 = tpu.memref_slice %arg11[%rem3A_1494, %dma_wait3A_1495, %dma_wait3A_1496] : memref<12x32x128xf32, #tpu.memory_space<vmem>> -> memref<1x32x128xf32, #tpu.memory_space<vmem>>
      %dma_wait3A_1498 = tpu.memref_squeeze %dma_wait3A_1497 : memref<1x32x128xf32, #tpu.memory_space<vmem>> -> memref<32x128xf32, #tpu.memory_space<vmem>>
      %dma_wait3A_1499 = arith.constant 0 : i32
      %dma_wait3A_1500 = arith.constant 0 : i32
      %dma_wait3A_1501 = tpu.memref_slice %arg4[%dma_wait3A_1499, %dma_wait3A_1500] : memref<32x1000000xf32, #tpu.memory_space<hbm>> -> memref<32x128xf32, #tpu.memory_space<hbm>>
      %dma_wait3A_1502 = tpu.memref_slice %arg14[%rem3A_1494, %dma_wait3A] : memref<12x2x!tpu.dma_semaphore, #tpu.memory_space<semaphore_mem>> -> memref<1x1x!tpu.dma_semaphore, #tpu.memory_space<semaphore_mem>>
      %dma_wait3A_1503 = tpu.memref_squeeze %dma_wait3A_1502 : memref<1x1x!tpu.dma_semaphore, #tpu.memory_space<semaphore_mem>> -> memref<!tpu.dma_semaphore, #tpu.memory_space<semaphore_mem>>
      %dma_wait3A_1504 = arith.constant 0 : i32
      %dma_wait3A_1505 = arith.constant 0 : i32
      %dma_wait3A_1506 = tpu.memref_slice %arg11[%rem3A_1494, %dma_wait3A_1504, %dma_wait3A_1505] : memref<12x32x128xf32, #tpu.memory_space<vmem>> -> memref<1x32x128xf32, #tpu.memory_space<vmem>>
      %dma_wait3A_1507 = tpu.memref_squeeze %dma_wait3A_1506 : memref<1x32x128xf32, #tpu.memory_space<vmem>> -> memref<32x128xf32, #tpu.memory_space<vmem>>
      %dma_wait3A_1508 = arith.constant 0 : i32
      %dma_wait3A_1509 = arith.constant 0 : i32
      %dma_wait3A_1510 = tpu.memref_slice %arg4[%dma_wait3A_1508, %dma_wait3A_1509] : memref<32x1000000xf32, #tpu.memory_space<hbm>> -> memref<32x128xf32, #tpu.memory_space<hbm>>
      tpu.wait_dma2 semaphore(%dma_wait3A_1503 : memref<!tpu.dma_semaphore, #tpu.memory_space<semaphore_mem>>) src(%dma_wait3A_1510 : memref<32x128xf32, #tpu.memory_space<hbm>>) dst(%dma_wait3A_1507 : memref<32x128xf32, #tpu.memory_space<vmem>>)
      %dma_wait3A_1511 = arith.constant 1 : i32
      %dma_wait3A_1512 = arith.constant 0 : i32
      %dma_wait3A_1513 = arith.constant 0 : i32
      %dma_wait3A_1514 = tpu.memref_slice %arg12[%rem3A_1494, %dma_wait3A_1512, %dma_wait3A_1513] : memref<12x32x128xf32, #tpu.memory_space<vmem>> -> memref<1x32x128xf32, #tpu.memory_space<vmem>>
      %dma_wait3A_1515 = tpu.memref_squeeze %dma_wait3A_1514 : memref<1x32x128xf32, #tpu.memory_space<vmem>> -> memref<32x128xf32, #tpu.memory_space<vmem>>
      %dma_wait3A_1516 = arith.constant 0 : i32
      %dma_wait3A_1517 = arith.constant 0 : i32
      %dma_wait3A_1518 = tpu.memref_slice %arg5[%dma_wait3A_1516, %dma_wait3A_1517] : memref<32x1000000xf32, #tpu.memory_space<hbm>> -> memref<32x128xf32, #tpu.memory_space<hbm>>
      %dma_wait3A_1519 = tpu.memref_slice %arg14[%rem3A_1494, %dma_wait3A_1511] : memref<12x2x!tpu.dma_semaphore, #tpu.memory_space<semaphore_mem>> -> memref<1x1x!tpu.dma_semaphore, #tpu.memory_space<semaphore_mem>>
      %dma_wait3A_1520 = tpu.memref_squeeze %dma_wait3A_1519 : memref<1x1x!tpu.dma_semaphore, #tpu.memory_space<semaphore_mem>> -> memref<!tpu.dma_semaphore, #tpu.memory_space<semaphore_mem>>
      %dma_wait3A_1521 = arith.constant 0 : i32
      %dma_wait3A_1522 = arith.constant 0 : i32
      %dma_wait3A_1523 = tpu.memref_slice %arg12[%rem3A_1494, %dma_wait3A_1521, %dma_wait3A_1522] : memref<12x32x128xf32, #tpu.memory_space<vmem>> -> memref<1x32x128xf32, #tpu.memory_space<vmem>>
      %dma_wait3A_1524 = tpu.memref_squeeze %dma_wait3A_1523 : memref<1x32x128xf32, #tpu.memory_space<vmem>> -> memref<32x128xf32, #tpu.memory_space<vmem>>
      %dma_wait3A_1525 = arith.constant 0 : i32
      %dma_wait3A_1526 = arith.constant 0 : i32
      %dma_wait3A_1527 = tpu.memref_slice %arg5[%dma_wait3A_1525, %dma_wait3A_1526] : memref<32x1000000xf32, #tpu.memory_space<hbm>> -> memref<32x128xf32, #tpu.memory_space<hbm>>
      tpu.wait_dma2 semaphore(%dma_wait3A_1520 : memref<!tpu.dma_semaphore, #tpu.memory_space<semaphore_mem>>) src(%dma_wait3A_1527 : memref<32x128xf32, #tpu.memory_space<hbm>>) dst(%dma_wait3A_1524 : memref<32x128xf32, #tpu.memory_space<vmem>>)
      %get3A_1528 = arith.index_cast %mul3A_1492 : i32 to index
      %get3A_1529 = memref.load %arg9[%get3A_1528] : memref<512xi32, #tpu.memory_space<smem>>
      %broadcast_in_dim3A_1530 = vector.broadcast %get3A_1529 : i32 to vector<16xi32>
      %get3A_1531 = arith.index_cast %mul3A_1492 : i32 to index
      %get3A_1532 = memref.load %arg10[%get3A_1531] : memref<512xi32, #tpu.memory_space<smem>>
      %broadcast_in_dim3A_1533 = vector.broadcast %get3A_1532 : i32 to vector<16xi32>
      %broadcast_in_dim3A_1534 = vector.broadcast %rem3A_1494 : i32 to vector<16xi32>
      %gather3A = tpu.vector_load_idx %arg11[%broadcast_in_dim3A_1534, %iota3A_1478, %broadcast_in_dim3A_1530] : memref<12x32x128xf32, #tpu.memory_space<vmem>>[vector<16xi32>, vector<16xi32>, vector<16xi32>], vector<16xf32>,
      %gather3A_1535 = tpu.vector_load_idx %arg11[%broadcast_in_dim3A_1534, %add3A_1481, %broadcast_in_dim3A_1530] : memref<12x32x128xf32, #tpu.memory_space<vmem>>[vector<16xi32>, vector<16xi32>, vector<16xi32>], vector<16xf32>,
      %gather3A_1536 = tpu.vector_load_idx %arg12[%broadcast_in_dim3A_1534, %iota3A_1478, %broadcast_in_dim3A_1533] : memref<12x32x128xf32, #tpu.memory_space<vmem>>[vector<16xi32>, vector<16xi32>, vector<16xi32>], vector<16xf32>,
      %gather3A_1537 = tpu.vector_load_idx %arg12[%broadcast_in_dim3A_1534, %add3A_1481, %broadcast_in_dim3A_1533] : memref<12x32x128xf32, #tpu.memory_space<vmem>>[vector<16xi32>, vector<16xi32>, vector<16xi32>], vector<16xf32>,
      %mul3A_1538 = arith.mulf %gather3A, %gather3A_1536 : vector<16xf32>
      %mul3A_1539 = arith.mulf %gather3A_1535, %gather3A_1537 : vector<16xf32>
      %add3A_1540 = arith.addf %mul3A_1538, %mul3A_1539 : vector<16xf32>
      %reduce_sum3A_1541 = arith.constant true
      %reduce_sum3A_1542 = vector.broadcast %reduce_sum3A_1541 : i1 to vector<16xi1>
      %reduce_sum3A_1543 = tpu.scan <sum>, %add3A_1540 masked %reduce_sum3A_1542 : vector<16xf32>, vector<16xi1> -> vector<16xf32>
      %reduce_sum3A_1544 = vector.extract %reduce_sum3A_1543[15] : f32 from vector<16xf32>
      %broadcast_in_dim3A_1545 = vector.broadcast %mul3A_1492 : i32 to vector<16xi32>
      %broadcast_in_dim3A_1546 = vector.broadcast %reduce_sum3A_1544 : f32 to vector<16xf32>
      tpu.vector_store_idx %arg13[%broadcast_in_dim3A_1545], %broadcast_in_dim3A_1546 masked %eq3A_1484 : memref<512xf32, #tpu.memory_space<vmem>>[vector<16xi32>], vector<16xf32>, vector<16xi1>
      %add3A_1547 = arith.constant 12 : i32
      %add3A_1548 = arith.addi %mul3A_1492, %add3A_1547 : i32
      %lt3A = arith.constant 512 : i32
      %lt3A_1549 = arith.cmpi slt, %add3A_1548, %lt3A : i32
      %convert_element_type3A = arith.extui %lt3A_1549 : i1 to i32
      %cond3A = arith.constant 0 : i32
      %cond3A_1550 = arith.cmpi ne, %convert_element_type3A, %cond3A : i32
      scf.if %cond3A_1550 {
        %jit3A_1618 = arith.constant 16 : i32
        %div3A_1619 = arith.divsi %add3A_1548, %jit3A_1618 : i32
        %sign3A_1620 = arith.constant 0 : i32
        %sign3A_1621 = arith.cmpi sgt, %add3A_1548, %sign3A_1620 : i32
        %sign3A_1622 = arith.extui %sign3A_1621 : i1 to i32
        %sign3A_1623 = arith.constant 0 : i32
        %sign3A_1624 = arith.cmpi slt, %add3A_1548, %sign3A_1623 : i32
        %sign3A_1625 = arith.extui %sign3A_1624 : i1 to i32
        %sign3A_1626 = arith.subi %sign3A_1622, %sign3A_1625 : i32
        %sign3A_1627 = arith.constant 0 : i32
        %sign3A_1628 = arith.cmpi sgt, %jit3A_1618, %sign3A_1627 : i32
        %sign3A_1629 = arith.extui %sign3A_1628 : i1 to i32
        %sign3A_1630 = arith.constant 0 : i32
        %sign3A_1631 = arith.cmpi slt, %jit3A_1618, %sign3A_1630 : i32
        %sign3A_1632 = arith.extui %sign3A_1631 : i1 to i32
        %sign3A_1633 = arith.subi %sign3A_1629, %sign3A_1632 : i32
        %ne3A_1634 = arith.cmpi ne, %sign3A_1626, %sign3A_1633 : i32
        %rem3A_1635 = arith.remsi %add3A_1548, %jit3A_1618 : i32
        %ne3A_1636 = arith.constant 0 : i32
        %ne3A_1637 = arith.cmpi ne, %rem3A_1635, %ne3A_1636 : i32
        %and3A_1638 = arith.andi %ne3A_1634, %ne3A_1637 : i1
        %sub3A_1639 = arith.constant 1 : i32
        %sub3A_1640 = arith.subi %div3A_1619, %sub3A_1639 : i32
        %select_n3A_1641 = arith.select %and3A_1638, %sub3A_1640, %div3A_1619 : i32
        %mul3A_1642 = arith.constant 16 : i32
        %mul3A_1643 = arith.muli %select_n3A_1641, %mul3A_1642 : i32
        %multiple_of3A_1644 = tpu.assume_multiple %mul3A_1643, 16 : i32
        %get3A_1645 = arith.index_cast %multiple_of3A_1644 : i32 to index
        %get3A_1646 = tpu.vector_load %arg7[%get3A_1645] {strides = array<i32>} : memref<512xi32, #tpu.memory_space<vmem>>, vector<16xi32>,
        %rem3A_1647 = arith.constant 16 : i32
        %rem3A_1648 = arith.remsi %add3A_1548, %rem3A_1647 : i32
        %eq3A_1649 = vector.broadcast %rem3A_1648 : i32 to vector<16xi32>
        %eq3A_1650 = arith.cmpi eq, %iota3A, %eq3A_1649 : vector<16xi32>
        %select_n3A_1651 = arith.select %eq3A_1650, %get3A_1646, %broadcast_in_dim3A_3 : vector<16xi1>, vector<16xi32>
        %reduce_sum3A_1652 = arith.constant true
        %reduce_sum3A_1653 = vector.broadcast %reduce_sum3A_1652 : i1 to vector<16xi1>
        %reduce_sum3A_1654 = tpu.scan <sum>, %select_n3A_1651 masked %reduce_sum3A_1653 : vector<16xi32>, vector<16xi1> -> vector<16xi32>
        %reduce_sum3A_1655 = vector.extract %reduce_sum3A_1654[15] : i32 from vector<16xi32>
        %jit3A_1656 = arith.constant 16 : i32
        %div3A_1657 = arith.divsi %add3A_1548, %jit3A_1656 : i32
        %sign3A_1658 = arith.constant 0 : i32
        %sign3A_1659 = arith.cmpi sgt, %add3A_1548, %sign3A_1658 : i32
        %sign3A_1660 = arith.extui %sign3A_1659 : i1 to i32
        %sign3A_1661 = arith.constant 0 : i32
        %sign3A_1662 = arith.cmpi slt, %add3A_1548, %sign3A_1661 : i32
        %sign3A_1663 = arith.extui %sign3A_1662 : i1 to i32
        %sign3A_1664 = arith.subi %sign3A_1660, %sign3A_1663 : i32
        %sign3A_1665 = arith.constant 0 : i32
        %sign3A_1666 = arith.cmpi sgt, %jit3A_1656, %sign3A_1665 : i32
        %sign3A_1667 = arith.extui %sign3A_1666 : i1 to i32
        %sign3A_1668 = arith.constant 0 : i32
        %sign3A_1669 = arith.cmpi slt, %jit3A_1656, %sign3A_1668 : i32
        %sign3A_1670 = arith.extui %sign3A_1669 : i1 to i32
        %sign3A_1671 = arith.subi %sign3A_1667, %sign3A_1670 : i32
        %ne3A_1672 = arith.cmpi ne, %sign3A_1664, %sign3A_1671 : i32
        %rem3A_1673 = arith.remsi %add3A_1548, %jit3A_1656 : i32
        %ne3A_1674 = arith.constant 0 : i32
        %ne3A_1675 = arith.cmpi ne, %rem3A_1673, %ne3A_1674 : i32
        %and3A_1676 = arith.andi %ne3A_1672, %ne3A_1675 : i1
        %sub3A_1677 = arith.constant 1 : i32
        %sub3A_1678 = arith.subi %div3A_1657, %sub3A_1677 : i32
        %select_n3A_1679 = arith.select %and3A_1676, %sub3A_1678, %div3A_1657 : i32
        %mul3A_1680 = arith.constant 16 : i32
        %mul3A_1681 = arith.muli %select_n3A_1679, %mul3A_1680 : i32
        %multiple_of3A_1682 = tpu.assume_multiple %mul3A_1681, 16 : i32
        %get3A_1683 = arith.index_cast %multiple_of3A_1682 : i32 to index
        %get3A_1684 = tpu.vector_load %arg8[%get3A_1683] {strides = array<i32>} : memref<512xi32, #tpu.memory_space<vmem>>, vector<16xi32>,
        %rem3A_1685 = arith.constant 16 : i32
        %rem3A_1686 = arith.remsi %add3A_1548, %rem3A_1685 : i32
        %eq3A_1687 = vector.broadcast %rem3A_1686 : i32 to vector<16xi32>
        %eq3A_1688 = arith.cmpi eq, %iota3A, %eq3A_1687 : vector<16xi32>
        %select_n3A_1689 = arith.select %eq3A_1688, %get3A_1684, %broadcast_in_dim3A_3 : vector<16xi1>, vector<16xi32>
        %reduce_sum3A_1690 = arith.constant true
        %reduce_sum3A_1691 = vector.broadcast %reduce_sum3A_1690 : i1 to vector<16xi1>
        %reduce_sum3A_1692 = tpu.scan <sum>, %select_n3A_1689 masked %reduce_sum3A_1691 : vector<16xi32>, vector<16xi1> -> vector<16xi32>
        %reduce_sum3A_1693 = vector.extract %reduce_sum3A_1692[15] : i32 from vector<16xi32>
        %jit3A_1694 = arith.constant 128 : i32
        %div3A_1695 = arith.divsi %reduce_sum3A_1655, %jit3A_1694 : i32
        %sign3A_1696 = arith.constant 0 : i32
        %sign3A_1697 = arith.cmpi sgt, %reduce_sum3A_1655, %sign3A_1696 : i32
        %sign3A_1698 = arith.extui %sign3A_1697 : i1 to i32
        %sign3A_1699 = arith.constant 0 : i32
        %sign3A_1700 = arith.cmpi slt, %reduce_sum3A_1655, %sign3A_1699 : i32
        %sign3A_1701 = arith.extui %sign3A_1700 : i1 to i32
        %sign3A_1702 = arith.subi %sign3A_1698, %sign3A_1701 : i32
        %sign3A_1703 = arith.constant 0 : i32
        %sign3A_1704 = arith.cmpi sgt, %jit3A_1694, %sign3A_1703 : i32
        %sign3A_1705 = arith.extui %sign3A_1704 : i1 to i32
        %sign3A_1706 = arith.constant 0 : i32
        %sign3A_1707 = arith.cmpi slt, %jit3A_1694, %sign3A_1706 : i32
        %sign3A_1708 = arith.extui %sign3A_1707 : i1 to i32
        %sign3A_1709 = arith.subi %sign3A_1705, %sign3A_1708 : i32
        %ne3A_1710 = arith.cmpi ne, %sign3A_1702, %sign3A_1709 : i32
        %rem3A_1711 = arith.remsi %reduce_sum3A_1655, %jit3A_1694 : i32
        %ne3A_1712 = arith.constant 0 : i32
        %ne3A_1713 = arith.cmpi ne, %rem3A_1711, %ne3A_1712 : i32
        %and3A_1714 = arith.andi %ne3A_1710, %ne3A_1713 : i1
        %sub3A_1715 = arith.constant 1 : i32
        %sub3A_1716 = arith.subi %div3A_1695, %sub3A_1715 : i32
        %select_n3A_1717 = arith.select %and3A_1714, %sub3A_1716, %div3A_1695 : i32
        %mul3A_1718 = arith.constant 128 : i32
        %mul3A_1719 = arith.muli %select_n3A_1717, %mul3A_1718 : i32
        %multiple_of3A_1720 = tpu.assume_multiple %mul3A_1719, 128 : i32
        %jit3A_1721 = arith.constant 128 : i32
        %div3A_1722 = arith.divsi %reduce_sum3A_1693, %jit3A_1721 : i32
        %sign3A_1723 = arith.constant 0 : i32
        %sign3A_1724 = arith.cmpi sgt, %reduce_sum3A_1693, %sign3A_1723 : i32
        %sign3A_1725 = arith.extui %sign3A_1724 : i1 to i32
        %sign3A_1726 = arith.constant 0 : i32
        %sign3A_1727 = arith.cmpi slt, %reduce_sum3A_1693, %sign3A_1726 : i32
        %sign3A_1728 = arith.extui %sign3A_1727 : i1 to i32
        %sign3A_1729 = arith.subi %sign3A_1725, %sign3A_1728 : i32
        %sign3A_1730 = arith.constant 0 : i32
        %sign3A_1731 = arith.cmpi sgt, %jit3A_1721, %sign3A_1730 : i32
        %sign3A_1732 = arith.extui %sign3A_1731 : i1 to i32
        %sign3A_1733 = arith.constant 0 : i32
        %sign3A_1734 = arith.cmpi slt, %jit3A_1721, %sign3A_1733 : i32
        %sign3A_1735 = arith.extui %sign3A_1734 : i1 to i32
        %sign3A_1736 = arith.subi %sign3A_1732, %sign3A_1735 : i32
        %ne3A_1737 = arith.cmpi ne, %sign3A_1729, %sign3A_1736 : i32
        %rem3A_1738 = arith.remsi %reduce_sum3A_1693, %jit3A_1721 : i32
        %ne3A_1739 = arith.constant 0 : i32
        %ne3A_1740 = arith.cmpi ne, %rem3A_1738, %ne3A_1739 : i32
        %and3A_1741 = arith.andi %ne3A_1737, %ne3A_1740 : i1
        %sub3A_1742 = arith.constant 1 : i32
        %sub3A_1743 = arith.subi %div3A_1722, %sub3A_1742 : i32
        %select_n3A_1744 = arith.select %and3A_1741, %sub3A_1743, %div3A_1722 : i32
        %mul3A_1745 = arith.constant 128 : i32
        %mul3A_1746 = arith.muli %select_n3A_1744, %mul3A_1745 : i32
        %multiple_of3A_1747 = tpu.assume_multiple %mul3A_1746, 128 : i32
        %sub3A_1748 = arith.subi %reduce_sum3A_1655, %multiple_of3A_1720 : i32
        %swap3A_1749 = arith.index_cast %add3A_1548 : i32 to index
        %swap3A_1750 = memref.load %arg9[%swap3A_1749] : memref<512xi32, #tpu.memory_space<smem>>
        memref.store %sub3A_1748, %arg9[%swap3A_1749] : memref<512xi32, #tpu.memory_space<smem>>
        %sub3A_1751 = arith.subi %reduce_sum3A_1693, %multiple_of3A_1747 : i32
        %swap3A_1752 = arith.index_cast %add3A_1548 : i32 to index
        %swap3A_1753 = memref.load %arg10[%swap3A_1752] : memref<512xi32, #tpu.memory_space<smem>>
        memref.store %sub3A_1751, %arg10[%swap3A_1752] : memref<512xi32, #tpu.memory_space<smem>>
        %dma_start3A_1754 = arith.constant 0 : i32
        %dma_start3A_1755 = arith.constant 0 : i32
        %dma_start3A_1756 = arith.constant 0 : i32
        %dma_start3A_1757 = tpu.memref_slice %arg11[%rem3A_1494, %dma_start3A_1755, %dma_start3A_1756] : memref<12x32x128xf32, #tpu.memory_space<vmem>> -> memref<1x32x128xf32, #tpu.memory_space<vmem>>
        %dma_start3A_1758 = tpu.memref_squeeze %dma_start3A_1757 : memref<1x32x128xf32, #tpu.memory_space<vmem>> -> memref<32x128xf32, #tpu.memory_space<vmem>>
        %dma_start3A_1759 = arith.constant 0 : i32
        %dma_start3A_1760 = tpu.memref_slice %arg4[%dma_start3A_1759, %multiple_of3A_1720] : memref<32x1000000xf32, #tpu.memory_space<hbm>> -> memref<32x128xf32, #tpu.memory_space<hbm>>
        %dma_start3A_1761 = tpu.memref_slice %arg14[%rem3A_1494, %dma_start3A_1754] : memref<12x2x!tpu.dma_semaphore, #tpu.memory_space<semaphore_mem>> -> memref<1x1x!tpu.dma_semaphore, #tpu.memory_space<semaphore_mem>>
        %dma_start3A_1762 = tpu.memref_squeeze %dma_start3A_1761 : memref<1x1x!tpu.dma_semaphore, #tpu.memory_space<semaphore_mem>> -> memref<!tpu.dma_semaphore, #tpu.memory_space<semaphore_mem>>
        %dma_start3A_1763 = arith.constant 0 : i32
        %dma_start3A_1764 = arith.constant 0 : i32
        %dma_start3A_1765 = tpu.memref_slice %arg11[%rem3A_1494, %dma_start3A_1763, %dma_start3A_1764] : memref<12x32x128xf32, #tpu.memory_space<vmem>> -> memref<1x32x128xf32, #tpu.memory_space<vmem>>
        %dma_start3A_1766 = tpu.memref_squeeze %dma_start3A_1765 : memref<1x32x128xf32, #tpu.memory_space<vmem>> -> memref<32x128xf32, #tpu.memory_space<vmem>>
        %dma_start3A_1767 = arith.constant 0 : i32
        %dma_start3A_1768 = tpu.memref_slice %arg4[%dma_start3A_1767, %multiple_of3A_1720] : memref<32x1000000xf32, #tpu.memory_space<hbm>> -> memref<32x128xf32, #tpu.memory_space<hbm>>
        tpu.enqueue_dma source(%dma_start3A_1768 : memref<32x128xf32, #tpu.memory_space<hbm>>) target(%dma_start3A_1766 : memref<32x128xf32, #tpu.memory_space<vmem>>) target_semaphore(%dma_start3A_1762 : memref<!tpu.dma_semaphore, #tpu.memory_space<semaphore_mem>>)
        %dma_start3A_1769 = arith.constant 1 : i32
        %dma_start3A_1770 = arith.constant 0 : i32
        %dma_start3A_1771 = arith.constant 0 : i32
        %dma_start3A_1772 = tpu.memref_slice %arg12[%rem3A_1494, %dma_start3A_1770, %dma_start3A_1771] : memref<12x32x128xf32, #tpu.memory_space<vmem>> -> memref<1x32x128xf32, #tpu.memory_space<vmem>>
        %dma_start3A_1773 = tpu.memref_squeeze %dma_start3A_1772 : memref<1x32x128xf32, #tpu.memory_space<vmem>> -> memref<32x128xf32, #tpu.memory_space<vmem>>
        %dma_start3A_1774 = arith.constant 0 : i32
        %dma_start3A_1775 = tpu.memref_slice %arg5[%dma_start3A_1774, %multiple_of3A_1747] : memref<32x1000000xf32, #tpu.memory_space<hbm>> -> memref<32x128xf32, #tpu.memory_space<hbm>>
        %dma_start3A_1776 = tpu.memref_slice %arg14[%rem3A_1494, %dma_start3A_1769] : memref<12x2x!tpu.dma_semaphore, #tpu.memory_space<semaphore_mem>> -> memref<1x1x!tpu.dma_semaphore, #tpu.memory_space<semaphore_mem>>
        %dma_start3A_1777 = tpu.memref_squeeze %dma_start3A_1776 : memref<1x1x!tpu.dma_semaphore, #tpu.memory_space<semaphore_mem>> -> memref<!tpu.dma_semaphore, #tpu.memory_space<semaphore_mem>>
        %dma_start3A_1778 = arith.constant 0 : i32
        %dma_start3A_1779 = arith.constant 0 : i32
        %dma_start3A_1780 = tpu.memref_slice %arg12[%rem3A_1494, %dma_start3A_1778, %dma_start3A_1779] : memref<12x32x128xf32, #tpu.memory_space<vmem>> -> memref<1x32x128xf32, #tpu.memory_space<vmem>>
        %dma_start3A_1781 = tpu.memref_squeeze %dma_start3A_1780 : memref<1x32x128xf32, #tpu.memory_space<vmem>> -> memref<32x128xf32, #tpu.memory_space<vmem>>
        %dma_start3A_1782 = arith.constant 0 : i32
        %dma_start3A_1783 = tpu.memref_slice %arg5[%dma_start3A_1782, %multiple_of3A_1747] : memref<32x1000000xf32, #tpu.memory_space<hbm>> -> memref<32x128xf32, #tpu.memory_space<hbm>>
        tpu.enqueue_dma source(%dma_start3A_1783 : memref<32x128xf32, #tpu.memory_space<hbm>>) target(%dma_start3A_1781 : memref<32x128xf32, #tpu.memory_space<vmem>>) target_semaphore(%dma_start3A_1777 : memref<!tpu.dma_semaphore, #tpu.memory_space<semaphore_mem>>)
      } else {
      }
      %mul3A_1551 = arith.constant 2 : i32
      %mul3A_1552 = arith.muli %scan3A_1490, %mul3A_1551 : i32
      %add3A_1553 = arith.constant 1 : i32
      %add3A_1554 = arith.addi %mul3A_1552, %add3A_1553 : i32
      %rem3A_1555 = arith.constant 12 : i32
      %rem3A_1556 = arith.remsi %add3A_1554, %rem3A_1555 : i32
      %dma_wait3A_1557 = arith.constant 0 : i32
      %dma_wait3A_1558 = arith.constant 0 : i32
      %dma_wait3A_1559 = arith.constant 0 : i32
      %dma_wait3A_1560 = tpu.memref_slice %arg11[%rem3A_1556, %dma_wait3A_1558, %dma_wait3A_1559] : memref<12x32x128xf32, #tpu.memory_space<vmem>> -> memref<1x32x128xf32, #tpu.memory_space<vmem>>
      %dma_wait3A_1561 = tpu.memref_squeeze %dma_wait3A_1560 : memref<1x32x128xf32, #tpu.memory_space<vmem>> -> memref<32x128xf32, #tpu.memory_space<vmem>>
      %dma_wait3A_1562 = arith.constant 0 : i32
      %dma_wait3A_1563 = arith.constant 0 : i32
      %dma_wait3A_1564 = tpu.memref_slice %arg4[%dma_wait3A_1562, %dma_wait3A_1563] : memref<32x1000000xf32, #tpu.memory_space<hbm>> -> memref<32x128xf32, #tpu.memory_space<hbm>>
      %dma_wait3A_1565 = tpu.memref_slice %arg14[%rem3A_1556, %dma_wait3A_1557] : memref<12x2x!tpu.dma_semaphore, #tpu.memory_space<semaphore_mem>> -> memref<1x1x!tpu.dma_semaphore, #tpu.memory_space<semaphore_mem>>
      %dma_wait3A_1566 = tpu.memref_squeeze %dma_wait3A_1565 : memref<1x1x!tpu.dma_semaphore, #tpu.memory_space<semaphore_mem>> -> memref<!tpu.dma_semaphore, #tpu.memory_space<semaphore_mem>>
      %dma_wait3A_1567 = arith.constant 0 : i32
      %dma_wait3A_1568 = arith.constant 0 : i32
      %dma_wait3A_1569 = tpu.memref_slice %arg11[%rem3A_1556, %dma_wait3A_1567, %dma_wait3A_1568] : memref<12x32x128xf32, #tpu.memory_space<vmem>> -> memref<1x32x128xf32, #tpu.memory_space<vmem>>
      %dma_wait3A_1570 = tpu.memref_squeeze %dma_wait3A_1569 : memref<1x32x128xf32, #tpu.memory_space<vmem>> -> memref<32x128xf32, #tpu.memory_space<vmem>>
      %dma_wait3A_1571 = arith.constant 0 : i32
      %dma_wait3A_1572 = arith.constant 0 : i32
      %dma_wait3A_1573 = tpu.memref_slice %arg4[%dma_wait3A_1571, %dma_wait3A_1572] : memref<32x1000000xf32, #tpu.memory_space<hbm>> -> memref<32x128xf32, #tpu.memory_space<hbm>>
      tpu.wait_dma2 semaphore(%dma_wait3A_1566 : memref<!tpu.dma_semaphore, #tpu.memory_space<semaphore_mem>>) src(%dma_wait3A_1573 : memref<32x128xf32, #tpu.memory_space<hbm>>) dst(%dma_wait3A_1570 : memref<32x128xf32, #tpu.memory_space<vmem>>)
      %dma_wait3A_1574 = arith.constant 1 : i32
      %dma_wait3A_1575 = arith.constant 0 : i32
      %dma_wait3A_1576 = arith.constant 0 : i32
      %dma_wait3A_1577 = tpu.memref_slice %arg12[%rem3A_1556, %dma_wait3A_1575, %dma_wait3A_1576] : memref<12x32x128xf32, #tpu.memory_space<vmem>> -> memref<1x32x128xf32, #tpu.memory_space<vmem>>
      %dma_wait3A_1578 = tpu.memref_squeeze %dma_wait3A_1577 : memref<1x32x128xf32, #tpu.memory_space<vmem>> -> memref<32x128xf32, #tpu.memory_space<vmem>>
      %dma_wait3A_1579 = arith.constant 0 : i32
      %dma_wait3A_1580 = arith.constant 0 : i32
      %dma_wait3A_1581 = tpu.memref_slice %arg5[%dma_wait3A_1579, %dma_wait3A_1580] : memref<32x1000000xf32, #tpu.memory_space<hbm>> -> memref<32x128xf32, #tpu.memory_space<hbm>>
      %dma_wait3A_1582 = tpu.memref_slice %arg14[%rem3A_1556, %dma_wait3A_1574] : memref<12x2x!tpu.dma_semaphore, #tpu.memory_space<semaphore_mem>> -> memref<1x1x!tpu.dma_semaphore, #tpu.memory_space<semaphore_mem>>
      %dma_wait3A_1583 = tpu.memref_squeeze %dma_wait3A_1582 : memref<1x1x!tpu.dma_semaphore, #tpu.memory_space<semaphore_mem>> -> memref<!tpu.dma_semaphore, #tpu.memory_space<semaphore_mem>>
      %dma_wait3A_1584 = arith.constant 0 : i32
      %dma_wait3A_1585 = arith.constant 0 : i32
      %dma_wait3A_1586 = tpu.memref_slice %arg12[%rem3A_1556, %dma_wait3A_1584, %dma_wait3A_1585] : memref<12x32x128xf32, #tpu.memory_space<vmem>> -> memref<1x32x128xf32, #tpu.memory_space<vmem>>
      %dma_wait3A_1587 = tpu.memref_squeeze %dma_wait3A_1586 : memref<1x32x128xf32, #tpu.memory_space<vmem>> -> memref<32x128xf32, #tpu.memory_space<vmem>>
      %dma_wait3A_1588 = arith.constant 0 : i32
      %dma_wait3A_1589 = arith.constant 0 : i32
      %dma_wait3A_1590 = tpu.memref_slice %arg5[%dma_wait3A_1588, %dma_wait3A_1589] : memref<32x1000000xf32, #tpu.memory_space<hbm>> -> memref<32x128xf32, #tpu.memory_space<hbm>>
      tpu.wait_dma2 semaphore(%dma_wait3A_1583 : memref<!tpu.dma_semaphore, #tpu.memory_space<semaphore_mem>>) src(%dma_wait3A_1590 : memref<32x128xf32, #tpu.memory_space<hbm>>) dst(%dma_wait3A_1587 : memref<32x128xf32, #tpu.memory_space<vmem>>)
      %get3A_1591 = arith.index_cast %add3A_1554 : i32 to index
      %get3A_1592 = memref.load %arg9[%get3A_1591] : memref<512xi32, #tpu.memory_space<smem>>
      %broadcast_in_dim3A_1593 = vector.broadcast %get3A_1592 : i32 to vector<16xi32>
      %get3A_1594 = arith.index_cast %add3A_1554 : i32 to index
      %get3A_1595 = memref.load %arg10[%get3A_1594] : memref<512xi32, #tpu.memory_space<smem>>
      %broadcast_in_dim3A_1596 = vector.broadcast %get3A_1595 : i32 to vector<16xi32>
      %broadcast_in_dim3A_1597 = vector.broadcast %rem3A_1556 : i32 to vector<16xi32>
      %gather3A_1598 = tpu.vector_load_idx %arg11[%broadcast_in_dim3A_1597, %iota3A_1478, %broadcast_in_dim3A_1593] : memref<12x32x128xf32, #tpu.memory_space<vmem>>[vector<16xi32>, vector<16xi32>, vector<16xi32>], vector<16xf32>,
      %gather3A_1599 = tpu.vector_load_idx %arg11[%broadcast_in_dim3A_1597, %add3A_1481, %broadcast_in_dim3A_1593] : memref<12x32x128xf32, #tpu.memory_space<vmem>>[vector<16xi32>, vector<16xi32>, vector<16xi32>], vector<16xf32>,
      %gather3A_1600 = tpu.vector_load_idx %arg12[%broadcast_in_dim3A_1597, %iota3A_1478, %broadcast_in_dim3A_1596] : memref<12x32x128xf32, #tpu.memory_space<vmem>>[vector<16xi32>, vector<16xi32>, vector<16xi32>], vector<16xf32>,
      %gather3A_1601 = tpu.vector_load_idx %arg12[%broadcast_in_dim3A_1597, %add3A_1481, %broadcast_in_dim3A_1596] : memref<12x32x128xf32, #tpu.memory_space<vmem>>[vector<16xi32>, vector<16xi32>, vector<16xi32>], vector<16xf32>,
      %mul3A_1602 = arith.mulf %gather3A_1598, %gather3A_1600 : vector<16xf32>
      %mul3A_1603 = arith.mulf %gather3A_1599, %gather3A_1601 : vector<16xf32>
      %add3A_1604 = arith.addf %mul3A_1602, %mul3A_1603 : vector<16xf32>
      %reduce_sum3A_1605 = arith.constant true
      %reduce_sum3A_1606 = vector.broadcast %reduce_sum3A_1605 : i1 to vector<16xi1>
      %reduce_sum3A_1607 = tpu.scan <sum>, %add3A_1604 masked %reduce_sum3A_1606 : vector<16xf32>, vector<16xi1> -> vector<16xf32>
      %reduce_sum3A_1608 = vector.extract %reduce_sum3A_1607[15] : f32 from vector<16xf32>
      %broadcast_in_dim3A_1609 = vector.broadcast %add3A_1554 : i32 to vector<16xi32>
      %broadcast_in_dim3A_1610 = vector.broadcast %reduce_sum3A_1608 : f32 to vector<16xf32>
      tpu.vector_store_idx %arg13[%broadcast_in_dim3A_1609], %broadcast_in_dim3A_1610 masked %eq3A_1484 : memref<512xf32, #tpu.memory_space<vmem>>[vector<16xi32>], vector<16xf32>, vector<16xi1>
      %add3A_1611 = arith.constant 12 : i32
      %add3A_1612 = arith.addi %add3A_1554, %add3A_1611 : i32
      %lt3A_1613 = arith.constant 512 : i32
      %lt3A_1614 = arith.cmpi slt, %add3A_1612, %lt3A_1613 : i32
      %convert_element_type3A_1615 = arith.extui %lt3A_1614 : i1 to i32
      %cond3A_1616 = arith.constant 0 : i32
      %cond3A_1617 = arith.cmpi ne, %convert_element_type3A_1615, %cond3A_1616 : i32
      scf.if %cond3A_1617 {
        %jit3A_1618 = arith.constant 16 : i32
        %div3A_1619 = arith.divsi %add3A_1612, %jit3A_1618 : i32
        %sign3A_1620 = arith.constant 0 : i32
        %sign3A_1621 = arith.cmpi sgt, %add3A_1612, %sign3A_1620 : i32
        %sign3A_1622 = arith.extui %sign3A_1621 : i1 to i32
        %sign3A_1623 = arith.constant 0 : i32
        %sign3A_1624 = arith.cmpi slt, %add3A_1612, %sign3A_1623 : i32
        %sign3A_1625 = arith.extui %sign3A_1624 : i1 to i32
        %sign3A_1626 = arith.subi %sign3A_1622, %sign3A_1625 : i32
        %sign3A_1627 = arith.constant 0 : i32
        %sign3A_1628 = arith.cmpi sgt, %jit3A_1618, %sign3A_1627 : i32
        %sign3A_1629 = arith.extui %sign3A_1628 : i1 to i32
        %sign3A_1630 = arith.constant 0 : i32
        %sign3A_1631 = arith.cmpi slt, %jit3A_1618, %sign3A_1630 : i32
        %sign3A_1632 = arith.extui %sign3A_1631 : i1 to i32
        %sign3A_1633 = arith.subi %sign3A_1629, %sign3A_1632 : i32
        %ne3A_1634 = arith.cmpi ne, %sign3A_1626, %sign3A_1633 : i32
        %rem3A_1635 = arith.remsi %add3A_1612, %jit3A_1618 : i32
        %ne3A_1636 = arith.constant 0 : i32
        %ne3A_1637 = arith.cmpi ne, %rem3A_1635, %ne3A_1636 : i32
        %and3A_1638 = arith.andi %ne3A_1634, %ne3A_1637 : i1
        %sub3A_1639 = arith.constant 1 : i32
        %sub3A_1640 = arith.subi %div3A_1619, %sub3A_1639 : i32
        %select_n3A_1641 = arith.select %and3A_1638, %sub3A_1640, %div3A_1619 : i32
        %mul3A_1642 = arith.constant 16 : i32
        %mul3A_1643 = arith.muli %select_n3A_1641, %mul3A_1642 : i32
        %multiple_of3A_1644 = tpu.assume_multiple %mul3A_1643, 16 : i32
        %get3A_1645 = arith.index_cast %multiple_of3A_1644 : i32 to index
        %get3A_1646 = tpu.vector_load %arg7[%get3A_1645] {strides = array<i32>} : memref<512xi32, #tpu.memory_space<vmem>>, vector<16xi32>,
        %rem3A_1647 = arith.constant 16 : i32
        %rem3A_1648 = arith.remsi %add3A_1612, %rem3A_1647 : i32
        %eq3A_1649 = vector.broadcast %rem3A_1648 : i32 to vector<16xi32>
        %eq3A_1650 = arith.cmpi eq, %iota3A, %eq3A_1649 : vector<16xi32>
        %select_n3A_1651 = arith.select %eq3A_1650, %get3A_1646, %broadcast_in_dim3A_3 : vector<16xi1>, vector<16xi32>
        %reduce_sum3A_1652 = arith.constant true
        %reduce_sum3A_1653 = vector.broadcast %reduce_sum3A_1652 : i1 to vector<16xi1>
        %reduce_sum3A_1654 = tpu.scan <sum>, %select_n3A_1651 masked %reduce_sum3A_1653 : vector<16xi32>, vector<16xi1> -> vector<16xi32>
        %reduce_sum3A_1655 = vector.extract %reduce_sum3A_1654[15] : i32 from vector<16xi32>
        %jit3A_1656 = arith.constant 16 : i32
        %div3A_1657 = arith.divsi %add3A_1612, %jit3A_1656 : i32
        %sign3A_1658 = arith.constant 0 : i32
        %sign3A_1659 = arith.cmpi sgt, %add3A_1612, %sign3A_1658 : i32
        %sign3A_1660 = arith.extui %sign3A_1659 : i1 to i32
        %sign3A_1661 = arith.constant 0 : i32
        %sign3A_1662 = arith.cmpi slt, %add3A_1612, %sign3A_1661 : i32
        %sign3A_1663 = arith.extui %sign3A_1662 : i1 to i32
        %sign3A_1664 = arith.subi %sign3A_1660, %sign3A_1663 : i32
        %sign3A_1665 = arith.constant 0 : i32
        %sign3A_1666 = arith.cmpi sgt, %jit3A_1656, %sign3A_1665 : i32
        %sign3A_1667 = arith.extui %sign3A_1666 : i1 to i32
        %sign3A_1668 = arith.constant 0 : i32
        %sign3A_1669 = arith.cmpi slt, %jit3A_1656, %sign3A_1668 : i32
        %sign3A_1670 = arith.extui %sign3A_1669 : i1 to i32
        %sign3A_1671 = arith.subi %sign3A_1667, %sign3A_1670 : i32
        %ne3A_1672 = arith.cmpi ne, %sign3A_1664, %sign3A_1671 : i32
        %rem3A_1673 = arith.remsi %add3A_1612, %jit3A_1656 : i32
        %ne3A_1674 = arith.constant 0 : i32
        %ne3A_1675 = arith.cmpi ne, %rem3A_1673, %ne3A_1674 : i32
        %and3A_1676 = arith.andi %ne3A_1672, %ne3A_1675 : i1
        %sub3A_1677 = arith.constant 1 : i32
        %sub3A_1678 = arith.subi %div3A_1657, %sub3A_1677 : i32
        %select_n3A_1679 = arith.select %and3A_1676, %sub3A_1678, %div3A_1657 : i32
        %mul3A_1680 = arith.constant 16 : i32
        %mul3A_1681 = arith.muli %select_n3A_1679, %mul3A_1680 : i32
        %multiple_of3A_1682 = tpu.assume_multiple %mul3A_1681, 16 : i32
        %get3A_1683 = arith.index_cast %multiple_of3A_1682 : i32 to index
        %get3A_1684 = tpu.vector_load %arg8[%get3A_1683] {strides = array<i32>} : memref<512xi32, #tpu.memory_space<vmem>>, vector<16xi32>,
        %rem3A_1685 = arith.constant 16 : i32
        %rem3A_1686 = arith.remsi %add3A_1612, %rem3A_1685 : i32
        %eq3A_1687 = vector.broadcast %rem3A_1686 : i32 to vector<16xi32>
        %eq3A_1688 = arith.cmpi eq, %iota3A, %eq3A_1687 : vector<16xi32>
        %select_n3A_1689 = arith.select %eq3A_1688, %get3A_1684, %broadcast_in_dim3A_3 : vector<16xi1>, vector<16xi32>
        %reduce_sum3A_1690 = arith.constant true
        %reduce_sum3A_1691 = vector.broadcast %reduce_sum3A_1690 : i1 to vector<16xi1>
        %reduce_sum3A_1692 = tpu.scan <sum>, %select_n3A_1689 masked %reduce_sum3A_1691 : vector<16xi32>, vector<16xi1> -> vector<16xi32>
        %reduce_sum3A_1693 = vector.extract %reduce_sum3A_1692[15] : i32 from vector<16xi32>
        %jit3A_1694 = arith.constant 128 : i32
        %div3A_1695 = arith.divsi %reduce_sum3A_1655, %jit3A_1694 : i32
        %sign3A_1696 = arith.constant 0 : i32
        %sign3A_1697 = arith.cmpi sgt, %reduce_sum3A_1655, %sign3A_1696 : i32
        %sign3A_1698 = arith.extui %sign3A_1697 : i1 to i32
        %sign3A_1699 = arith.constant 0 : i32
        %sign3A_1700 = arith.cmpi slt, %reduce_sum3A_1655, %sign3A_1699 : i32
        %sign3A_1701 = arith.extui %sign3A_1700 : i1 to i32
        %sign3A_1702 = arith.subi %sign3A_1698, %sign3A_1701 : i32
        %sign3A_1703 = arith.constant 0 : i32
        %sign3A_1704 = arith.cmpi sgt, %jit3A_1694, %sign3A_1703 : i32
        %sign3A_1705 = arith.extui %sign3A_1704 : i1 to i32
        %sign3A_1706 = arith.constant 0 : i32
        %sign3A_1707 = arith.cmpi slt, %jit3A_1694, %sign3A_1706 : i32
        %sign3A_1708 = arith.extui %sign3A_1707 : i1 to i32
        %sign3A_1709 = arith.subi %sign3A_1705, %sign3A_1708 : i32
        %ne3A_1710 = arith.cmpi ne, %sign3A_1702, %sign3A_1709 : i32
        %rem3A_1711 = arith.remsi %reduce_sum3A_1655, %jit3A_1694 : i32
        %ne3A_1712 = arith.constant 0 : i32
        %ne3A_1713 = arith.cmpi ne, %rem3A_1711, %ne3A_1712 : i32
        %and3A_1714 = arith.andi %ne3A_1710, %ne3A_1713 : i1
        %sub3A_1715 = arith.constant 1 : i32
        %sub3A_1716 = arith.subi %div3A_1695, %sub3A_1715 : i32
        %select_n3A_1717 = arith.select %and3A_1714, %sub3A_1716, %div3A_1695 : i32
        %mul3A_1718 = arith.constant 128 : i32
        %mul3A_1719 = arith.muli %select_n3A_1717, %mul3A_1718 : i32
        %multiple_of3A_1720 = tpu.assume_multiple %mul3A_1719, 128 : i32
        %jit3A_1721 = arith.constant 128 : i32
        %div3A_1722 = arith.divsi %reduce_sum3A_1693, %jit3A_1721 : i32
        %sign3A_1723 = arith.constant 0 : i32
        %sign3A_1724 = arith.cmpi sgt, %reduce_sum3A_1693, %sign3A_1723 : i32
        %sign3A_1725 = arith.extui %sign3A_1724 : i1 to i32
        %sign3A_1726 = arith.constant 0 : i32
        %sign3A_1727 = arith.cmpi slt, %reduce_sum3A_1693, %sign3A_1726 : i32
        %sign3A_1728 = arith.extui %sign3A_1727 : i1 to i32
        %sign3A_1729 = arith.subi %sign3A_1725, %sign3A_1728 : i32
        %sign3A_1730 = arith.constant 0 : i32
        %sign3A_1731 = arith.cmpi sgt, %jit3A_1721, %sign3A_1730 : i32
        %sign3A_1732 = arith.extui %sign3A_1731 : i1 to i32
        %sign3A_1733 = arith.constant 0 : i32
        %sign3A_1734 = arith.cmpi slt, %jit3A_1721, %sign3A_1733 : i32
        %sign3A_1735 = arith.extui %sign3A_1734 : i1 to i32
        %sign3A_1736 = arith.subi %sign3A_1732, %sign3A_1735 : i32
        %ne3A_1737 = arith.cmpi ne, %sign3A_1729, %sign3A_1736 : i32
        %rem3A_1738 = arith.remsi %reduce_sum3A_1693, %jit3A_1721 : i32
        %ne3A_1739 = arith.constant 0 : i32
        %ne3A_1740 = arith.cmpi ne, %rem3A_1738, %ne3A_1739 : i32
        %and3A_1741 = arith.andi %ne3A_1737, %ne3A_1740 : i1
        %sub3A_1742 = arith.constant 1 : i32
        %sub3A_1743 = arith.subi %div3A_1722, %sub3A_1742 : i32
        %select_n3A_1744 = arith.select %and3A_1741, %sub3A_1743, %div3A_1722 : i32
        %mul3A_1745 = arith.constant 128 : i32
        %mul3A_1746 = arith.muli %select_n3A_1744, %mul3A_1745 : i32
        %multiple_of3A_1747 = tpu.assume_multiple %mul3A_1746, 128 : i32
        %sub3A_1748 = arith.subi %reduce_sum3A_1655, %multiple_of3A_1720 : i32
        %swap3A_1749 = arith.index_cast %add3A_1612 : i32 to index
        %swap3A_1750 = memref.load %arg9[%swap3A_1749] : memref<512xi32, #tpu.memory_space<smem>>
        memref.store %sub3A_1748, %arg9[%swap3A_1749] : memref<512xi32, #tpu.memory_space<smem>>
        %sub3A_1751 = arith.subi %reduce_sum3A_1693, %multiple_of3A_1747 : i32
        %swap3A_1752 = arith.index_cast %add3A_1612 : i32 to index
        %swap3A_1753 = memref.load %arg10[%swap3A_1752] : memref<512xi32, #tpu.memory_space<smem>>
        memref.store %sub3A_1751, %arg10[%swap3A_1752] : memref<512xi32, #tpu.memory_space<smem>>
        %dma_start3A_1754 = arith.constant 0 : i32
        %dma_start3A_1755 = arith.constant 0 : i32
        %dma_start3A_1756 = arith.constant 0 : i32
        %dma_start3A_1757 = tpu.memref_slice %arg11[%rem3A_1556, %dma_start3A_1755, %dma_start3A_1756] : memref<12x32x128xf32, #tpu.memory_space<vmem>> -> memref<1x32x128xf32, #tpu.memory_space<vmem>>
        %dma_start3A_1758 = tpu.memref_squeeze %dma_start3A_1757 : memref<1x32x128xf32, #tpu.memory_space<vmem>> -> memref<32x128xf32, #tpu.memory_space<vmem>>
        %dma_start3A_1759 = arith.constant 0 : i32
        %dma_start3A_1760 = tpu.memref_slice %arg4[%dma_start3A_1759, %multiple_of3A_1720] : memref<32x1000000xf32, #tpu.memory_space<hbm>> -> memref<32x128xf32, #tpu.memory_space<hbm>>
        %dma_start3A_1761 = tpu.memref_slice %arg14[%rem3A_1556, %dma_start3A_1754] : memref<12x2x!tpu.dma_semaphore, #tpu.memory_space<semaphore_mem>> -> memref<1x1x!tpu.dma_semaphore, #tpu.memory_space<semaphore_mem>>
        %dma_start3A_1762 = tpu.memref_squeeze %dma_start3A_1761 : memref<1x1x!tpu.dma_semaphore, #tpu.memory_space<semaphore_mem>> -> memref<!tpu.dma_semaphore, #tpu.memory_space<semaphore_mem>>
        %dma_start3A_1763 = arith.constant 0 : i32
        %dma_start3A_1764 = arith.constant 0 : i32
        %dma_start3A_1765 = tpu.memref_slice %arg11[%rem3A_1556, %dma_start3A_1763, %dma_start3A_1764] : memref<12x32x128xf32, #tpu.memory_space<vmem>> -> memref<1x32x128xf32, #tpu.memory_space<vmem>>
        %dma_start3A_1766 = tpu.memref_squeeze %dma_start3A_1765 : memref<1x32x128xf32, #tpu.memory_space<vmem>> -> memref<32x128xf32, #tpu.memory_space<vmem>>
        %dma_start3A_1767 = arith.constant 0 : i32
        %dma_start3A_1768 = tpu.memref_slice %arg4[%dma_start3A_1767, %multiple_of3A_1720] : memref<32x1000000xf32, #tpu.memory_space<hbm>> -> memref<32x128xf32, #tpu.memory_space<hbm>>
        tpu.enqueue_dma source(%dma_start3A_1768 : memref<32x128xf32, #tpu.memory_space<hbm>>) target(%dma_start3A_1766 : memref<32x128xf32, #tpu.memory_space<vmem>>) target_semaphore(%dma_start3A_1762 : memref<!tpu.dma_semaphore, #tpu.memory_space<semaphore_mem>>)
        %dma_start3A_1769 = arith.constant 1 : i32
        %dma_start3A_1770 = arith.constant 0 : i32
        %dma_start3A_1771 = arith.constant 0 : i32
        %dma_start3A_1772 = tpu.memref_slice %arg12[%rem3A_1556, %dma_start3A_1770, %dma_start3A_1771] : memref<12x32x128xf32, #tpu.memory_space<vmem>> -> memref<1x32x128xf32, #tpu.memory_space<vmem>>
        %dma_start3A_1773 = tpu.memref_squeeze %dma_start3A_1772 : memref<1x32x128xf32, #tpu.memory_space<vmem>> -> memref<32x128xf32, #tpu.memory_space<vmem>>
        %dma_start3A_1774 = arith.constant 0 : i32
        %dma_start3A_1775 = tpu.memref_slice %arg5[%dma_start3A_1774, %multiple_of3A_1747] : memref<32x1000000xf32, #tpu.memory_space<hbm>> -> memref<32x128xf32, #tpu.memory_space<hbm>>
        %dma_start3A_1776 = tpu.memref_slice %arg14[%rem3A_1556, %dma_start3A_1769] : memref<12x2x!tpu.dma_semaphore, #tpu.memory_space<semaphore_mem>> -> memref<1x1x!tpu.dma_semaphore, #tpu.memory_space<semaphore_mem>>
        %dma_start3A_1777 = tpu.memref_squeeze %dma_start3A_1776 : memref<1x1x!tpu.dma_semaphore, #tpu.memory_space<semaphore_mem>> -> memref<!tpu.dma_semaphore, #tpu.memory_space<semaphore_mem>>
        %dma_start3A_1778 = arith.constant 0 : i32
        %dma_start3A_1779 = arith.constant 0 : i32
        %dma_start3A_1780 = tpu.memref_slice %arg12[%rem3A_1556, %dma_start3A_1778, %dma_start3A_1779] : memref<12x32x128xf32, #tpu.memory_space<vmem>> -> memref<1x32x128xf32, #tpu.memory_space<vmem>>
        %dma_start3A_1781 = tpu.memref_squeeze %dma_start3A_1780 : memref<1x32x128xf32, #tpu.memory_space<vmem>> -> memref<32x128xf32, #tpu.memory_space<vmem>>
        %dma_start3A_1782 = arith.constant 0 : i32
        %dma_start3A_1783 = tpu.memref_slice %arg5[%dma_start3A_1782, %multiple_of3A_1747] : memref<32x1000000xf32, #tpu.memory_space<hbm>> -> memref<32x128xf32, #tpu.memory_space<hbm>>
        tpu.enqueue_dma source(%dma_start3A_1783 : memref<32x128xf32, #tpu.memory_space<hbm>>) target(%dma_start3A_1781 : memref<32x128xf32, #tpu.memory_space<vmem>>) target_semaphore(%dma_start3A_1777 : memref<!tpu.dma_semaphore, #tpu.memory_space<semaphore_mem>>)
      } else {
      }
    }
    %scan3A_1489 = arith.constant 256 : i32
    "tpu.region"() ({
      %run_scoped3A = tpu.sem_alloc : memref<!tpu.dma_semaphore, #tpu.memory_space<semaphore_mem>>
      %dma_start3A_1490 = tpu.memref_slice %arg6[%mul3A_2] : memref<16384xf32, #tpu.memory_space<hbm>> -> memref<512xf32, #tpu.memory_space<hbm>>
      %dma_start3A_1491 = tpu.memref_slice %arg6[%mul3A_2] : memref<16384xf32, #tpu.memory_space<hbm>> -> memref<512xf32, #tpu.memory_space<hbm>>
      tpu.enqueue_dma source(%arg13 : memref<512xf32, #tpu.memory_space<vmem>>) target(%dma_start3A_1491 : memref<512xf32, #tpu.memory_space<hbm>>) target_semaphore(%run_scoped3A : memref<!tpu.dma_semaphore, #tpu.memory_space<semaphore_mem>>)
      %dma_wait3A = tpu.memref_slice %arg6[%mul3A_2] : memref<16384xf32, #tpu.memory_space<hbm>> -> memref<512xf32, #tpu.memory_space<hbm>>
      %dma_wait3A_1492 = tpu.memref_slice %arg6[%mul3A_2] : memref<16384xf32, #tpu.memory_space<hbm>> -> memref<512xf32, #tpu.memory_space<hbm>>
      tpu.wait_dma2 semaphore(%run_scoped3A : memref<!tpu.dma_semaphore, #tpu.memory_space<semaphore_mem>>) src(%arg13 : memref<512xf32, #tpu.memory_space<vmem>>) dst(%dma_wait3A_1492 : memref<512xf32, #tpu.memory_space<hbm>>)
      tpu.yield
    }) : () -> ()
    return
  }
}

</mosaic_0001>

<sc_bundles>
// kernel: kernel.3.cloned.1.call-start
scs
__scs_entry_jumppad:
0x0: {  	(pc) =	sbr.rel $0x88, $3  }
0x1: {  	(tag) =	ssettag $0x0;
	lr =	simm.s32 $0x1  }
0x2: {  	[smem:$0x3F9D] =	sst lr;
	_ =	strace $0xD0000000  }
0x3: {  	_ = 	snop  }
0x4: {  	_ = 	snop  }
0x5: {  	_ = 	snop  }
0x6: {  	_ = 	snop  }
0x7: {  	_ = 	snop  }
__scs_overlays_trampoline_lowered:
0x8: {  	[smem:$0x3FAC] =	sst s0  }
0x9: {  	[smem:$0x3FAD] =	sst s1  }
0xa: {  	[smem:$0x3FAE] =	sst s2  }
0xb: {  	[smem:$0x3FAF] =	sst s3  }
0xc: {  	[smem:$0x3FB0] =	sst s4  }
0xd: {  	[smem:$0x3FB1] =	sst s5  }
0xe: {  	[smem:$0x3FB2] =	sst s6  }
0xf: {  	[smem:$0x3FB3] =	sst s7  }
0x10: {  	[smem:$0x3FB4] =	sst s8  }
0x11: {  	[smem:$0x3FB5] =	sst s9;
	s0 =	simm.s32 @!p0 $0x0  }
0x12: {  	s1 =	sld [smem:$0x3F9B];
	s0 =	simm.s32 @p0 $0x1  }
0x13: {  	[smem:$0x3FB6] =	sst s0;
	s0 =	simm.s32 @!p1 $0x0  }
0x14: {  	s2 =	sld [smem:$0x3F9A];
	s0 =	simm.s32 @p1 $0x1  }
0x15: {  	[smem:$0x3FB7] =	sst s0;
	s0 =	simm.s32 @!p2 $0x0  }
0x16: {  	s3 =	sld [smem:$0x3FDB];
	s0 =	simm.s32 @p2 $0x1  }
0x17: {  	s4 =	simm.s32 $0x1BF5;
	[smem:$0x3FB9] =	sst s0  }
0x18: {  	s0 =	sld [smem:$0x3F9C];
	_ =	swait.ge [sflag:s4], $0x0  }
0x19: {  	s7 =	sld [smem:$0x3F9D]  }
0x1a: {  	s8 =	sadd.s32 $0xFFFFE003, lr  }
0x1b: {  	s9 =	sadd.s32 $0xFFFFFEF7, lr;
	s5 =	simm.s32 $0xFFFFFFFF;
	p2 =	slt.u32 s8, $0xFFFFF086  }
0x1c: {  	p1 =	slt.u32 s9, $0xF7A;
	s5 =	simm.s32 @!p2 $0x0  }
0x1d: {  	s5 =	simm.s32 @p1 $0x1;
	p0 =	seq.s32 s7, s2  }
0x1e: {  	s7 =	smul.u32 @!p0 $0xF7A, s2;
	p2 =	seq.s32 @!p0 s5, $0x0  }
0x1f: {  	s9 =	smul.u32 $0xF7A, s1;
	s8 =	simm.s32 @!p0 $0x1BF5;
	p2 =	por !p2, p0  }
0x20: {  	[sflag:s8] =	ssyncset.s32 @!p0 $0xFFFFF086;
	s6 =	sadd.s32 @!p0 s3, s7;
	s7 =	simm.s32 @!p0 $0x108  }
0x21: {  	s3 =	sadd.s32 s3, s9;
	s6 =	sadd.s32 @!p0 $0x88, s6;
	s7 =	simm.s32 @p2 $0x1082  }
0x22: {  	[simem:s7], [sflag:s8] =	dma.local @!p0 [hbm:s6], $0xF7A  }
0x23: {  	s9 =	sor.u32 $0xD0000000, s2;
	s6 =	simm.s32 $0x108;
	_ =	swait.ge @!p0 [sflag:s8], $0x0  }
0x24: {  	s3 =	sadd.s32 $0x88, s3;
	s6 =	simm.s32 @!p1 $0x1082;
	[sflag:s4] =	ssyncset.s32 $0xFFFFF086  }
0x25: {  	[simem:s6], [sflag:s4] =	dma.local [hbm:s3], $0xF7A  }
0x26: {  	[smem:$0x3F9D] =	sst s1;
	(tag) =	ssettag s2;
	_ =	strace s9  }
0x27: {  	s1 =	sld [smem:$0x3FAD]  }
0x28: {  	s2 =	sld [smem:$0x3FAE]  }
0x29: {  	s4 =	sld [smem:$0x3FB0]  }
0x2a: {  	p0 =	seq.s32 s5, $0x0;
	s5 =	sld [smem:$0x3FB1]  }
0x2b: {  	s6 =	sld [smem:$0x3FB2]  }
0x2c: {  	s7 =	sld [smem:$0x3FB3]  }
0x2d: {  	s3 =	simm.s32 $0x108;
	s8 =	sld [smem:$0x3FB4]  }
0x2e: {  	s3 =	simm.s32 @!p0 $0x1082;
	s9 =	sld [smem:$0x3FB5]  }
0x2f: {  	lr =	sadd.s32 s0, s3;
	s0 =	sld [smem:$0x3FAC]  }
0x30: {  	s3 =	sld [smem:$0x3FAF]  }
0x31: {  	[smem:$0x3FB8] =	sst s10  }
0x32: {  	s10 =	sld [smem:$0x3FB6];
	_ =	sdelay $0x3  }
0x33: {  	p0 =	seq.s32 s10, $0x1;
	s10 =	sld [smem:$0x3FB8];
	_ =	sdelay $0x3  }
0x34: {  	[smem:$0x3FB8] =	sst s10  }
0x35: {  	s10 =	sld [smem:$0x3FB7];
	_ =	sdelay $0x3  }
0x36: {  	p1 =	seq.s32 s10, $0x1;
	s10 =	sld [smem:$0x3FB8];
	_ =	sdelay $0x3  }
0x37: {  	[smem:$0x3FB8] =	sst s10  }
0x38: {  	s10 =	sld [smem:$0x3FB9]  }
0x39: {  	_ = 	snop;
	(pc) =	sbr.ind lr, $3  }
0x3a: {  	_ = 	snop  }
0x3b: {  	_ = 	snop  }
0x3c: {  	p2 =	seq.s32 s10, $0x1;
	s10 =	sld [smem:$0x3FB8]  }
0x3d: {  	_ =	shalt  }
0x3e: {  	_ =	shalt  }
0x3f: {  	_ =	shalt  }
0x40: {  	_ =	shalt  }
0x41: {  	_ =	shalt  }
0x42: {  	_ =	shalt  }
0x43: {  	_ =	shalt  }
0x44: {  	_ =	shalt  }
0x45: {  	_ =	shalt  }
0x46: {  	_ =	shalt  }
0x47: {  	_ =	shalt  }
0x48: {  	_ =	shalt  }
0x49: {  	_ =	shalt  }
0x4a: {  	_ =	shalt  }
0x4b: {  	_ =	shalt  }
0x4c: {  	_ =	shalt  }
0x4d: {  	_ =	shalt  }
0x4e: {  	_ =	shalt  }
0x4f: {  	_ =	shalt  }
0x50: {  	_ =	shalt  }
0x51: {  	_ =	shalt  }
0x52: {  	_ =	shalt  }
0x53: {  	_ =	shalt  }
0x54: {  	_ =	shalt  }
0x55: {  	_ =	shalt  }
0x56: {  	_ =	shalt  }
0x57: {  	_ =	shalt  }
0x58: {  	_ =	shalt  }
0x59: {  	_ =	shalt  }
0x5a: {  	_ =	shalt  }
0x5b: {  	_ =	shalt  }
0x5c: {  	_ =	shalt  }
0x5d: {  	_ =	shalt  }
0x5e: {  	_ =	shalt  }
0x5f: {  	_ =	shalt  }
0x60: {  	_ =	shalt  }
0x61: {  	_ =	shalt  }
0x62: {  	_ =	shalt  }
0x63: {  	_ =	shalt  }
0x64: {  	_ =	shalt  }
0x65: {  	_ =	shalt  }
0x66: {  	_ =	shalt  }
0x67: {  	_ =	shalt  }
0x68: {  	_ =	shalt  }
0x69: {  	_ =	shalt  }
0x6a: {  	_ =	shalt  }
0x6b: {  	_ =	shalt  }
0x6c: {  	_ =	shalt  }
0x6d: {  	_ =	shalt  }
0x6e: {  	_ =	shalt  }
0x6f: {  	_ =	shalt  }
0x70: {  	_ =	shalt  }
0x71: {  	_ =	shalt  }
0x72: {  	_ =	shalt  }
0x73: {  	_ =	shalt  }
0x74: {  	_ =	shalt  }
0x75: {  	_ =	shalt  }
0x76: {  	_ =	shalt  }
0x77: {  	_ =	shalt  }
0x78: {  	_ =	shalt  }
0x79: {  	_ =	shalt  }
0x7a: {  	_ =	shalt  }
0x7b: {  	_ =	shalt  }
0x7c: {  	_ =	shalt  }
0x7d: {  	_ =	shalt  }
0x7e: {  	_ =	shalt  }
0x7f: {  	_ =	shalt  }
0x80: {  	_ =	shalt  }
0x81: {  	_ =	shalt  }
0x82: {  	_ =	shalt  }
0x83: {  	_ =	shalt  }
0x84: {  	_ =	shalt  }
0x85: {  	_ =	shalt  }
0x86: {  	_ =	shalt  }
0x87: {  	_ =	shalt  }
.Lfunc_end0:
.L_simem_size_0:
called_computation_lowered:
.L_overlay_start_0:
0x88: {  	s2 =	sld [smem:$0x3FD9]  }
0x89: {  	s3 =	sld [smem:$0x3FFE];
	_ =	sdelay $0x1  }
0x8a: {  	s1 =	srdreg.scid  }
0x8b: {  	s0 =	sand.u32 $0x1, s1  }
0x8c: {  	s18 =	sshll.u32 s0, $0xA;
	s2 =	sadd.s32 s3, s2  }
0x8d: {  	s2 =	sadd.s32 s2, s18  }
0x8e: {  	[smem:$0x3FC4] =	sst s2  }
0x8f: {  	_ = 	snop  }
0x90: {  	s2 =	sld [smem:$0x3FC9]  }
0x91: {  	s19 =	sld [smem:$0x3FC8]  }
0x92: {  	s4 =	sld [smem:$0x3FC7]  }
0x93: {  	s5 =	sld [smem:$0x3FC6]  }
0x94: {  	s6 =	sld [smem:$0x3FD0];
	(tm) =	ssettm $0x1  }
0x95: {  	s7 =	sld [smem:$0x3FFB];
	_ =	sdelay $0x3  }
0x96: {  	_ =	strace s7  }
0x97: {  	s7 =	sld [smem:$0x3FFC];
	_ =	sdelay $0x3  }
0x98: {  	_ =	strace s7  }
0x99: {  	s7 =	sld [smem:$0x3FFD];
	_ =	sdelay $0x3  }
0x9a: {  	_ =	strace s7  }
0x9b: {  	_ =	strace $0x8FFFFFFF  }
0x9c: {  	s20 =	sld [smem:$0x3FDB];
	_ =	sdelay $0x1  }
0x9d: {  	s8 =	simm.s32 $_scs_section_size  }
0x9e: {  	s9 =	simm.s32 $_size__tile_overlayer_lowered;
	s10 =	simm.s32 $_tile_overlayer_lowered  }
0x9f: {  	s23 =	simm.s32 $0x1BFF;
	s22 =	sshll.u32 s10, $0x1;
	s7 =	sadd.s32 s8, s20  }
0xa0: {  	s11 =	simm.s32 $0x0;
	s21 =	sshll.u32 s9, $0x1;
	s9 =	sadd.s32 s22, s7  }
0xa1: {  	[timem:s11], [sflag:s23] =	dma.local [hbm:s9], s21  }
0xa2: {  	_ =	swait.ge [sflag:s23], s21  }
0xa3: {  	s8 =	ssub.s32 $0x0, s21;
	[sflag:s23] =	ssyncset.done $0x0  }
0xa4: {  	[sflag:s23] =	ssyncadd.s32 s8;
	_ =	sdelay $0x1  }
0xa5: {  	s24 =	simm.s32 $0x1B8B  }
0xa6: {  	_ =	swait.ge [sflag:s24], $0x1  }
0xa7: {  	[sflag:s24] =	ssyncset.done $0x0  }
0xa8: {  	s25 =	simm.s32 $0x1B8E;
	[sflag:s24] =	ssyncadd.s32 $0xFFFFFFFF  }
0xa9: {  	s26 =	simm.s32 $execute0_lowered;
	[smem:$0x3FD2] =	sst s25  }
0xaa: {  	s8 =	sshll.u32 s26, $0x1;
	_ =	strace $0x80000046;
	[dreg:$0x1] =	wrdreg $0xFFFFFFFF  }
0xab: {  	s28 =	simm.s32 $_size_execute0_lowered;
	s7 =	sadd.s32 s7, s8;
	[dreg:$0x0] =	wrdreg $0x0  }
0xac: {  	s8 =	sshll.u32 s28, $0x1;
	[dreg:$0x2] =	wrdreg s7  }
0xad: {  	[dreg:$0x3] =	wrdreg s8  }
0xae: {  	[dreg:$0x4] =	wrdreg $0xC0  }
0xaf: {  	_ =	task [dreg:s11], $0x5FFFF  }
0xb0: {  	[dreg:$0x1] =	wrdreg $0xFFFFFFFF  }
0xb1: {  	[dreg:$0x0] =	wrdreg $0x60  }
0xb2: {  	[dreg:$0x2] =	wrdreg s2  }
0xb3: {  	[dreg:$0x3] =	wrdreg s19  }
0xb4: {  	[dreg:$0x4] =	wrdreg s4  }
0xb5: {  	[dreg:$0x5] =	wrdreg s5  }
0xb6: {  	[dreg:$0x6] =	wrdreg s6  }
0xb7: {  	[dreg:$0x7] =	wrdreg $0x9  }
0xb8: {  	_ =	task.clear_ibuf [dreg:s11], $0x8FFFF;
	_ =	strace $0x90000046  }
0xb9: {  	s29 =	simm.s32 $0x9;
	_ =	strace $0x80000048  }
0xba: {  	_ =	swait.ge [sflag:s29], $0x1  }
0xbb: {  	[sflag:s29] =	ssyncadd.s32 $0xFFFFFFFF  }
0xbc: {  	_ =	strace $0x90000048  }
0xbd: {  	_ =	sfence  }
0xbe: {  	s30 =	sld [smem:$0x0];
	_ =	sdelay $0x2  }
0xbf: {  	s31 =	sshll.u32 s1, $0xD;
	s1 =	sshrl.u32 s1, $0x2  }
0xc0: {  	s3 =	sand.u32 $0x4000, s31;
	s1 =	sadd.s32 s1, s30  }
0xc1: {  	s0 =	sor.u32 s3, s0;
	s1 =	sshll.u32 s1, $0x11  }
0xc2: {  	s0 =	sor.u32 s1, s0  }
0xc3: {  	s0 =	sadd.s32 $0x8F2B, s0  }
0xc4: {  	[sflag:s0] =	ssyncadd.remote.s32 $0x1  }
0xc5: {  	_ =	sfence.sel $0xFFFF  }
0xc6: {  	[dreg:$0x0] =	wrdreg $0xFFFFFFFF;
	(pc) =	sbr.abs _section_cstart, $3  }
0xc7: {  	[dreg:$0x1] =	wrdreg $0xFFFFFFFF  }
0xc8: {  	_ =	task.clear_ibuf [dreg:s11], $0x2FFFF;
	_ =	strace $0x9FFFFFFF  }
0xc9: {  	(tm) =	ssettm $0x7FFFFFFF  }
tec
execute0_lowered:
.L_overlay_start_1:
0x0: {  	(tag) =	ssettag $0x1  }
0x1: {  	s0 =	rddreg [dreg:$0x0]  }
0x2: {  	s3 =	rddreg [dreg:$0x1]  }
0x3: {  	s1 =	rddreg [dreg:$0x2]  }
0x4: {  	s2 =	rddreg [dreg:$0x3]  }
0x5: {  	s4 =	rddreg [dreg:$0x4];
	s5 =	srdreg.scid  }
0x6: {  	s31 =	simm.s32 $0x0;
	s8 =	stileid.u32;
	s5 =	sand.u32 $0x1, s5  }
0x7: {  	s8 =	sshll.u32 s8, $0x7;
	s6 =	ssub.s32 $0x2, s5;
	s5 =	sshll.u32 s5, $0x6  }
0x8: {  	s12 =	simm.s32 $0x400;
	[smem:$0x7FF] =	sst s31;
	s5 =	sor.u32 s5, s8  }
0x9: {  	s13 =	simm.s32 $0xC400;
	vm0 =	vmmov $0x1;
	vm1 =	vcmask $0x308;
	vm2 =	vcmask $0x70C;
	_ =	strace $0x80000047;
	s0 =	sadd.s32 s0, s5  }
0xa: {  	vm3 =	vcmask $0xB10;
	vm4 =	vcmask $0xF14;
	v0 =	vlaneseq.u32;
	s7 =	sshrl.u32 s6, $0x1;
	s28 =	sadd.s32 s3, s5;
	[dreg:$0x6] =	wrdreg s0  }
0xb: {  	vm5 =	vcmask $0x1318;
	vm6 =	vcmask $0x171C;
	v0 =	vmul.u32 $0x80, v0;
	s6 =	ssub.s32 s6, s7;
	s29 =	sadd.s32 s4, s5;
	[dreg:$0x7] =	wrdreg s28  }
0xc: {  	vm7 =	vcmask $0x1B20;
	vm8 =	vcmask $0x1F24;
	vm9 =	vcmask $0x2328;
	s16 =	simm.s32 $0x18400;
	[dreg:$0x8] =	wrdreg s29;
	s30 =	smax.u32 s6, $0x1  }
0xd: {  	vm10 =	vcmask $0x272C;
	vm11 =	vcmask $0x2B30;
	v1 =	vor.u32 $0x800, v0;
	s3 =	simm.s32 $0x19;
	s4 =	simm.s32 $0x0;
	[dreg:$0x9] =	wrdreg s30  }
.LBB2_1:
0xe: {  	[dreg:$0xa] =	wrdreg s4  }
0xf: {  	s0 =	rddreg [dreg:$0x6]  }
0x10: {  	[tilespmem:s31], [sflag:$0x19] =	stream.linear.gather [hbm4b:s0+s31], $0x200, $0x38;
	[tilespmem:$0x18600] =	vst v63  }
0x11: {  	_ =	swait.ge [sflag:s3], $0x200  }
0x12: {  	[sflag:s3] =	ssyncset.done $0x0  }
0x13: {  	s8 =	simm.s32 $0x200;
	s7 =	rddreg [dreg:$0x7];
	[sflag:s3] =	ssyncadd.s32 $0xFFFFFE00  }
0x14: {  	[tilespmem:s8], [sflag:$0x19] =	stream.linear.gather [hbm4b:s7+s31], $0x200, $0x38;
	[tilespmem:$0x18600] =	vst v63  }
0x15: {  	_ =	swait.ge [sflag:s3], $0x200  }
0x16: {  	[sflag:s3] =	ssyncset.done $0x0  }
0x17: {  	[sflag:s3] =	ssyncadd.s32 $0xFFFFFE00  }
0x18: {  	v2 =	vld [tilespmem:$0x0];
	_ =	sdelay $0x1  }
0x19: {  	v3 =	vld [tilespmem:$0x200];
	_ =	sdelay $0x2  }
0x1a: {  	v2 =	vnsel vm0, $0x0, v2  }
0x1b: {  	(xrf0) =	vadd.scan.msk.s32 $0xffff, v2  }
0x1c: {  	v2 =	vnsel vm0, $0x0, v3  }
0x1d: {  	(xrf0) =	vadd.scan.msk.s32 $0xffff, v2;
	_ =	sdelay $0x3  }
0x1e: {  	v2, _, _ =	vpop (xrf0)  }
0x1f: {  	(v2sf) =	vpush v2, $0xF  }
0x20: {  	v2, _, _ =	vpop (xrf0)  }
0x21: {  	(v2sf) =	vpush v2, $0xF;
	_ =	sdelay $0xc  }
0x22: {  	s4 =	simm.s32 $0x1;
	s9 =	spop (v2sf)  }
0x23: {  	s3 =	simm.s32 $0x1;
	s10 =	sand.u32 $0x7F, s9;
	s11 =	sshra.s32 s9, $0x1F  }
0x24: {  	p0 =	slt.s32 s9, $0x1;
	s6 =	spop (v2sf);
	p1 =	sne.s32 s10, $0x0  }
0x25: {  	s14 =	sshrl.u32 s11, $0x19;
	s15 =	sand.u32 $0x7F, s6;
	s5 =	sshra.s32 s6, $0x1F  }
0x26: {  	p3 =	slt.s32 s6, $0x1;
	p0 =	por !p0, !p1;
	s0 =	sadd.s32 s14, s9  }
0x27: {  	p4 =	sne.s32 s15, $0x0;
	s17 =	sshrl.u32 s5, $0x19;
	p0 =	por !p0, !p0  }
0x28: {  	s0 =	sshrl.u32 s0, $0x7;
	s3 =	simm.s32 @!p0 $0x0;
	p0 =	por !p3, !p4  }
0x29: {  	s0 =	ssub.s32 s0, s3;
	s3 =	sadd.s32 s17, s6;
	p0 =	por !p0, !p0  }
0x2a: {  	s18 =	sshll.u32 s0, $0x7;
	s19 =	sshrl.u32 s3, $0x7;
	s4 =	simm.s32 @!p0 $0x0  }
0x2b: {  	s0 =	ssub.s32 s19, s4;
	s20 =	sand.u32 $0x1FFFFF80, s18  }
0x2c: {  	s19 =	simm.s32 $0x7A1400;
	s4 =	sshll.u32 s0, $0x7;
	s21 =	sadd.s32 s1, s20  }
0x2d: {  	[tilespmem:s12], [sflag:$0x1] =	stream.strided.gather [hbm4b:s21+s12], $0x1000, s19, s12, $0x38;
	[tilespmem:$0x18600] =	vst v63  }
0x2e: {  	s22 =	sand.u32 $0x1FFFFF80, s4  }
0x2f: {  	s0 =	sadd.s32 s2, s22  }
0x30: {  	[tilespmem:s13], [sflag:$0x2] =	stream.strided.gather [hbm4b:s0+s12], $0x1000, s19, s12, $0x38;
	[tilespmem:$0x18600] =	vst v63  }
0x31: {  	v2 =	vld [tilespmem:$0x0];
	_ =	sdelay $0x1  }
0x32: {  	v3 =	vld [tilespmem:$0x200];
	_ =	sdelay $0x2  }
0x33: {  	v2 =	vsel vm1, $0x0, v2  }
0x34: {  	(xrf0) =	vadd.scan.msk.s32 $0xffff, v2  }
0x35: {  	v2 =	vsel vm1, $0x0, v3  }
0x36: {  	(xrf0) =	vadd.scan.msk.s32 $0xffff, v2;
	_ =	sdelay $0x3  }
0x37: {  	v2, _, _ =	vpop (xrf0)  }
0x38: {  	(v2sf) =	vpush v2, $0xF  }
0x39: {  	v2, _, _ =	vpop (xrf0)  }
0x3a: {  	(v2sf) =	vpush v2, $0xF;
	_ =	sdelay $0xb  }
0x3b: {  	[dreg:$0xc] =	wrdreg s6  }
0x3c: {  	s3 =	simm.s32 $0x1;
	[dreg:$0xe] =	wrdreg s4;
	s23 =	spop (v2sf)  }
0x3d: {  	s4 =	simm.s32 $0x1;
	s24 =	sand.u32 $0x7F, s23;
	s25 =	sshra.s32 s23, $0x1F  }
0x3e: {  	p5 =	slt.s32 s23, $0x1;
	s26 =	spop (v2sf);
	p6 =	sne.s32 s24, $0x0  }
0x3f: {  	s28 =	sshrl.u32 s25, $0x19;
	s29 =	sand.u32 $0x7F, s26;
	s30 =	sshra.s32 s26, $0x1F  }
0x40: {  	p1 =	slt.s32 s26, $0x1;
	p0 =	por !p5, !p6;
	s0 =	sadd.s32 s28, s23  }
0x41: {  	p2 =	sne.s32 s29, $0x0;
	s5 =	sshrl.u32 s30, $0x19;
	p0 =	por !p0, !p0  }
0x42: {  	s0 =	sshrl.u32 s0, $0x7;
	s3 =	simm.s32 @!p0 $0x0;
	p0 =	por !p1, !p2  }
0x43: {  	s0 =	ssub.s32 s0, s3;
	s3 =	sadd.s32 s5, s26;
	p0 =	por !p0, !p0  }
0x44: {  	s6 =	sshll.u32 s0, $0x7;
	s7 =	sshrl.u32 s3, $0x7;
	s4 =	simm.s32 @!p0 $0x0  }
0x45: {  	[dreg:$0xb] =	wrdreg s9;
	s0 =	ssub.s32 s7, s4;
	s8 =	sand.u32 $0x1FFFFF80, s6  }
0x46: {  	s10 =	simm.s32 $0x1400;
	s4 =	sshll.u32 s0, $0x7;
	s9 =	sadd.s32 s1, s8  }
0x47: {  	[tilespmem:s10], [sflag:$0x3] =	stream.strided.gather [hbm4b:s9+s12], $0x1000, s19, s12, $0x38;
	[tilespmem:$0x18600] =	vst v63  }
0x48: {  	s11 =	sand.u32 $0x1FFFFF80, s4  }
0x49: {  	s14 =	simm.s32 $0xD400;
	s0 =	sadd.s32 s2, s11  }
0x4a: {  	[tilespmem:s14], [sflag:$0x4] =	stream.strided.gather [hbm4b:s0+s12], $0x1000, s19, s12, $0x38;
	[tilespmem:$0x18600] =	vst v63  }
0x4b: {  	v2 =	vld [tilespmem:$0x0];
	_ =	sdelay $0x1  }
0x4c: {  	v3 =	vld [tilespmem:$0x200];
	_ =	sdelay $0x2  }
0x4d: {  	v2 =	vsel vm2, $0x0, v2  }
0x4e: {  	(xrf0) =	vadd.scan.msk.s32 $0xffff, v2  }
0x4f: {  	v2 =	vsel vm2, $0x0, v3  }
0x50: {  	(xrf0) =	vadd.scan.msk.s32 $0xffff, v2;
	_ =	sdelay $0x3  }
0x51: {  	v2, _, _ =	vpop (xrf0)  }
0x52: {  	(v2sf) =	vpush v2, $0xF  }
0x53: {  	v2, _, _ =	vpop (xrf0)  }
0x54: {  	(v2sf) =	vpush v2, $0xF;
	_ =	sdelay $0x9  }
0x55: {  	[dreg:$0xd] =	wrdreg s18  }
0x56: {  	[dreg:$0xf] =	wrdreg s23  }
0x57: {  	[dreg:$0x10] =	wrdreg s26  }
0x58: {  	s3 =	simm.s32 $0x1;
	[dreg:$0x12] =	wrdreg s4;
	s15 =	spop (v2sf)  }
0x59: {  	s4 =	simm.s32 $0x1;
	s17 =	sand.u32 $0x7F, s15;
	s18 =	sshra.s32 s15, $0x1F  }
0x5a: {  	p3 =	slt.s32 s15, $0x1;
	s20 =	spop (v2sf);
	p4 =	sne.s32 s17, $0x0  }
0x5b: {  	s21 =	sshrl.u32 s18, $0x19;
	s22 =	sand.u32 $0x7F, s20;
	s23 =	sshra.s32 s20, $0x1F  }
0x5c: {  	p5 =	slt.s32 s20, $0x1;
	p0 =	por !p3, !p4;
	s0 =	sadd.s32 s21, s15  }
0x5d: {  	p6 =	sne.s32 s22, $0x0;
	s24 =	sshrl.u32 s23, $0x19;
	p0 =	por !p0, !p0  }
0x5e: {  	s0 =	sshrl.u32 s0, $0x7;
	s3 =	simm.s32 @!p0 $0x0;
	p0 =	por !p5, !p6  }
0x5f: {  	s0 =	ssub.s32 s0, s3;
	s3 =	sadd.s32 s24, s20;
	p0 =	por !p0, !p0  }
0x60: {  	s25 =	sshll.u32 s0, $0x7;
	s26 =	sshrl.u32 s3, $0x7;
	s4 =	simm.s32 @!p0 $0x0  }
0x61: {  	s0 =	ssub.s32 s26, s4;
	s28 =	sand.u32 $0x1FFFFF80, s25  }
0x62: {  	s30 =	simm.s32 $0x2400;
	s4 =	sshll.u32 s0, $0x7;
	s29 =	sadd.s32 s1, s28  }
0x63: {  	[tilespmem:s30], [sflag:$0x5] =	stream.strided.gather [hbm4b:s29+s12], $0x1000, s19, s12, $0x38;
	[tilespmem:$0x18600] =	vst v63  }
0x64: {  	s3 =	sand.u32 $0x1FFFFF80, s4  }
0x65: {  	[dreg:$0x16] =	wrdreg s4;
	s4 =	simm.s32 $0xE400;
	s0 =	sadd.s32 s2, s3  }
0x66: {  	[tilespmem:s4], [sflag:$0x6] =	stream.strided.gather [hbm4b:s0+s12], $0x1000, s19, s12, $0x38;
	[tilespmem:$0x18600] =	vst v63  }
0x67: {  	v2 =	vld [tilespmem:$0x0];
	_ =	sdelay $0x1  }
0x68: {  	v3 =	vld [tilespmem:$0x200];
	_ =	sdelay $0x2  }
0x69: {  	v2 =	vsel vm3, $0x0, v2  }
0x6a: {  	(xrf0) =	vadd.scan.msk.s32 $0xffff, v2  }
0x6b: {  	v2 =	vsel vm3, $0x0, v3  }
0x6c: {  	(xrf0) =	vadd.scan.msk.s32 $0xffff, v2;
	_ =	sdelay $0x3  }
0x6d: {  	v2, _, _ =	vpop (xrf0)  }
0x6e: {  	(v2sf) =	vpush v2, $0xF  }
0x6f: {  	v2, _, _ =	vpop (xrf0)  }
0x70: {  	(v2sf) =	vpush v2, $0xF;
	_ =	sdelay $0xc  }
0x71: {  	[dreg:$0x11] =	wrdreg s6;
	s3 =	simm.s32 $0x1;
	s31 =	spop (v2sf)  }
0x72: {  	s4 =	simm.s32 $0x1;
	s5 =	sand.u32 $0x7F, s31;
	s6 =	sshra.s32 s31, $0x1F  }
0x73: {  	p1 =	slt.s32 s31, $0x1;
	s28 =	spop (v2sf);
	p2 =	sne.s32 s5, $0x0  }
0x74: {  	s7 =	sshrl.u32 s6, $0x19;
	s8 =	sand.u32 $0x7F, s28;
	s9 =	sshra.s32 s28, $0x1F  }
0x75: {  	p3 =	slt.s32 s28, $0x1;
	p0 =	por !p1, !p2;
	s0 =	sadd.s32 s7, s31  }
0x76: {  	p4 =	sne.s32 s8, $0x0;
	s10 =	sshrl.u32 s9, $0x19;
	p0 =	por !p0, !p0  }
0x77: {  	s0 =	sshrl.u32 s0, $0x7;
	s3 =	simm.s32 @!p0 $0x0;
	p0 =	por !p3, !p4  }
0x78: {  	s0 =	ssub.s32 s0, s3;
	s3 =	sadd.s32 s10, s28;
	p0 =	por !p0, !p0  }
0x79: {  	s11 =	sshll.u32 s0, $0x7;
	s14 =	sshrl.u32 s3, $0x7;
	s4 =	simm.s32 @!p0 $0x0  }
0x7a: {  	[dreg:$0x13] =	wrdreg s15;
	s0 =	ssub.s32 s14, s4;
	s15 =	sand.u32 $0x1FFFFF80, s11  }
0x7b: {  	s18 =	simm.s32 $0x3400;
	s4 =	sshll.u32 s0, $0x7;
	s17 =	sadd.s32 s1, s15  }
0x7c: {  	[tilespmem:s18], [sflag:$0x7] =	stream.strided.gather [hbm4b:s17+s12], $0x1000, s19, s12, $0x38;
	[tilespmem:$0x18600] =	vst v63  }
0x7d: {  	[dreg:$0x14] =	wrdreg s20;
	s20 =	sand.u32 $0x1FFFFF80, s4  }
0x7e: {  	s21 =	simm.s32 $0xF400;
	s0 =	sadd.s32 s2, s20  }
0x7f: {  	[tilespmem:s21], [sflag:$0x8] =	stream.strided.gather [hbm4b:s0+s12], $0x1000, s19, s12, $0x38;
	[tilespmem:$0x18600] =	vst v63  }
0x80: {  	v2 =	vld [tilespmem:$0x0];
	_ =	sdelay $0x1  }
0x81: {  	v3 =	vld [tilespmem:$0x200];
	_ =	sdelay $0x2  }
0x82: {  	v2 =	vsel vm4, $0x0, v2  }
0x83: {  	(xrf0) =	vadd.scan.msk.s32 $0xffff, v2  }
0x84: {  	v2 =	vsel vm4, $0x0, v3  }
0x85: {  	(xrf0) =	vadd.scan.msk.s32 $0xffff, v2;
	_ =	sdelay $0x3  }
0x86: {  	v2, _, _ =	vpop (xrf0)  }
0x87: {  	(v2sf) =	vpush v2, $0xF  }
0x88: {  	v2, _, _ =	vpop (xrf0)  }
0x89: {  	(v2sf) =	vpush v2, $0xF;
	_ =	sdelay $0xb  }
0x8a: {  	[dreg:$0x15] =	wrdreg s25  }
0x8b: {  	s3 =	simm.s32 $0x1;
	[dreg:$0x18] =	wrdreg s4;
	s26 =	spop (v2sf)  }
0x8c: {  	s4 =	simm.s32 $0x1;
	s22 =	sand.u32 $0x7F, s26;
	s23 =	sshra.s32 s26, $0x1F  }
0x8d: {  	p5 =	slt.s32 s26, $0x1;
	s25 =	spop (v2sf);
	p6 =	sne.s32 s22, $0x0  }
0x8e: {  	s24 =	sshrl.u32 s23, $0x19;
	s29 =	sand.u32 $0x7F, s25;
	s30 =	sshra.s32 s25, $0x1F  }
0x8f: {  	p1 =	slt.s32 s25, $0x1;
	p0 =	por !p5, !p6;
	s0 =	sadd.s32 s24, s26  }
0x90: {  	p2 =	sne.s32 s29, $0x0;
	s6 =	sshrl.u32 s30, $0x19;
	p0 =	por !p0, !p0  }
0x91: {  	s0 =	sshrl.u32 s0, $0x7;
	s3 =	simm.s32 @!p0 $0x0;
	p0 =	por !p1, !p2  }
0x92: {  	s0 =	ssub.s32 s0, s3;
	s3 =	sadd.s32 s6, s25;
	p0 =	por !p0, !p0  }
0x93: {  	s7 =	sshll.u32 s0, $0x7;
	s8 =	sshrl.u32 s3, $0x7;
	s4 =	simm.s32 @!p0 $0x0  }
0x94: {  	[dreg:$0x17] =	wrdreg s11;
	s0 =	ssub.s32 s8, s4;
	s9 =	sand.u32 $0x1FFFFF80, s7  }
0x95: {  	s11 =	simm.s32 $0x4400;
	s4 =	sshll.u32 s0, $0x7;
	s10 =	sadd.s32 s1, s9  }
0x96: {  	[tilespmem:s11], [sflag:$0x9] =	stream.strided.gather [hbm4b:s10+s12], $0x1000, s19, s12, $0x38;
	[tilespmem:$0x18600] =	vst v63  }
0x97: {  	s14 =	sand.u32 $0x1FFFFF80, s4  }
0x98: {  	s15 =	simm.s32 $0x10400;
	s0 =	sadd.s32 s2, s14  }
0x99: {  	[tilespmem:s15], [sflag:$0xA] =	stream.strided.gather [hbm4b:s0+s12], $0x1000, s19, s12, $0x38;
	[tilespmem:$0x18600] =	vst v63  }
0x9a: {  	v2 =	vld [tilespmem:$0x0];
	_ =	sdelay $0x1  }
0x9b: {  	v3 =	vld [tilespmem:$0x200];
	_ =	sdelay $0x2  }
0x9c: {  	v2 =	vsel vm5, $0x0, v2  }
0x9d: {  	(xrf0) =	vadd.scan.msk.s32 $0xffff, v2  }
0x9e: {  	v2 =	vsel vm5, $0x0, v3  }
0x9f: {  	(xrf0) =	vadd.scan.msk.s32 $0xffff, v2;
	_ =	sdelay $0x3  }
0xa0: {  	v2, _, _ =	vpop (xrf0)  }
0xa1: {  	(v2sf) =	vpush v2, $0xF  }
0xa2: {  	v2, _, _ =	vpop (xrf0)  }
0xa3: {  	(v2sf) =	vpush v2, $0xF;
	_ =	sdelay $0xc  }
0xa4: {  	s3 =	simm.s32 $0x1;
	[dreg:$0x1a] =	wrdreg s4;
	s22 =	spop (v2sf)  }
0xa5: {  	s4 =	simm.s32 $0x1;
	s17 =	sand.u32 $0x7F, s22;
	s18 =	sshra.s32 s22, $0x1F  }
0xa6: {  	p3 =	slt.s32 s22, $0x1;
	s21 =	spop (v2sf);
	p4 =	sne.s32 s17, $0x0  }
0xa7: {  	s20 =	sshrl.u32 s18, $0x19;
	s23 =	sand.u32 $0x7F, s21;
	s24 =	sshra.s32 s21, $0x1F  }
0xa8: {  	p5 =	slt.s32 s21, $0x1;
	p0 =	por !p3, !p4;
	s0 =	sadd.s32 s20, s22  }
0xa9: {  	p6 =	sne.s32 s23, $0x0;
	s29 =	sshrl.u32 s24, $0x19;
	p0 =	por !p0, !p0  }
0xaa: {  	s0 =	sshrl.u32 s0, $0x7;
	s3 =	simm.s32 @!p0 $0x0;
	p0 =	por !p5, !p6  }
0xab: {  	s0 =	ssub.s32 s0, s3;
	s3 =	sadd.s32 s29, s21;
	p0 =	por !p0, !p0  }
0xac: {  	s30 =	sshll.u32 s0, $0x7;
	s3 =	sshrl.u32 s3, $0x7;
	s4 =	simm.s32 @!p0 $0x0  }
0xad: {  	[dreg:$0x19] =	wrdreg s7;
	s0 =	ssub.s32 s3, s4;
	s6 =	sand.u32 $0x1FFFFF80, s30  }
0xae: {  	s8 =	simm.s32 $0x5400;
	s4 =	sshll.u32 s0, $0x7;
	s7 =	sadd.s32 s1, s6  }
0xaf: {  	[tilespmem:s8], [sflag:$0xB] =	stream.strided.gather [hbm4b:s7+s12], $0x1000, s19, s12, $0x38;
	[tilespmem:$0x18600] =	vst v63  }
0xb0: {  	s9 =	sand.u32 $0x1FFFFF80, s4  }
0xb1: {  	s10 =	simm.s32 $0x11400;
	s0 =	sadd.s32 s2, s9  }
0xb2: {  	[tilespmem:s10], [sflag:$0xC] =	stream.strided.gather [hbm4b:s0+s12], $0x1000, s19, s12, $0x38;
	[tilespmem:$0x18600] =	vst v63  }
0xb3: {  	v2 =	vld [tilespmem:$0x0];
	_ =	sdelay $0x1  }
0xb4: {  	v3 =	vld [tilespmem:$0x200];
	_ =	sdelay $0x2  }
0xb5: {  	v2 =	vsel vm6, $0x0, v2  }
0xb6: {  	(xrf0) =	vadd.scan.msk.s32 $0xffff, v2  }
0xb7: {  	v2 =	vsel vm6, $0x0, v3  }
0xb8: {  	(xrf0) =	vadd.scan.msk.s32 $0xffff, v2;
	_ =	sdelay $0x3  }
0xb9: {  	v2, _, _ =	vpop (xrf0)  }
0xba: {  	(v2sf) =	vpush v2, $0xF  }
0xbb: {  	v2, _, _ =	vpop (xrf0)  }
0xbc: {  	(v2sf) =	vpush v2, $0xF;
	_ =	sdelay $0xc  }
0xbd: {  	[dreg:$0x1b] =	wrdreg s30;
	s20 =	spop (v2sf)  }
0xbe: {  	s3 =	simm.s32 $0x1;
	[dreg:$0x1c] =	wrdreg s4;
	s11 =	sand.u32 $0x7F, s20  }
0xbf: {  	s14 =	sshra.s32 s20, $0x1F;
	p2 =	slt.s32 s20, $0x1;
	s17 =	spop (v2sf)  }
0xc0: {  	p1 =	sne.s32 s11, $0x0;
	s0 =	sshrl.u32 s14, $0x19;
	s15 =	sand.u32 $0x7F, s17  }
0xc1: {  	p4 =	slt.s32 s17, $0x1;
	s18 =	sshra.s32 s17, $0x1F;
	p0 =	por !p2, !p1  }
0xc2: {  	s0 =	sadd.s32 s0, s20;
	p3 =	sne.s32 s15, $0x0;
	p0 =	por !p0, !p0  }
0xc3: {  	s0 =	sshrl.u32 s0, $0x7;
	s3 =	simm.s32 @!p0 $0x0;
	p0 =	por !p4, !p3  }
0xc4: {  	s24 =	sshrl.u32 s18, $0x19;
	s0 =	ssub.s32 s0, s3;
	p0 =	por !p0, !p0  }
0xc5: {  	s3 =	simm.s32 $0x1;
	s23 =	sshll.u32 s0, $0x7;
	s0 =	sadd.s32 s24, s17  }
0xc6: {  	s3 =	simm.s32 @!p0 $0x0;
	s0 =	sshrl.u32 s0, $0x7;
	s4 =	sand.u32 $0x1FFFFF80, s23  }
0xc7: {  	s30 =	simm.s32 $0x6400;
	s0 =	ssub.s32 s0, s3;
	s29 =	sadd.s32 s1, s4  }
0xc8: {  	[tilespmem:s30], [sflag:$0xD] =	stream.strided.gather [hbm4b:s29+s12], $0x1000, s19, s12, $0x38;
	[tilespmem:$0x18600] =	vst v63  }
0xc9: {  	s0 =	sshll.u32 s0, $0x7  }
0xca: {  	[dreg:$0x1e] =	wrdreg s0;
	s0 =	sand.u32 $0x1FFFFF80, s0  }
0xcb: {  	s5 =	simm.s32 $0x12400;
	s0 =	sadd.s32 s2, s0  }
0xcc: {  	[tilespmem:s5], [sflag:$0xE] =	stream.strided.gather [hbm4b:s0+s12], $0x1000, s19, s12, $0x38;
	[tilespmem:$0x18600] =	vst v63  }
0xcd: {  	v2 =	vld [tilespmem:$0x0];
	_ =	sdelay $0x1  }
0xce: {  	v3 =	vld [tilespmem:$0x200];
	_ =	sdelay $0x2  }
0xcf: {  	v2 =	vsel vm7, $0x0, v2  }
0xd0: {  	(xrf0) =	vadd.scan.msk.s32 $0xffff, v2  }
0xd1: {  	v2 =	vsel vm7, $0x0, v3  }
0xd2: {  	(xrf0) =	vadd.scan.msk.s32 $0xffff, v2;
	_ =	sdelay $0x3  }
0xd3: {  	v2, _, _ =	vpop (xrf0)  }
0xd4: {  	(v2sf) =	vpush v2, $0xF  }
0xd5: {  	v2, _, _ =	vpop (xrf0)  }
0xd6: {  	(v2sf) =	vpush v2, $0xF;
	_ =	sdelay $0xc  }
0xd7: {  	s30 =	spop (v2sf)  }
0xd8: {  	s3 =	simm.s32 $0x1;
	s6 =	sand.u32 $0x7F, s30  }
0xd9: {  	p6 =	slt.s32 s30, $0x1;
	s7 =	sshra.s32 s30, $0x1F;
	s14 =	spop (v2sf)  }
0xda: {  	p5 =	sne.s32 s6, $0x0;
	s0 =	sshrl.u32 s7, $0x19;
	s8 =	sand.u32 $0x7F, s14  }
0xdb: {  	p2 =	slt.s32 s14, $0x1;
	s9 =	sshra.s32 s14, $0x1F;
	p0 =	por !p6, !p5  }
0xdc: {  	s0 =	sadd.s32 s0, s30;
	p1 =	sne.s32 s8, $0x0;
	p0 =	por !p0, !p0  }
0xdd: {  	s0 =	sshrl.u32 s0, $0x7;
	s3 =	simm.s32 @!p0 $0x0;
	p0 =	por !p2, !p1  }
0xde: {  	s11 =	sshrl.u32 s9, $0x19;
	s0 =	ssub.s32 s0, s3;
	p0 =	por !p0, !p0  }
0xdf: {  	s3 =	simm.s32 $0x1;
	s10 =	sshll.u32 s0, $0x7;
	s0 =	sadd.s32 s11, s14  }
0xe0: {  	s3 =	simm.s32 @!p0 $0x0;
	s0 =	sshrl.u32 s0, $0x7;
	s4 =	sand.u32 $0x1FFFFF80, s10  }
0xe1: {  	s18 =	simm.s32 $0x7400;
	s0 =	ssub.s32 s0, s3;
	s15 =	sadd.s32 s1, s4  }
0xe2: {  	[tilespmem:s18], [sflag:$0xF] =	stream.strided.gather [hbm4b:s15+s12], $0x1000, s19, s12, $0x38;
	[tilespmem:$0x18600] =	vst v63  }
0xe3: {  	s29 =	sshll.u32 s0, $0x7  }
0xe4: {  	s0 =	sand.u32 $0x1FFFFF80, s29  }
0xe5: {  	[dreg:$0x1d] =	wrdreg s23;
	s23 =	simm.s32 $0x13400;
	s0 =	sadd.s32 s2, s0  }
0xe6: {  	[tilespmem:s23], [sflag:$0x10] =	stream.strided.gather [hbm4b:s0+s12], $0x1000, s19, s12, $0x38;
	[tilespmem:$0x18600] =	vst v63  }
0xe7: {  	v2 =	vld [tilespmem:$0x0];
	_ =	sdelay $0x1  }
0xe8: {  	v3 =	vld [tilespmem:$0x200];
	_ =	sdelay $0x2  }
0xe9: {  	v2 =	vsel vm8, $0x0, v2  }
0xea: {  	(xrf0) =	vadd.scan.msk.s32 $0xffff, v2  }
0xeb: {  	v2 =	vsel vm8, $0x0, v3  }
0xec: {  	(xrf0) =	vadd.scan.msk.s32 $0xffff, v2;
	_ =	sdelay $0x3  }
0xed: {  	v2, _, _ =	vpop (xrf0)  }
0xee: {  	(v2sf) =	vpush v2, $0xF  }
0xef: {  	v2, _, _ =	vpop (xrf0)  }
0xf0: {  	(v2sf) =	vpush v2, $0xF;
	_ =	sdelay $0xc  }
0xf1: {  	s11 =	spop (v2sf)  }
0xf2: {  	[dreg:$0x1f] =	wrdreg s10;
	s24 =	sand.u32 $0x7F, s11;
	p4 =	slt.s32 s11, $0x1  }
0xf3: {  	s3 =	sshra.s32 s11, $0x1F;
	s10 =	spop (v2sf);
	p3 =	sne.s32 s24, $0x0  }
0xf4: {  	s0 =	sshrl.u32 s3, $0x19;
	s3 =	simm.s32 $0x1;
	s4 =	sand.u32 $0x7F, s10  }
0xf5: {  	p6 =	slt.s32 s10, $0x1;
	s5 =	sshra.s32 s10, $0x1F;
	p0 =	por !p4, !p3  }
0xf6: {  	s0 =	sadd.s32 s0, s11;
	p5 =	sne.s32 s4, $0x0;
	p0 =	por !p0, !p0  }
0xf7: {  	s0 =	sshrl.u32 s0, $0x7;
	s3 =	simm.s32 @!p0 $0x0;
	p0 =	por !p6, !p5  }
0xf8: {  	s6 =	sshrl.u32 s5, $0x19;
	s0 =	ssub.s32 s0, s3;
	p0 =	por !p0, !p0  }
0xf9: {  	s3 =	simm.s32 $0x1;
	s24 =	sshll.u32 s0, $0x7;
	s0 =	sadd.s32 s6, s10  }
0xfa: {  	s3 =	simm.s32 @!p0 $0x0;
	s0 =	sshrl.u32 s0, $0x7;
	s7 =	sand.u32 $0x1FFFFF80, s24  }
0xfb: {  	s9 =	simm.s32 $0x8400;
	s0 =	ssub.s32 s0, s3;
	s8 =	sadd.s32 s1, s7  }
0xfc: {  	[tilespmem:s9], [sflag:$0x11] =	stream.strided.gather [hbm4b:s8+s12], $0x1000, s19, s12, $0x38;
	[tilespmem:$0x18600] =	vst v63  }
0xfd: {  	s23 =	sshll.u32 s0, $0x7  }
0xfe: {  	s0 =	sand.u32 $0x1FFFFF80, s23  }
0xff: {  	s15 =	simm.s32 $0x14400;
	s0 =	sadd.s32 s2, s0  }
0x100: {  	[tilespmem:s15], [sflag:$0x12] =	stream.strided.gather [hbm4b:s0+s12], $0x1000, s19, s12, $0x38;
	[tilespmem:$0x18600] =	vst v63  }
0x101: {  	v2 =	vld [tilespmem:$0x0];
	_ =	sdelay $0x1  }
0x102: {  	v3 =	vld [tilespmem:$0x200];
	_ =	sdelay $0x2  }
0x103: {  	v2 =	vsel vm9, $0x0, v2  }
0x104: {  	(xrf0) =	vadd.scan.msk.s32 $0xffff, v2  }
0x105: {  	v2 =	vsel vm9, $0x0, v3  }
0x106: {  	(xrf0) =	vadd.scan.msk.s32 $0xffff, v2;
	_ =	sdelay $0x3  }
0x107: {  	v2, _, _ =	vpop (xrf0)  }
0x108: {  	(v2sf) =	vpush v2, $0xF  }
0x109: {  	v2, _, _ =	vpop (xrf0)  }
0x10a: {  	(v2sf) =	vpush v2, $0xF;
	_ =	sdelay $0xc  }
0x10b: {  	s7 =	spop (v2sf)  }
0x10c: {  	s18 =	sand.u32 $0x7F, s7;
	p2 =	slt.s32 s7, $0x1  }
0x10d: {  	s3 =	sshra.s32 s7, $0x1F;
	s6 =	spop (v2sf);
	p1 =	sne.s32 s18, $0x0  }
0x10e: {  	s0 =	sshrl.u32 s3, $0x19;
	s3 =	simm.s32 $0x1;
	s4 =	sand.u32 $0x7F, s6  }
0x10f: {  	p4 =	slt.s32 s6, $0x1;
	s5 =	sshra.s32 s6, $0x1F;
	p0 =	por !p2, !p1  }
0x110: {  	s0 =	sadd.s32 s0, s7;
	p3 =	sne.s32 s4, $0x0;
	p0 =	por !p0, !p0  }
0x111: {  	s0 =	sshrl.u32 s0, $0x7;
	s3 =	simm.s32 @!p0 $0x0;
	p0 =	por !p4, !p3  }
0x112: {  	s8 =	sshrl.u32 s5, $0x19;
	s0 =	ssub.s32 s0, s3;
	p0 =	por !p0, !p0  }
0x113: {  	s3 =	simm.s32 $0x1;
	s18 =	sshll.u32 s0, $0x7;
	s0 =	sadd.s32 s8, s6  }
0x114: {  	s3 =	simm.s32 @!p0 $0x0;
	s0 =	sshrl.u32 s0, $0x7;
	s8 =	sand.u32 $0x1FFFFF80, s18  }
0x115: {  	s15 =	simm.s32 $0x9400;
	s0 =	ssub.s32 s0, s3;
	s9 =	sadd.s32 s1, s8  }
0x116: {  	[tilespmem:s15], [sflag:$0x13] =	stream.strided.gather [hbm4b:s9+s12], $0x1000, s19, s12, $0x38;
	[tilespmem:$0x18600] =	vst v63  }
0x117: {  	s15 =	sshll.u32 s0, $0x7  }
0x118: {  	s0 =	sand.u32 $0x1FFFFF80, s15  }
0x119: {  	s5 =	simm.s32 $0x15400;
	s0 =	sadd.s32 s2, s0  }
0x11a: {  	[tilespmem:s5], [sflag:$0x14] =	stream.strided.gather [hbm4b:s0+s12], $0x1000, s19, s12, $0x38;
	[tilespmem:$0x18600] =	vst v63  }
0x11b: {  	v2 =	vld [tilespmem:$0x0];
	_ =	sdelay $0x1  }
0x11c: {  	v3 =	vld [tilespmem:$0x200];
	_ =	sdelay $0x2  }
0x11d: {  	v2 =	vsel vm10, $0x0, v2  }
0x11e: {  	(xrf0) =	vadd.scan.msk.s32 $0xffff, v2  }
0x11f: {  	v2 =	vsel vm10, $0x0, v3  }
0x120: {  	(xrf0) =	vadd.scan.msk.s32 $0xffff, v2;
	_ =	sdelay $0x3  }
0x121: {  	v2, _, _ =	vpop (xrf0)  }
0x122: {  	(v2sf) =	vpush v2, $0xF  }
0x123: {  	v2, _, _ =	vpop (xrf0)  }
0x124: {  	(v2sf) =	vpush v2, $0xF;
	_ =	sdelay $0xc  }
0x125: {  	s5 =	spop (v2sf)  }
0x126: {  	s8 =	sand.u32 $0x7F, s5;
	p6 =	slt.s32 s5, $0x1  }
0x127: {  	s9 =	sshra.s32 s5, $0x1F;
	s4 =	spop (v2sf);
	p5 =	sne.s32 s8, $0x0  }
0x128: {  	s0 =	sshrl.u32 s9, $0x19;
	s8 =	simm.s32 $0x1;
	p2 =	slt.s32 s4, $0x1  }
0x129: {  	s3 =	sshra.s32 s4, $0x1F;
	p0 =	por !p6, !p5;
	s0 =	sadd.s32 s0, s5  }
0x12a: {  	p0 =	por !p0, !p0;
	s9 =	sshrl.u32 s0, $0x7;
	s0 =	sand.u32 $0x7F, s4  }
0x12b: {  	s8 =	simm.s32 @!p0 $0x0;
	p1 =	sne.s32 s0, $0x0;
	s0 =	sshrl.u32 s3, $0x19  }
0x12c: {  	s8 =	ssub.s32 s9, s8;
	p0 =	por !p2, !p1;
	s0 =	sadd.s32 s0, s4  }
0x12d: {  	s9 =	sshll.u32 s8, $0x7;
	p0 =	por !p0, !p0;
	s8 =	simm.s32 $0x1  }
0x12e: {  	s3 =	sshrl.u32 s0, $0x7;
	s8 =	simm.s32 @!p0 $0x0;
	s0 =	sand.u32 $0x1FFFFF80, s9  }
0x12f: {  	s3 =	ssub.s32 s3, s8;
	s0 =	sadd.s32 s1, s0;
	s8 =	simm.s32 $0xA400  }
0x130: {  	[tilespmem:s8], [sflag:$0x15] =	stream.strided.gather [hbm4b:s0+s12], $0x1000, s19, s12, $0x38;
	[tilespmem:$0x18600] =	vst v63  }
0x131: {  	s8 =	sshll.u32 s3, $0x7  }
0x132: {  	s3 =	sand.u32 $0x1FFFFF80, s8  }
0x133: {  	s0 =	sadd.s32 s2, s3;
	s3 =	simm.s32 $0x16400  }
0x134: {  	[tilespmem:s3], [sflag:$0x16] =	stream.strided.gather [hbm4b:s0+s12], $0x1000, s19, s12, $0x38;
	[tilespmem:$0x18600] =	vst v63  }
0x135: {  	s0 =	rddreg [dreg:$0xb]  }
0x136: {  	s3 =	rddreg [dreg:$0xd]  }
0x137: {  	s0 =	ssub.s32 s0, s3;
	s3 =	rddreg [dreg:$0xe]  }
0x138: {  	[smem:$0x0] =	sst s0  }
0x139: {  	s0 =	rddreg [dreg:$0xc]  }
0x13a: {  	s0 =	ssub.s32 s0, s3;
	s3 =	rddreg [dreg:$0x11]  }
0x13b: {  	[smem:$0x200] =	sst s0  }
0x13c: {  	s0 =	rddreg [dreg:$0xf]  }
0x13d: {  	s0 =	ssub.s32 s0, s3;
	s3 =	rddreg [dreg:$0x12]  }
0x13e: {  	[smem:$0x1] =	sst s0  }
0x13f: {  	s0 =	rddreg [dreg:$0x10]  }
0x140: {  	s0 =	ssub.s32 s0, s3;
	s3 =	rddreg [dreg:$0x15]  }
0x141: {  	v2 =	vld [tilespmem:$0x0];
	[smem:$0x201] =	sst s0  }
0x142: {  	s0 =	rddreg [dreg:$0x13]  }
0x143: {  	v3 =	vld [tilespmem:$0x200];
	s0 =	ssub.s32 s0, s3;
	s3 =	rddreg [dreg:$0x16]  }
0x144: {  	[smem:$0x2] =	sst s0  }
0x145: {  	s0 =	rddreg [dreg:$0x14]  }
0x146: {  	v2 =	vsel vm11, $0x0, v2;
	s0 =	ssub.s32 s0, s3;
	s3 =	rddreg [dreg:$0x17]  }
0x147: {  	(xrf0) =	vadd.scan.msk.s32 $0xffff, v2;
	[smem:$0x202] =	sst s0  }
0x148: {  	v2 =	vsel vm11, $0x0, v3;
	s0 =	ssub.s32 s31, s3;
	s3 =	rddreg [dreg:$0x18]  }
0x149: {  	(xrf0) =	vadd.scan.msk.s32 $0xffff, v2;
	[smem:$0x3] =	sst s0  }
0x14a: {  	s0 =	ssub.s32 s28, s3;
	s3 =	rddreg [dreg:$0x19]  }
0x14b: {  	s28 =	rddreg [dreg:$0x1a]  }
0x14c: {  	[smem:$0x203] =	sst s0  }
0x14d: {  	v2, _, _ =	vpop (xrf0);
	s0 =	ssub.s32 s26, s3;
	s3 =	rddreg [dreg:$0x1b]  }
0x14e: {  	(v2sf) =	vpush v2, $0xF;
	s26 =	rddreg [dreg:$0x1e]  }
0x14f: {  	v2, _, _ =	vpop (xrf0);
	[smem:$0x4] =	sst s0  }
0x150: {  	(v2sf) =	vpush v2, $0xF;
	s0 =	ssub.s32 s25, s28;
	s25 =	rddreg [dreg:$0x1d]  }
0x151: {  	s28 =	rddreg [dreg:$0x1f]  }
0x152: {  	[smem:$0x204] =	sst s0  }
0x153: {  	s0 =	ssub.s32 s22, s3;
	s22 =	rddreg [dreg:$0x1c]  }
0x154: {  	[smem:$0x5] =	sst s0;
	s0 =	ssub.s32 s21, s22  }
0x155: {  	s11 =	ssub.s32 s11, s24;
	[smem:$0x205] =	sst s0;
	s0 =	ssub.s32 s20, s25  }
0x156: {  	s5 =	ssub.s32 s5, s9;
	[smem:$0x6] =	sst s0;
	s0 =	ssub.s32 s17, s26  }
0x157: {  	s4 =	ssub.s32 s4, s8;
	[smem:$0x206] =	sst s0;
	s0 =	ssub.s32 s30, s28  }
0x158: {  	s31 =	simm.s32 $0x0;
	s3 =	ssub.s32 s14, s29;
	[smem:$0x7] =	sst s0  }
0x159: {  	s14 =	ssub.s32 s10, s23;
	s29 =	smul.u32 $0xAAAB, s31;
	[smem:$0x207] =	sst s3  }
0x15a: {  	s10 =	simm.s32 $0x1;
	s17 =	ssub.s32 s7, s18;
	[smem:$0x8] =	sst s11  }
0x15b: {  	s18 =	ssub.s32 s6, s15;
	s15 =	sshrl.u32 s29, $0x13;
	[smem:$0x208] =	sst s14  }
0x15c: {  	s7 =	simm.s32 $0x1;
	[smem:$0x9] =	sst s17;
	s17 =	smul.u32 $0xC, s15  }
0x15d: {  	s30 =	simm.s32 $0xB400;
	[smem:$0x209] =	sst s18;
	s20 =	spop (v2sf)  }
0x15e: {  	s18 =	simm.s32 $0x17400;
	s21 =	sand.u32 $0x7F, s20;
	s22 =	sshra.s32 s20, $0x1F  }
0x15f: {  	p3 =	slt.s32 s20, $0x1;
	s23 =	spop (v2sf);
	p4 =	sne.s32 s21, $0x0  }
0x160: {  	s6 =	sshrl.u32 s22, $0x19;
	s24 =	sand.u32 $0x7F, s23;
	s25 =	sshra.s32 s23, $0x1F  }
0x161: {  	p5 =	slt.s32 s23, $0x1;
	p0 =	por !p3, !p4;
	s6 =	sadd.s32 s6, s20  }
0x162: {  	p6 =	sne.s32 s24, $0x0;
	s26 =	sshrl.u32 s25, $0x19;
	p0 =	por !p0, !p0  }
0x163: {  	s6 =	sshrl.u32 s6, $0x7;
	s7 =	simm.s32 @!p0 $0x0;
	p0 =	por !p5, !p6  }
0x164: {  	s6 =	ssub.s32 s6, s7;
	s7 =	sadd.s32 s26, s23;
	p0 =	por !p0, !p0  }
0x165: {  	[smem:$0xA] =	sst s5;
	s7 =	sshrl.u32 s7, $0x7;
	s10 =	simm.s32 @!p0 $0x0  }
0x166: {  	[smem:$0x20A] =	sst s4;
	s6 =	sshll.u32 s6, $0x7;
	s7 =	ssub.s32 s7, s10  }
0x167: {  	s28 =	sand.u32 $0x1FFFFF80, s6;
	s3 =	ssub.s32 s20, s6;
	s20 =	ssub.s32 $0x0, s17  }
0x168: {  	s7 =	sshll.u32 s7, $0x7;
	s9 =	sadd.s32 s1, s28;
	[smem:$0xB] =	sst s3  }
0x169: {  	[tilespmem:s30], [sflag:$0x17] =	stream.strided.gather [hbm4b:s9+s12], $0x1000, s19, s12, $0x38;
	[tilespmem:$0x18600] =	vst v63  }
0x16a: {  	s4 =	sand.u32 $0xFFFF, s20;
	s14 =	sand.u32 $0x1FFFFF80, s7;
	s0 =	ssub.s32 s23, s7  }
0x16b: {  	s5 =	sadd.s32 s2, s14;
	[smem:$0x20B] =	sst s0;
	s0 =	sshllo.u32 s4, $0x1  }
0x16c: {  	[tilespmem:s18], [sflag:$0x18] =	stream.strided.gather [hbm4b:s5+s12], $0x1000, s19, s12, $0x38;
	[tilespmem:$0x18600] =	vst v63  }
0x16d: {  	_ =	swait.ge [sflag:s0], $0x1000  }
0x16e: {  	s21 =	sshll.u32 s4, $0x1;
	[sflag:s0] =	ssyncset.done $0x0  }
0x16f: {  	s3 =	sadd.s32 $0x2, s21;
	[sflag:s0] =	ssyncadd.s32 $0xFFFFF000  }
0x170: {  	_ =	swait.ge [sflag:s3], $0x1000  }
0x171: {  	[sflag:s3] =	ssyncset.done $0x0  }
0x172: {  	[sflag:s3] =	ssyncadd.s32 $0xFFFFF000  }
0x173: {  	s22 =	sld [smem:$0x0];
	_ =	sdelay $0x1  }
0x174: {  	s23 =	sld [smem:$0x200]  }
0x175: {  	s24 =	sshll.u32 s4, $0xC;
	v2 =	vmov s22  }
0x176: {  	v3 =	vor.u32 s24, v0;
	v4 =	vor.u32 s24, v1;
	v5 =	vand.u32 $0xFFFFFF80, v2  }
0x177: {  	v6 =	vmov s23;
	v2 =	vand.u32 $0x7F, v2;
	v7 =	vadd.s32 v4, v5  }
0x178: {  	v8 =	vand.u32 $0xFFFFFF80, v6;
	v5 =	vadd.s32 v3, v5;
	v7 =	vor.u32 v2, v7  }
0x179: {  	v56 =	vand.u32 $0x7F, v6;
	v2 =	vor.u32 v2, v5;
	v3 =	vadd.s32 v3, v8  }
0x17a: {  	v4 =	vadd.s32 v4, v8;
	v3 =	vor.u32 v56, v3  }
0x17b: {  	v4 =	vor.u32 v56, v4;
	_ =	sdelay $0x1  }
0x17c: {  	v57 =	vld.idx.msk [tilespmem:v7+s12+$0x0], $0xffff  }
0x17d: {  	v2 =	vld.idx.msk [tilespmem:v2+s12+$0x0], $0xffff  }
0x17e: {  	v3 =	vld.idx.msk [tilespmem:v3+s13+$0x0], $0xffff  }
0x17f: {  	v4 =	vld.idx.msk [tilespmem:v4+s13+$0x0], $0xffff;
	_ =	sdelay $0x4  }
0x180: {  	v2 =	vmul.f32 v3, v2;
	v3 =	vmul.f32 v4, v57;
	_ =	sdelay $0x1  }
0x181: {  	v2 =	vadd.f32 v3, v2;
	_ =	sdelay $0x1  }
0x182: {  	(xrf2) =	vadd.scan.msk.f32 $0xffff, v2;
	_ =	sdelay $0x4  }
0x183: {  	v2 =	vmov s31  }
0x184: {  	v2 =	vand.u32 $0xFFFFFFFE, v2  }
0x185: {  	v2 =	vbroadcast v2, $0x0;
	_ =	sdelay $0x2  }
0x186: {  	v3, _, _ =	vpop (xrf2)  }
0x187: {  	p0 =	por $0x0, $0x0;
	v3 =	vbroadcast v3, $0xF  }
0x188: {  	s5 =	simm.s32 @!p0 $0xC  }
0x189: {  	s6 =	sand.u32 @!p0 $0x3F0, s5;
	[tilespmem:v2+s16+$0x0] =	vst.idx.msk $0x1, v3  }
0x18a: {  	v2 =	vld @!p0 [tilespmem:s6+$0x0];
	_ =	sdelay $0x1  }
0x18b: {  	s5 =	sand.u32 @!p0 $0xE, s5;
	v3 =	vld @!p0 [tilespmem:s6+$0x200]  }
0x18c: {  	v5 =	vlaneseq.u32 @!p0;
	v4 =	vmov @!p0 s5  }
0x18d: {  	vm12 =	veq.s32 @!p0 v4, v5  }
0x18e: {  	v2 =	vnsel @!p0 vm12, $0x0, v2  }
0x18f: {  	(xrf0) =	vadd.scan.msk.s32 @!p0 $0xffff, v2  }
0x190: {  	v2 =	vnsel @!p0 vm12, $0x0, v3  }
0x191: {  	(xrf0) =	vadd.scan.msk.s32 @!p0 $0xffff, v2;
	_ =	sdelay $0x3  }
0x192: {  	v2, _, _ =	vpop @!p0 (xrf0)  }
0x193: {  	(v2sf) =	vpush @!p0 v2, $0xF  }
0x194: {  	v2, _, _ =	vpop @!p0 (xrf0)  }
0x195: {  	(v2sf) =	vpush @!p0 v2, $0xF;
	_ =	sdelay $0x6  }
0x196: {  	s18 =	simm.s32 $0x1  }
0x197: {  	s25 =	smul.u32 $0xAAAB, s18;
	_ =	sdelay $0x1  }
0x198: {  	s5 =	sshrl.u32 s25, $0x13  }
0x199: {  	s5 =	smul.u32 $0xC, s5  }
0x19a: {  	s4 =	sshll.u32 @!p0 s4, $0xC;
	s21 =	simm.s32 @!p0 $0x400  }
0x19b: {  	s25 =	simm.s32 @!p0 $0x7A1400;
	s5 =	ssub.s32 $0x1, s5;
	s7 =	spop @!p0 (v2sf)  }
0x19c: {  	s8 =	sshra.s32 @!p0 s7, $0x1F;
	p1 =	slt.s32 @!p0 s7, $0x1;
	s9 =	sand.u32 @!p0 $0x7F, s7  }
0x19d: {  	s8 =	sshrl.u32 @!p0 s8, $0x19;
	p2 =	sne.s32 @!p0 s9, $0x0;
	s9 =	spop @!p0 (v2sf)  }
0x19e: {  	s10 =	sshra.s32 @!p0 s9, $0x1F;
	p3 =	slt.s32 @!p0 s9, $0x1;
	s11 =	sand.u32 @!p0 $0x7F, s9  }
0x19f: {  	s8 =	sadd.s32 @!p0 s8, s7;
	p1 =	por @!p0 !p1, !p2;
	p2 =	sne.s32 @!p0 s11, $0x0  }
0x1a0: {  	p1 =	por @!p0 !p1, !p1;
	s10 =	sshrl.u32 @!p0 s10, $0x19;
	s8 =	sshrl.u32 @!p0 s8, $0x7  }
0x1a1: {  	s11 =	simm.s32 @!p0 $0x1;
	p2 =	por @!p0 !p3, !p2;
	p1 =	por !p1, p0  }
0x1a2: {  	s10 =	sadd.s32 @!p0 s10, s9;
	p2 =	por @!p0 !p2, !p2;
	s11 =	simm.s32 @p1 $0x0  }
0x1a3: {  	p1 =	por !p2, p0;
	s8 =	ssub.s32 @!p0 s8, s11;
	s11 =	simm.s32 @!p0 $0x1  }
0x1a4: {  	s6 =	sadd.s32 @!p0 $0xC400, s4;
	s10 =	sshrl.u32 @!p0 s10, $0x7;
	s11 =	simm.s32 @p1 $0x0  }
0x1a5: {  	s4 =	sor.u32 @!p0 $0x400, s4;
	s8 =	sshll.u32 @!p0 s8, $0x7;
	s10 =	ssub.s32 @!p0 s10, s11  }
0x1a6: {  	s7 =	ssub.s32 @!p0 s7, s8;
	s8 =	sand.u32 @!p0 $0x1FFFFF80, s8;
	s10 =	sshll.u32 @!p0 s10, $0x7  }
0x1a7: {  	[smem:$0xC] =	sst @!p0 s7;
	s7 =	sadd.s32 @!p0 s1, s8;
	s8 =	sand.u32 @!p0 $0x1FFFFF80, s10  }
0x1a8: {  	[tilespmem:s4], [sflag:s0] =	stream.strided.gather @!p0 [hbm4b:s7+s21], $0x1000, s25, s21, $0x38;
	[tilespmem:$0x18600] =	vst v63  }
0x1a9: {  	s5 =	sand.u32 $0xFFFF, s5;
	s0 =	ssub.s32 @!p0 s9, s10;
	s4 =	sadd.s32 @!p0 s2, s8  }
0x1aa: {  	[tilespmem:s6], [sflag:s3] =	stream.strided.gather @!p0 [hbm4b:s4+s21], $0x1000, s25, s21, $0x38;
	[tilespmem:$0x18600] =	vst v63  }
0x1ab: {  	[smem:$0x20C] =	sst @!p0 s0;
	s0 =	sshllo.u32 s5, $0x1  }
0x1ac: {  	_ =	swait.ge [sflag:s0], $0x1000  }
0x1ad: {  	s26 =	sshll.u32 s5, $0x1;
	[sflag:s0] =	ssyncset.done $0x0  }
0x1ae: {  	s3 =	sadd.s32 $0x2, s26;
	[sflag:s0] =	ssyncadd.s32 $0xFFFFF000  }
0x1af: {  	_ =	swait.ge [sflag:s3], $0x1000  }
0x1b0: {  	[sflag:s3] =	ssyncset.done $0x0  }
0x1b1: {  	[sflag:s3] =	ssyncadd.s32 $0xFFFFF000  }
0x1b2: {  	s28 =	sld [smem:$0x1];
	_ =	sdelay $0x1  }
0x1b3: {  	s29 =	sld [smem:$0x201]  }
0x1b4: {  	s30 =	sshll.u32 s5, $0xC;
	v2 =	vmov s28  }
0x1b5: {  	v58 =	vor.u32 s30, v1;
	v3 =	vor.u32 s30, v0;
	v59 =	vand.u32 $0xFFFFFF80, v2  }
0x1b6: {  	v60 =	vmov s29;
	v2 =	vand.u32 $0x7F, v2;
	v61 =	vadd.s32 v3, v59  }
0x1b7: {  	v6 =	vadd.s32 v58, v59;
	v9 =	vand.u32 $0xFFFFFF80, v60;
	v8 =	vor.u32 v2, v61  }
0x1b8: {  	v62 =	vand.u32 $0x7F, v60;
	v2 =	vor.u32 v2, v6;
	v3 =	vadd.s32 v3, v9  }
0x1b9: {  	v4 =	vadd.s32 v58, v9;
	v3 =	vor.u32 v62, v3  }
0x1ba: {  	v4 =	vor.u32 v62, v4;
	_ =	sdelay $0x1  }
0x1bb: {  	v63 =	vld.idx.msk [tilespmem:v8+s12+$0x0], $0xffff  }
0x1bc: {  	v2 =	vld.idx.msk [tilespmem:v2+s12+$0x0], $0xffff  }
0x1bd: {  	v3 =	vld.idx.msk [tilespmem:v3+s13+$0x0], $0xffff  }
0x1be: {  	v4 =	vld.idx.msk [tilespmem:v4+s13+$0x0], $0xffff;
	_ =	sdelay $0x4  }
0x1bf: {  	v3 =	vmul.f32 v3, v63;
	v2 =	vmul.f32 v4, v2;
	_ =	sdelay $0x1  }
0x1c0: {  	v2 =	vadd.f32 v2, v3;
	_ =	sdelay $0x1  }
0x1c1: {  	(xrf2) =	vadd.scan.msk.f32 $0xffff, v2;
	_ =	sdelay $0x7  }
0x1c2: {  	v2 =	vmov s18;
	_ =	sdelay $0x1  }
0x1c3: {  	v3, _, _ =	vpop (xrf2)  }
0x1c4: {  	v3 =	vbroadcast v3, $0xF  }
0x1c5: {  	s4 =	simm.s32 @!p0 $0xD  }
0x1c6: {  	s6 =	sand.u32 @!p0 $0x3F0, s4;
	[tilespmem:v2+s16+$0x0] =	vst.idx.msk $0x1, v3  }
0x1c7: {  	v2 =	vld @!p0 [tilespmem:s6+$0x0]  }
0x1c8: {  	v3 =	vld @!p0 [tilespmem:s6+$0x200]  }
0x1c9: {  	s4 =	sand.u32 @!p0 $0xF, s4  }
0x1ca: {  	v4 =	vmov @!p0 s4  }
0x1cb: {  	vm12 =	veq.s32 @!p0 v4, v5  }
0x1cc: {  	v2 =	vnsel @!p0 vm12, $0x0, v2  }
0x1cd: {  	v3 =	vnsel @!p0 vm12, $0x0, v3;
	(xrf0) =	vadd.scan.msk.s32 @!p0 $0xffff, v2  }
0x1ce: {  	(xrf0) =	vadd.scan.msk.s32 @!p0 $0xffff, v3;
	_ =	sdelay $0x4  }
0x1cf: {  	v2, _, _ =	vpop @!p0 (xrf0)  }
0x1d0: {  	(v2sf) =	vpush @!p0 v2, $0xF;
	v2, _, _ =	vpop @!p0 (xrf0)  }
0x1d1: {  	(v2sf) =	vpush @!p0 v2, $0xF;
	_ =	sdelay $0x6  }
0x1d2: {  	s20 =	simm.s32 $0xD;
	s24 =	simm.s32 $0x0;
	s19 =	simm.s32 $0x20D  }
0x1d3: {  	s22 =	simm.s32 $0xD;
	s23 =	simm.s32 $0x20F;
	s6 =	sshll.u32 @!p0 s5, $0xC  }
0x1d4: {  	s5 =	simm.s32 @!p0 $0x1;
	s4 =	sadd.s32 @!p0 $0xC400, s6;
	s6 =	sor.u32 @!p0 $0x400, s6  }
.LBB2_2:
0x1d5: {  	s24 =	sadd.s32 $0x2, s24  }
0x1d6: {  	s22 =	sadd.s32 $0x2, s22;
	s7 =	smov.u32 s18;
	s18 =	sadd.s32 $0x1, s18  }
0x1d7: {  	p1 =	sne.s32 s18, $0x100;
	_ =	sdelay $0x1  }
0x1d8: {  	s15 =	smov.u32 s5;
	s9 =	spop @!p0 (v2sf)  }
0x1d9: {  	p2 =	slt.s32 @!p0 s9, $0x1;
	s8 =	sand.u32 @!p0 $0x7F, s9;
	s10 =	spop @!p0 (v2sf)  }
0x1da: {  	p3 =	sne.s32 @!p0 s8, $0x0;
	p4 =	slt.s32 @!p0 s10, $0x1;
	s8 =	sand.u32 @!p0 $0x7F, s10  }
0x1db: {  	s11 =	sshra.s32 @!p0 s9, $0x1F;
	p2 =	por @!p0 !p2, !p3;
	p3 =	sne.s32 @!p0 s8, $0x0  }
0x1dc: {  	s8 =	smul.u32 $0xAAAB, s24;
	p2 =	por @!p0 !p2, !p2;
	p3 =	por @!p0 !p4, !p3  }
0x1dd: {  	s14 =	sshra.s32 @!p0 s10, $0x1F;
	p2 =	por !p2, p0;
	p3 =	por @!p0 !p3, !p3  }
0x1de: {  	s8 =	sshrl.u32 s8, $0x13;
	s15 =	simm.s32 @p2 $0x0;
	p2 =	por !p3, p0  }
0x1df: {  	s14 =	sshrl.u32 @!p0 s14, $0x19;
	s8 =	smul.u32 $0xC, s8;
	s5 =	simm.s32 @p2 $0x0  }
0x1e0: {  	s11 =	sshrl.u32 @!p0 s11, $0x19;
	s14 =	sadd.s32 @!p0 s14, s10  }
0x1e1: {  	s11 =	sadd.s32 @!p0 s11, s9;
	s14 =	sshrl.u32 @!p0 s14, $0x7;
	s8 =	ssub.s32 s24, s8  }
0x1e2: {  	s11 =	sshrl.u32 @!p0 s11, $0x7;
	s5 =	ssub.s32 @!p0 s14, s5;
	s8 =	sand.u32 $0xFFFF, s8  }
0x1e3: {  	s11 =	ssub.s32 @!p0 s11, s15;
	s5 =	sshll.u32 @!p0 s5, $0x7  }
0x1e4: {  	s11 =	sshll.u32 @!p0 s11, $0x7;
	s10 =	ssub.s32 @!p0 s10, s5;
	s5 =	sand.u32 @!p0 $0x1FFFFF80, s5  }
0x1e5: {  	s9 =	ssub.s32 @!p0 s9, s11;
	s11 =	sand.u32 @!p0 $0x1FFFFF80, s11;
	s5 =	sadd.s32 @!p0 s2, s5  }
0x1e6: {  	[smem:s20] =	sst @!p0 s9;
	s9 =	sadd.s32 @!p0 s1, s11;
	s20 =	smov.u32 s22  }
0x1e7: {  	[tilespmem:s6], [sflag:s0] =	stream.strided.gather @!p0 [hbm4b:s9+s21], $0x1000, s25, s21, $0x38;
	[tilespmem:$0x18600] =	vst v63  }
0x1e8: {  	[smem:s19] =	sst @!p0 s10;
	s19 =	smov.u32 s23  }
0x1e9: {  	s6 =	sshll.u32 s8, $0x1;
	s0 =	sshllo.u32 s8, $0x1  }
0x1ea: {  	[tilespmem:s4], [sflag:s3] =	stream.strided.gather @!p0 [hbm4b:s5+s21], $0x1000, s25, s21, $0x38;
	[tilespmem:$0x18600] =	vst v63  }
0x1eb: {  	_ =	swait.ge [sflag:s0], $0x1000  }
0x1ec: {  	[sflag:s0] =	ssyncset.done $0x0  }
0x1ed: {  	s3 =	sadd.s32 $0x2, s6;
	s4 =	sshll.u32 s8, $0xC;
	[sflag:s0] =	ssyncadd.s32 $0xFFFFF000  }
0x1ee: {  	v2 =	vor.u32 s4, v0;
	v3 =	vor.u32 s4, v1;
	_ =	swait.ge [sflag:s3], $0x1000  }
0x1ef: {  	[sflag:s3] =	ssyncset.done $0x0  }
0x1f0: {  	[sflag:s3] =	ssyncadd.s32 $0xFFFFF000  }
0x1f1: {  	s4 =	sld [smem:s22+$0xFFFFFFF3]  }
0x1f2: {  	s5 =	sld [smem:s23+$0xFFFFFFF3];
	_ =	sdelay $0x1  }
0x1f3: {  	v4 =	vmov s4  }
0x1f4: {  	v5 =	vmov s5;
	v6 =	vand.u32 $0xFFFFFF80, v4  }
0x1f5: {  	v4 =	vand.u32 $0x7F, v4;
	v7 =	vadd.s32 v3, v6;
	v8 =	vand.u32 $0xFFFFFF80, v5  }
0x1f6: {  	v6 =	vadd.s32 v2, v6;
	v7 =	vor.u32 v4, v7;
	v3 =	vadd.s32 v3, v8  }
0x1f7: {  	v5 =	vand.u32 $0x7F, v5;
	v4 =	vor.u32 v4, v6;
	v2 =	vadd.s32 v2, v8  }
0x1f8: {  	v2 =	vor.u32 v5, v2;
	v3 =	vor.u32 v5, v3;
	_ =	sdelay $0x2  }
0x1f9: {  	v5 =	vld.idx.msk [tilespmem:v7+s12+$0x0], $0xffff  }
0x1fa: {  	v4 =	vld.idx.msk [tilespmem:v4+s12+$0x0], $0xffff  }
0x1fb: {  	v2 =	vld.idx.msk [tilespmem:v2+s13+$0x0], $0xffff;
	_ =	sdelay $0x1  }
0x1fc: {  	v3 =	vld.idx.msk [tilespmem:v3+s13+$0x0], $0xffff;
	_ =	sdelay $0x5  }
0x1fd: {  	v2 =	vmul.f32 v2, v4;
	v3 =	vmul.f32 v3, v5;
	_ =	sdelay $0x1  }
0x1fe: {  	v2 =	vadd.f32 v3, v2;
	_ =	sdelay $0x1  }
0x1ff: {  	v3 =	vmov s24;
	(xrf2) =	vadd.scan.msk.f32 $0xffff, v2  }
0x200: {  	v2 =	vand.u32 $0xFFFFFFFE, v3  }
0x201: {  	v2 =	vbroadcast v2, $0x0;
	_ =	sdelay $0x3  }
0x202: {  	p0 =	sgt.u32 s7, $0xF9  }
0x203: {  	s7 =	sadd.s32 @!p0 $0xD, s24;
	s4 =	sadd.s32 @!p0 $0xC, s24;
	s5 =	sshll.u32 @!p0 s8, $0xC  }
0x204: {  	s10 =	sand.u32 @!p0 $0xF, s7;
	s8 =	sand.u32 @!p0 $0x3F0, s4;
	s9 =	sand.u32 @!p0 $0xE, s4  }
0x205: {  	s4 =	sadd.s32 @!p0 $0xC400, s5;
	s6 =	sor.u32 @!p0 $0x400, s5;
	v4 =	vmov @!p0 s10;
	v3 =	vmov @!p0 s9  }
0x206: {  	v5, _, _ =	vpop (xrf2)  }
0x207: {  	v5 =	vbroadcast v5, $0xF  }
0x208: {  	v6 =	vlaneseq.u32 @!p0  }
0x209: {  	vm12 =	veq.s32 @!p0 v4, v6;
	vm13 =	veq.s32 @!p0 v3, v6;
	[tilespmem:v2+s16+$0x0] =	vst.idx.msk $0x1, v5  }
0x20a: {  	v2 =	vld @!p0 [tilespmem:s8+$0x0];
	_ =	sdelay $0x1  }
0x20b: {  	v3 =	vld @!p0 [tilespmem:s8+$0x200];
	_ =	sdelay $0x2  }
0x20c: {  	v2 =	vnsel @!p0 vm13, $0x0, v2  }
0x20d: {  	(xrf0) =	vadd.scan.msk.s32 @!p0 $0xffff, v2  }
0x20e: {  	v2 =	vnsel @!p0 vm13, $0x0, v3  }
0x20f: {  	(xrf0) =	vadd.scan.msk.s32 @!p0 $0xffff, v2;
	_ =	sdelay $0x3  }
0x210: {  	v2, _, _ =	vpop @!p0 (xrf0)  }
0x211: {  	(v2sf) =	vpush @!p0 v2, $0xF  }
0x212: {  	v2, _, _ =	vpop @!p0 (xrf0)  }
0x213: {  	(v2sf) =	vpush @!p0 v2, $0xF;
	_ =	sdelay $0x6  }
0x214: {  	s21 =	simm.s32 @!p0 $0x400;
	s25 =	simm.s32 @!p0 $0x7A1400  }
0x215: {  	s5 =	simm.s32 @!p0 $0x1;
	s8 =	sadd.s32 $0x1, s24  }
0x216: {  	s9 =	smul.u32 $0xAAAB, s8;
	_ =	sdelay $0x1  }
0x217: {  	s9 =	sshrl.u32 s9, $0x13  }
0x218: {  	s9 =	smul.u32 $0xC, s9  }
0x219: {  	s10 =	spop @!p0 (v2sf)  }
0x21a: {  	s11 =	sshra.s32 @!p0 s10, $0x1F;
	p2 =	slt.s32 @!p0 s10, $0x1;
	s14 =	sand.u32 @!p0 $0x7F, s10  }
0x21b: {  	s11 =	sshrl.u32 @!p0 s11, $0x19;
	p3 =	sne.s32 @!p0 s14, $0x0;
	s14 =	spop @!p0 (v2sf)  }
0x21c: {  	s15 =	sshra.s32 @!p0 s14, $0x1F;
	p4 =	slt.s32 @!p0 s14, $0x1;
	s17 =	sand.u32 @!p0 $0x7F, s14  }
0x21d: {  	s11 =	sadd.s32 @!p0 s11, s10;
	p2 =	por @!p0 !p2, !p3;
	p3 =	sne.s32 @!p0 s17, $0x0  }
0x21e: {  	p2 =	por @!p0 !p2, !p2;
	s15 =	sshrl.u32 @!p0 s15, $0x19;
	s11 =	sshrl.u32 @!p0 s11, $0x7  }
0x21f: {  	s17 =	simm.s32 @!p0 $0x1;
	p3 =	por @!p0 !p4, !p3;
	p2 =	por !p2, p0  }
0x220: {  	s15 =	sadd.s32 @!p0 s15, s14;
	p3 =	por @!p0 !p3, !p3;
	s17 =	simm.s32 @p2 $0x0  }
0x221: {  	p2 =	por !p3, p0;
	s11 =	ssub.s32 @!p0 s11, s17;
	s17 =	simm.s32 @!p0 $0x1  }
0x222: {  	s15 =	sshrl.u32 @!p0 s15, $0x7;
	s17 =	simm.s32 @p2 $0x0  }
0x223: {  	s9 =	ssub.s32 s8, s9;
	s11 =	sshll.u32 @!p0 s11, $0x7;
	s15 =	ssub.s32 @!p0 s15, s17  }
0x224: {  	s10 =	ssub.s32 @!p0 s10, s11;
	s11 =	sand.u32 @!p0 $0x1FFFFF80, s11;
	s15 =	sshll.u32 @!p0 s15, $0x7  }
0x225: {  	[smem:s22+$0xFFFFFFFF] =	sst @!p0 s10;
	s10 =	sadd.s32 @!p0 s1, s11;
	s11 =	sand.u32 @!p0 $0x1FFFFF80, s15  }
0x226: {  	[tilespmem:s6], [sflag:s0] =	stream.strided.gather @!p0 [hbm4b:s10+s21], $0x1000, s25, s21, $0x38;
	[tilespmem:$0x18600] =	vst v63  }
0x227: {  	s9 =	sand.u32 $0xFFFF, s9;
	s0 =	ssub.s32 @!p0 s14, s15;
	s6 =	sadd.s32 @!p0 s2, s11  }
0x228: {  	[tilespmem:s4], [sflag:s3] =	stream.strided.gather @!p0 [hbm4b:s6+s21], $0x1000, s25, s21, $0x38;
	[tilespmem:$0x18600] =	vst v63  }
0x229: {  	s3 =	sshll.u32 s9, $0x1;
	[smem:s23+$0xFFFFFFFF] =	sst @!p0 s0;
	s0 =	sshllo.u32 s9, $0x1  }
0x22a: {  	s10 =	sshll.u32 s9, $0xC;
	s6 =	sshll.u32 @!p0 s9, $0xC;
	_ =	swait.ge [sflag:s0], $0x1000  }
0x22b: {  	s4 =	sadd.s32 @!p0 $0xC400, s6;
	s6 =	sor.u32 @!p0 $0x400, s6;
	[sflag:s0] =	ssyncset.done $0x0  }
0x22c: {  	s3 =	sadd.s32 $0x2, s3;
	[sflag:s0] =	ssyncadd.s32 $0xFFFFF000  }
0x22d: {  	_ =	swait.ge [sflag:s3], $0x1000  }
0x22e: {  	[sflag:s3] =	ssyncset.done $0x0  }
0x22f: {  	[sflag:s3] =	ssyncadd.s32 $0xFFFFF000  }
0x230: {  	s9 =	sld [smem:s22+$0xFFFFFFF4]  }
0x231: {  	s11 =	sld [smem:s23+$0xFFFFFFF4];
	_ =	sdelay $0x1  }
0x232: {  	v3 =	vor.u32 s10, v0;
	v4 =	vor.u32 s10, v1;
	v2 =	vmov s9  }
0x233: {  	v5 =	vmov s11;
	v6 =	vand.u32 $0xFFFFFF80, v2;
	v2 =	vand.u32 $0x7F, v2  }
0x234: {  	v7 =	vadd.s32 v3, v6;
	v6 =	vadd.s32 v4, v6;
	v8 =	vand.u32 $0xFFFFFF80, v5  }
0x235: {  	v7 =	vor.u32 v2, v7;
	v3 =	vadd.s32 v3, v8;
	v4 =	vadd.s32 v4, v8  }
0x236: {  	v5 =	vand.u32 $0x7F, v5;
	v2 =	vor.u32 v2, v6  }
0x237: {  	v3 =	vor.u32 v5, v3;
	v4 =	vor.u32 v5, v4;
	_ =	sdelay $0x2  }
0x238: {  	v5 =	vld.idx.msk [tilespmem:v7+s12+$0x0], $0xffff  }
0x239: {  	v2 =	vld.idx.msk [tilespmem:v2+s12+$0x0], $0xffff  }
0x23a: {  	v3 =	vld.idx.msk [tilespmem:v3+s13+$0x0], $0xffff  }
0x23b: {  	v4 =	vld.idx.msk [tilespmem:v4+s13+$0x0], $0xffff;
	_ =	sdelay $0x4  }
0x23c: {  	v3 =	vmul.f32 v3, v5  }
0x23d: {  	v2 =	vmul.f32 v4, v2;
	_ =	sdelay $0x1  }
0x23e: {  	v2 =	vadd.f32 v2, v3;
	_ =	sdelay $0x1  }
0x23f: {  	(xrf2) =	vadd.scan.msk.f32 $0xffff, v2;
	_ =	sdelay $0x7  }
0x240: {  	v2 =	vmov s8;
	_ =	sdelay $0x1  }
0x241: {  	s7 =	sand.u32 @!p0 $0x3F0, s7;
	v3, _, _ =	vpop (xrf2)  }
0x242: {  	v3 =	vbroadcast v3, $0xF;
	_ =	sdelay $0x1  }
0x243: {  	[tilespmem:v2+s16+$0x0] =	vst.idx.msk $0x1, v3  }
0x244: {  	v2 =	vld @!p0 [tilespmem:s7+$0x0]  }
0x245: {  	v3 =	vld @!p0 [tilespmem:s7+$0x200];
	_ =	sdelay $0x3  }
0x246: {  	v2 =	vnsel @!p0 vm12, $0x0, v2  }
0x247: {  	v3 =	vnsel @!p0 vm12, $0x0, v3;
	(xrf0) =	vadd.scan.msk.s32 @!p0 $0xffff, v2  }
0x248: {  	(xrf0) =	vadd.scan.msk.s32 @!p0 $0xffff, v3;
	_ =	sdelay $0x4  }
0x249: {  	v2, _, _ =	vpop @!p0 (xrf0)  }
0x24a: {  	(v2sf) =	vpush @!p0 v2, $0xF;
	v2, _, _ =	vpop @!p0 (xrf0)  }
0x24b: {  	(v2sf) =	vpush @!p0 v2, $0xF;
	_ =	sdelay $0x5  }
.Ltmp0:
0x24c: {  	(pc) =	sbr.rel @p1 .LBB2_2-.Ltmp0, $2  }
0x24d: {  	_ =	sdelay $0x2  }
0x24e: {  	s23 =	sadd.s32 $0x2, s23  }
0x24f: {  	_ =	sdelay $0x2  }
0x250: {  	s11 =	simm.s32 @!p0 $0x1;
	s7 =	spop @!p0 (v2sf)  }
0x251: {  	s8 =	sand.u32 @!p0 $0x7F, s7;
	p1 =	slt.s32 @!p0 s7, $0x1;
	s9 =	spop @!p0 (v2sf)  }
0x252: {  	s10 =	sshra.s32 @!p0 s7, $0x1F;
	p2 =	sne.s32 @!p0 s8, $0x0;
	p3 =	slt.s32 @!p0 s9, $0x1  }
0x253: {  	s8 =	sand.u32 @!p0 $0x7F, s9;
	s10 =	sshrl.u32 @!p0 s10, $0x19;
	p1 =	por @!p0 !p1, !p2  }
0x254: {  	p2 =	sne.s32 @!p0 s8, $0x0;
	s8 =	sshra.s32 @!p0 s9, $0x1F;
	s10 =	sadd.s32 @!p0 s10, s7  }
0x255: {  	p1 =	por @!p0 !p1, !p1;
	p2 =	por @!p0 !p3, !p2;
	s8 =	sshrl.u32 @!p0 s8, $0x19  }
0x256: {  	s10 =	sshrl.u32 @!p0 s10, $0x7;
	p1 =	por !p1, p0;
	p2 =	por @!p0 !p2, !p2  }
0x257: {  	s8 =	sadd.s32 @!p0 s8, s9;
	s11 =	simm.s32 @p1 $0x0;
	p1 =	por !p2, p0  }
0x258: {  	s8 =	sshrl.u32 @!p0 s8, $0x7;
	s5 =	simm.s32 @p1 $0x0;
	s10 =	ssub.s32 @!p0 s10, s11  }
0x259: {  	s5 =	ssub.s32 @!p0 s8, s5;
	s8 =	sshll.u32 @!p0 s10, $0x7  }
0x25a: {  	s28 =	rddreg [dreg:$0x8];
	s5 =	sshll.u32 @!p0 s5, $0x7;
	s10 =	sand.u32 @!p0 $0x1FFFFF80, s8  }
0x25b: {  	s7 =	ssub.s32 @!p0 s7, s8;
	s11 =	sand.u32 @!p0 $0x1FFFFF80, s5;
	s8 =	sadd.s32 @!p0 s1, s10  }
0x25c: {  	[tilespmem:s6], [sflag:s0] =	stream.strided.gather @!p0 [hbm4b:s8+s21], $0x1000, s25, s21, $0x38;
	[tilespmem:$0x18600] =	vst v63  }
0x25d: {  	[smem:s20] =	sst @!p0 s7;
	s0 =	ssub.s32 @!p0 s9, s5;
	s5 =	sadd.s32 @!p0 s2, s11  }
0x25e: {  	[tilespmem:s4], [sflag:s3] =	stream.strided.gather @!p0 [hbm4b:s5+s21], $0x1000, s25, s21, $0x38;
	[tilespmem:$0x18600] =	vst v63  }
0x25f: {  	[smem:s19] =	sst @!p0 s0;
	s3 =	simm.s32 $0x19  }
0x260: {  	[hbm4b:s28+s31] =	stream.linear.scatter [tilespmem:s16], [sflag:$0x19], $0x200, $0x38;
	[tilespmem:$0x18600] =	vst v63  }
0x261: {  	_ =	swait.ge [sflag:s3], $0x200  }
0x262: {  	s29 =	rddreg [dreg:$0xa]  }
0x263: {  	s30 =	rddreg [dreg:$0x9];
	s4 =	sadd.s32 $0x1, s29  }
0x264: {  	p0 =	sne.s32 s4, s30  }
.Ltmp1:
0x265: {  	_ = 	snop;
	(pc) =	sbr.rel @p0 .LBB2_1-.Ltmp1, $3  }
0x266: {  	_ =	sdelay $0x1  }
0x267: {  	[sflag:s3] =	ssyncset.done $0x0  }
0x268: {  	[sflag:s3] =	ssyncadd.s32 $0xFFFFFE00  }
0x269: {  	_ =	sfence.sel $0x180000  }
0x26a: {  	[bflag:$0x0] =	sbarrier.arrive $0xFFFF  }
0x26b: {  	_ =	strace $0x90000047  }
0x26c: {  	s0 =	stileid.u32;
	[bflag:$0x2] =	sbarrier.arrive $0xFFFF  }
0x26d: {  	p0 =	sne.s32 s0, $0x0;
	s0 =	rddreg [dreg:$0x5]  }
0x26e: {  	s0 =	sadd.s32 @!p0 $0x100000, s0  }
0x26f: {  	[sflag:s0] =	ssyncadd.tile.s32 @!p0 $0x1;
	_ =	shalt  }
.Lfunc_end2:
_tile_overlayer_lowered:
.L_overlay_start_2:
0x270: {  	(tag) =	ssettag $0x2  }
0x271: {  	s0 =	rddreg [dreg:$0x0];
	s2 =	stileid.u32  }
0x272: {  	s1 =	rddreg [dreg:$0x1];
	p0 =	sne.s32 s2, $0x0  }
0x273: {  	s3 =	rddreg [dreg:$0x2];
	[bflag:$0x3] =	sbarrier.arrive $0xFFFF;
	s2 =	simm.s32 @!p0 $0x1C19  }
0x274: {  	[timem:s3], [sflag:s2] =	dma.local @!p0 [hbm:s0], s1  }
0x275: {  	s0 =	simm.s32 @!p0 $0x19  }
0x276: {  	_ =	swait.ge @!p0 [sflag:s0], s1  }
0x277: {  	s1 =	ssub.s32 @!p0 $0x0, s1;
	[sflag:s0] =	ssyncset.done @!p0 $0x0  }
0x278: {  	[sflag:s0] =	ssyncadd.s32 @!p0 s1  }
0x279: {  	[bflag:$0x3] =	sbarrier.arrive $0xFFFF  }
0x27a: {  	_ =	shalt  }

</sc_bundles>
